<compile_context>
chip_gen: v7x
topology: tpu7x:2x2x1
jax: 0.10.2.dev20260603
libtpu: 0.0.44.dev20260713+nightly
codegen_flags: <defaults>
</compile_context>

<pallas_src>
import jax
import jax.numpy as jnp
from jax import lax
from jax.experimental import pallas as pl
from jax.experimental.pallas import tpu as pltpu
from jax.experimental.pallas import tpu_sc as plsc

VOCAB = 1000000
HIDDEN = 64
B = 4096
L = 200

NC = 2
NS = 16
NW = NC * NS
LANES = 16
NCOL = HIDDEN // LANES

BT = B * L
B_PER_W = BT // NW
CH = 256
SUB = 128
NSUB = CH // SUB
N_CHUNKS = B_PER_W // CH
TOKROWS = B_PER_W // SUB
SCALE = 8.0

_DNUM = lax.GatherDimensionNumbers(
    offset_dims=(), collapsed_slice_dims=(0,), start_index_map=(0,))


def _bcast(vec, j):
    return lax.gather(vec, jnp.full((LANES, 1), j, jnp.int32),
                      dimension_numbers=_DNUM, slice_sizes=(1,),
                      mode=lax.GatherScatterMode.PROMISE_IN_BOUNDS)


TWB = 16384
NTBLK = -(-VOCAB // (2 * TWB))
VROWS = NTBLK * TWB
VOCAB2 = 2 * VROWS


def _tt_body(in_ref, out_ref):
    x = in_ref[...]
    out_ref[...] = jnp.concatenate([x[:, :TWB].T, x[:, TWB:].T], axis=1)


def _transpose_table(table_t):
    return pl.pallas_call(
        _tt_body,
        grid=(NTBLK,),
        in_specs=[pl.BlockSpec((HIDDEN, 2 * TWB), lambda i: (0, i))],
        out_specs=pl.BlockSpec((TWB, 2 * HIDDEN), lambda i: (i, 0)),
        out_shape=jax.ShapeDtypeStruct((VROWS, 2 * HIDDEN), jnp.float32),
        compiler_params=pltpu.CompilerParams(
            vmem_limit_bytes=100 * 1024 * 1024),
    )(table_t)


BC = 256


def _ot_body(in_ref, out_ref):
    x = in_ref[...].reshape(BC, L // 2, 2 * HIDDEN)
    for lp in range(L // 2):
        st = x[:, lp, :].T
        out_ref[2 * lp] = st[:HIDDEN]
        out_ref[2 * lp + 1] = st[HIDDEN:]


def _transpose_out(out2):
    return pl.pallas_call(
        _ot_body,
        grid=(B // BC,),
        in_specs=[pl.BlockSpec((BC * L // 2, 2 * HIDDEN), lambda i: (i, 0))],
        out_specs=pl.BlockSpec((L, HIDDEN, BC), lambda i: (0, 0, i)),
        out_shape=jax.ShapeDtypeStruct((L, HIDDEN, B), jnp.float32),
        compiler_params=pltpu.CompilerParams(
            vmem_limit_bytes=100 * 1024 * 1024),
    )(out2)


def _body(tok_hbm, val_hbm, table_hbm, w_hbm, out_hbm,
          idx_all, val_all, rows_a, rows_b, out_a, out_b, w_v,
          semg_a, semg_b, semo_a, semo_b):
    wid = lax.axis_index("s") * NC + lax.axis_index("c")
    base_w = wid * B_PER_W

    pltpu.sync_copy(w_hbm, w_v)
    w8 = [w_v[pl.ds(c * LANES, LANES)] * SCALE for c in range(NCOL)]
    pltpu.sync_copy(tok_hbm.at[pl.ds(wid * TOKROWS, TOKROWS)], idx_all)
    pltpu.sync_copy(val_hbm.at[pl.ds(base_w, B_PER_W)], val_all)

    def remap_body(tr, carry):
        for q in range(SUB // LANES):
            t = idx_all[tr, pl.ds(q * LANES, LANES)]
            hi = lax.shift_left(lax.shift_right_logical(t, 15), 15)
            lo = lax.shift_left(lax.bitwise_and(t, TWB - 1), 1)
            s = lax.bitwise_and(lax.shift_right_logical(t, 14), 1)
            idx_all[tr, pl.ds(q * LANES, LANES)] = hi + lo + s
        return carry

    lax.fori_loop(0, TOKROWS, remap_body, 0)

    def fire_gather(ci, rows_x, semg_x):
        for k in range(NSUB):
            pltpu.async_copy(table_hbm.at[idx_all.at[ci * NSUB + k]],
                             rows_x.at[pl.ds(k * SUB, SUB)], semg_x)

    fire_gather(0, rows_a, semg_a)
    fire_gather(1, rows_b, semg_b)

    def slot_step(k, ci, rows_x, out_x, semg_x, semo_x):
        pltpu.make_async_copy(table_hbm.at[pl.ds(0, CH)], rows_x,
                              semg_x).wait()

        @pl.when(k > 0)
        def _():
            pltpu.make_async_copy(out_hbm.at[pl.ds(0, CH // 2)], out_x,
                                  semo_x).wait()

        def group_body(g, c2):
            vv = val_all[pl.ds(ci * CH + g * LANES, LANES)]
            for j in range(LANES):
                vb = _bcast(vv, j)
                r = g * LANES + j
                pr = g * 8 + j // 2
                pc = (j % 2) * HIDDEN
                for c in range(NCOL):
                    x = rows_x[r, pl.ds(c * LANES, LANES)]
                    out_x[pr, pl.ds(pc + c * LANES, LANES)] = (
                        x * SCALE + vb * w8[c])
            return c2

        lax.fori_loop(0, CH // LANES, group_body, 0)
        pltpu.async_copy(out_x, out_hbm.at[pl.ds((base_w + ci * CH) // 2,
                                                 CH // 2)], semo_x)

        @pl.when(ci + 2 < N_CHUNKS)
        def _():
            fire_gather(ci + 2, rows_x, semg_x)

    def pair_body(k, carry):
        slot_step(k, 2 * k, rows_a, out_a, semg_a, semo_a)
        slot_step(k, 2 * k + 1, rows_b, out_b, semg_b, semo_b)
        return carry

    lax.fori_loop(0, N_CHUNKS // 2, pair_body, 0)

    pltpu.make_async_copy(out_hbm.at[pl.ds(0, CH // 2)], out_a, semo_a).wait()
    pltpu.make_async_copy(out_hbm.at[pl.ds(0, CH // 2)], out_b, semo_b).wait()


@jax.jit
def _embed(tokens2d, values_flat, table_lin, w_flat):
    run = pl.kernel(
        _body,
        out_type=jax.ShapeDtypeStruct((BT // 2, 2 * HIDDEN), jnp.float32),
        mesh=plsc.VectorSubcoreMesh(core_axis_name="c", subcore_axis_name="s"),
        scratch_types=[
            pltpu.VMEM((TOKROWS, SUB), jnp.int32),
            pltpu.VMEM((B_PER_W,), jnp.float32),
            pltpu.VMEM((CH, HIDDEN), jnp.float32),
            pltpu.VMEM((CH, HIDDEN), jnp.float32),
            pltpu.VMEM((CH // 2, 2 * HIDDEN), jnp.float32),
            pltpu.VMEM((CH // 2, 2 * HIDDEN), jnp.float32),
            pltpu.VMEM((HIDDEN,), jnp.float32),
            pltpu.SemaphoreType.DMA, pltpu.SemaphoreType.DMA,
            pltpu.SemaphoreType.DMA, pltpu.SemaphoreType.DMA,
        ],
        compiler_params=pltpu.CompilerParams(use_tc_tiling_on_sc=False,
                                             needs_layout_passes=False),
    )
    return run(tokens2d, values_flat, table_lin, w_flat)


def kernel(tokens, values, table, W_val):
    tokens2d = tokens.reshape(BT // SUB, SUB)
    packed = _transpose_table(table.T)
    table_lin = packed.reshape(VOCAB2, HIDDEN)
    out2 = _embed(tokens2d, values.reshape(BT), table_lin,
                  W_val.reshape(HIDDEN))
    emb = jnp.transpose(_transpose_out(out2), (2, 0, 1))
    padding_mask = tokens != 0
    return emb, padding_mask

# --- scband reference (transcript-rebuilt; emitter-appended) ---
"""Pipeline reference for scband-ctembeddings-84378927497386 (READ-ONLY COPY).

The authoritative reference and input builder live on the scoring server;
editing this copy changes nothing except your own understanding.
"""

import jax, jax.numpy as jnp
import numpy as np

VOCAB = 1000000
HIDDEN = 64
B = 4096
L = 200

def setup_inputs(seed: int = 0) -> dict:
    key = jax.random.key(seed)
    k1, k2, k3, k4 = jax.random.split(key, 4)
    tokens = jax.random.randint(k1, (B, L), 0, VOCAB, dtype=jnp.int64 if jax.config.jax_enable_x64 else jnp.int32).astype(jnp.int32)
    values = jax.random.normal(k2, (B, L), dtype=jnp.float32)
    table = jax.random.normal(k3, (VOCAB, HIDDEN), dtype=jnp.float32) * 0.02
    # padding_idx=0: torch zeros the padding row at init
    table = table.at[0].set(0.0)
    # torch Linear(in_features=1, out_features=HIDDEN, bias=False): weight shape [HIDDEN, 1]
    W_val = jax.random.normal(k4, (HIDDEN, 1), dtype=jnp.float32) * 0.02
    return {"tokens": tokens, "values": values, "table": table, "W_val": W_val}

def reference(tokens, values, table, W_val):
    scaling = jnp.sqrt(jnp.array(float(HIDDEN), dtype=jnp.float32))
    values_e = values[..., None]                      # [B, L, 1]
    padding_mask = tokens != 0                        # [B, L] bool
    token_embeddings = jnp.take(table, tokens, axis=0)  # gather -> [B, L, H]
    value_embeddings = values_e @ W_val.T             # [B, L, H]
    embeddings = (token_embeddings + value_embeddings) * scaling
    return (embeddings, padding_mask)

if __name__ == "__main__":
    import jax
    _d = setup_inputs()
    print(jax.jit(kernel)(*tuple(_d.values())))

</pallas_src>

<mosaic_0001>
#map = affine_map<(d0, d1) -> (0, 0)>
#map1 = affine_map<(d0, d1) -> (0)>
module attributes {stable_mosaic.version = 14 : i64} {
  func.func @_body(%arg0: i32, %arg1: i32, %arg2: memref<6400x128xi32, #tpu.memory_space<hbm>>, %arg3: memref<819200xf32, #tpu.memory_space<hbm>>, %arg4: memref<1015808x64xf32, #tpu.memory_space<hbm>>, %arg5: memref<64xf32, #tpu.memory_space<hbm>>, %arg6: memref<409600x128xf32, #tpu.memory_space<hbm>>, %arg7: memref<200x128xi32, #tpu.memory_space<vmem>>, %arg8: memref<25600xf32, #tpu.memory_space<vmem>>, %arg9: memref<256x64xf32, #tpu.memory_space<vmem>>, %arg10: memref<256x64xf32, #tpu.memory_space<vmem>>, %arg11: memref<128x128xf32, #tpu.memory_space<vmem>>, %arg12: memref<128x128xf32, #tpu.memory_space<vmem>>, %arg13: memref<64xf32, #tpu.memory_space<vmem>>, %arg14: memref<!tpu.dma_semaphore, #tpu.memory_space<semaphore_mem>>, %arg15: memref<!tpu.dma_semaphore, #tpu.memory_space<semaphore_mem>>, %arg16: memref<!tpu.dma_semaphore, #tpu.memory_space<semaphore_mem>>, %arg17: memref<!tpu.dma_semaphore, #tpu.memory_space<semaphore_mem>>) attributes {dimension_semantics = [#tpu.dimension_semantics<core_parallel>, #tpu.dimension_semantics<subcore_parallel>], iteration_bounds = array<i64: 2, 16>, scalar_prefetch = 0 : i64, scratch_operands = 11 : i64, tpu.core_type = #tpu.core_type<sc_vector_subcore>, window_params = [{transform_indices = #map}, {transform_indices = #map1}, {transform_indices = #map}, {transform_indices = #map1}, {transform_indices = #map}]} {
    %mul3A = arith.constant 2 : i32
    %mul3A_0 = arith.muli %arg1, %mul3A : i32
    %add3A = arith.addi %mul3A_0, %arg0 : i32
    %mul3A_1 = arith.constant 25600 : i32
    %mul3A_2 = arith.muli %add3A, %mul3A_1 : i32
    "tpu.region"() ({
      %run_scoped3A = tpu.sem_alloc : memref<!tpu.dma_semaphore, #tpu.memory_space<semaphore_mem>>
      tpu.enqueue_dma source(%arg5 : memref<64xf32, #tpu.memory_space<hbm>>) target(%arg13 : memref<64xf32, #tpu.memory_space<vmem>>) target_semaphore(%run_scoped3A : memref<!tpu.dma_semaphore, #tpu.memory_space<semaphore_mem>>)
      tpu.wait_dma2 semaphore(%run_scoped3A : memref<!tpu.dma_semaphore, #tpu.memory_space<semaphore_mem>>) src(%arg5 : memref<64xf32, #tpu.memory_space<hbm>>) dst(%arg13 : memref<64xf32, #tpu.memory_space<vmem>>)
      tpu.yield
    }) : () -> ()
    %get3A = arith.constant 0 : index
    %get3A_3 = tpu.vector_load %arg13[%get3A] {strides = array<i32>} : memref<64xf32, #tpu.memory_space<vmem>>, vector<16xf32>,
    %mul3A_4 = arith.constant 8.000000e+00 : f32
    %mul3A_5 = vector.broadcast %mul3A_4 : f32 to vector<16xf32>
    %mul3A_6 = arith.mulf %get3A_3, %mul3A_5 : vector<16xf32>
    %get3A_7 = arith.constant 16 : index
    %get3A_8 = tpu.vector_load %arg13[%get3A_7] {strides = array<i32>} : memref<64xf32, #tpu.memory_space<vmem>>, vector<16xf32>,
    %mul3A_9 = arith.constant 8.000000e+00 : f32
    %mul3A_10 = vector.broadcast %mul3A_9 : f32 to vector<16xf32>
    %mul3A_11 = arith.mulf %get3A_8, %mul3A_10 : vector<16xf32>
    %get3A_12 = arith.constant 32 : index
    %get3A_13 = tpu.vector_load %arg13[%get3A_12] {strides = array<i32>} : memref<64xf32, #tpu.memory_space<vmem>>, vector<16xf32>,
    %mul3A_14 = arith.constant 8.000000e+00 : f32
    %mul3A_15 = vector.broadcast %mul3A_14 : f32 to vector<16xf32>
    %mul3A_16 = arith.mulf %get3A_13, %mul3A_15 : vector<16xf32>
    %get3A_17 = arith.constant 48 : index
    %get3A_18 = tpu.vector_load %arg13[%get3A_17] {strides = array<i32>} : memref<64xf32, #tpu.memory_space<vmem>>, vector<16xf32>,
    %mul3A_19 = arith.constant 8.000000e+00 : f32
    %mul3A_20 = vector.broadcast %mul3A_19 : f32 to vector<16xf32>
    %mul3A_21 = arith.mulf %get3A_18, %mul3A_20 : vector<16xf32>
    %mul3A_22 = arith.constant 200 : i32
    %mul3A_23 = arith.muli %add3A, %mul3A_22 : i32
    "tpu.region"() ({
      %run_scoped3A = tpu.sem_alloc : memref<!tpu.dma_semaphore, #tpu.memory_space<semaphore_mem>>
      %dma_start3A_85 = arith.constant 0 : i32
      %dma_start3A_86 = tpu.memref_slice %arg2[%mul3A_23, %dma_start3A_85] : memref<6400x128xi32, #tpu.memory_space<hbm>> -> memref<200x128xi32, #tpu.memory_space<hbm>>
      %dma_start3A_87 = arith.constant 0 : i32
      %dma_start3A_88 = tpu.memref_slice %arg2[%mul3A_23, %dma_start3A_87] : memref<6400x128xi32, #tpu.memory_space<hbm>> -> memref<200x128xi32, #tpu.memory_space<hbm>>
      tpu.enqueue_dma source(%dma_start3A_88 : memref<200x128xi32, #tpu.memory_space<hbm>>) target(%arg7 : memref<200x128xi32, #tpu.memory_space<vmem>>) target_semaphore(%run_scoped3A : memref<!tpu.dma_semaphore, #tpu.memory_space<semaphore_mem>>)
      %dma_wait3A_89 = arith.constant 0 : i32
      %dma_wait3A_90 = tpu.memref_slice %arg2[%mul3A_23, %dma_wait3A_89] : memref<6400x128xi32, #tpu.memory_space<hbm>> -> memref<200x128xi32, #tpu.memory_space<hbm>>
      %dma_wait3A_91 = arith.constant 0 : i32
      %dma_wait3A_92 = tpu.memref_slice %arg2[%mul3A_23, %dma_wait3A_91] : memref<6400x128xi32, #tpu.memory_space<hbm>> -> memref<200x128xi32, #tpu.memory_space<hbm>>
      tpu.wait_dma2 semaphore(%run_scoped3A : memref<!tpu.dma_semaphore, #tpu.memory_space<semaphore_mem>>) src(%dma_wait3A_92 : memref<200x128xi32, #tpu.memory_space<hbm>>) dst(%arg7 : memref<200x128xi32, #tpu.memory_space<vmem>>)
      tpu.yield
    }) : () -> ()
    "tpu.region"() ({
      %run_scoped3A = tpu.sem_alloc : memref<!tpu.dma_semaphore, #tpu.memory_space<semaphore_mem>>
      %dma_start3A_85 = tpu.memref_slice %arg3[%mul3A_2] : memref<819200xf32, #tpu.memory_space<hbm>> -> memref<25600xf32, #tpu.memory_space<hbm>>
      %dma_start3A_86 = tpu.memref_slice %arg3[%mul3A_2] : memref<819200xf32, #tpu.memory_space<hbm>> -> memref<25600xf32, #tpu.memory_space<hbm>>
      tpu.enqueue_dma source(%dma_start3A_86 : memref<25600xf32, #tpu.memory_space<hbm>>) target(%arg8 : memref<25600xf32, #tpu.memory_space<vmem>>) target_semaphore(%run_scoped3A : memref<!tpu.dma_semaphore, #tpu.memory_space<semaphore_mem>>)
      %dma_wait3A_87 = tpu.memref_slice %arg3[%mul3A_2] : memref<819200xf32, #tpu.memory_space<hbm>> -> memref<25600xf32, #tpu.memory_space<hbm>>
      %dma_wait3A_88 = tpu.memref_slice %arg3[%mul3A_2] : memref<819200xf32, #tpu.memory_space<hbm>> -> memref<25600xf32, #tpu.memory_space<hbm>>
      tpu.wait_dma2 semaphore(%run_scoped3A : memref<!tpu.dma_semaphore, #tpu.memory_space<semaphore_mem>>) src(%dma_wait3A_88 : memref<25600xf32, #tpu.memory_space<hbm>>) dst(%arg8 : memref<25600xf32, #tpu.memory_space<vmem>>)
      tpu.yield
    }) : () -> ()
    %scan3A = arith.constant 0 : i32
    %scan3A_24 = arith.constant 0 : i32
    %scan3A_25 = arith.constant 200 : i32
    %scan3A_26 = arith.addi %scan3A_24, %scan3A_25 : i32
    %scan3A_27 = arith.constant 1 : i32
    scf.for %scan3A_85 = %scan3A_24 to %scan3A_26 step %scan3A_27  : i32 {
      %get3A_86 = arith.index_cast %scan3A_85 : i32 to index
      %get3A_87 = arith.constant 0 : index
      %get3A_88 = tpu.vector_load %arg7[%get3A_86, %get3A_87] {strides = array<i32>} : memref<200x128xi32, #tpu.memory_space<vmem>>, vector<16xi32>,
      %shift_right_logical3A = arith.constant 15 : i32
      %shift_right_logical3A_89 = vector.broadcast %shift_right_logical3A : i32 to vector<16xi32>
      %shift_right_logical3A_90 = arith.shrui %get3A_88, %shift_right_logical3A_89 : vector<16xi32>
      %shift_left3A = arith.constant 15 : i32
      %shift_left3A_91 = vector.broadcast %shift_left3A : i32 to vector<16xi32>
      %shift_left3A_92 = arith.shli %shift_right_logical3A_90, %shift_left3A_91 : vector<16xi32>
      %and3A = arith.constant 16383 : i32
      %and3A_93 = vector.broadcast %and3A : i32 to vector<16xi32>
      %and3A_94 = arith.andi %get3A_88, %and3A_93 : vector<16xi32>
      %shift_left3A_95 = arith.constant 1 : i32
      %shift_left3A_96 = vector.broadcast %shift_left3A_95 : i32 to vector<16xi32>
      %shift_left3A_97 = arith.shli %and3A_94, %shift_left3A_96 : vector<16xi32>
      %shift_right_logical3A_98 = arith.constant 14 : i32
      %shift_right_logical3A_99 = vector.broadcast %shift_right_logical3A_98 : i32 to vector<16xi32>
      %shift_right_logical3A_100 = arith.shrui %get3A_88, %shift_right_logical3A_99 : vector<16xi32>
      %and3A_101 = arith.constant 1 : i32
      %and3A_102 = vector.broadcast %and3A_101 : i32 to vector<16xi32>
      %and3A_103 = arith.andi %shift_right_logical3A_100, %and3A_102 : vector<16xi32>
      %add3A_104 = arith.addi %shift_left3A_92, %shift_left3A_97 : vector<16xi32>
      %add3A_105 = arith.addi %add3A_104, %and3A_103 : vector<16xi32>
      %swap3A = arith.index_cast %scan3A_85 : i32 to index
      %swap3A_106 = arith.constant 0 : index
      %swap3A_107 = tpu.vector_load %arg7[%swap3A, %swap3A_106] {strides = array<i32>} : memref<200x128xi32, #tpu.memory_space<vmem>>, vector<16xi32>,
      tpu.vector_store %arg7[%swap3A, %swap3A_106], %add3A_105 {strides = array<i32>} : memref<200x128xi32, #tpu.memory_space<vmem>>, vector<16xi32>,
      %get3A_108 = arith.index_cast %scan3A_85 : i32 to index
      %get3A_109 = arith.constant 16 : index
      %get3A_110 = tpu.vector_load %arg7[%get3A_108, %get3A_109] {strides = array<i32>} : memref<200x128xi32, #tpu.memory_space<vmem>>, vector<16xi32>,
      %shift_right_logical3A_111 = arith.constant 15 : i32
      %shift_right_logical3A_112 = vector.broadcast %shift_right_logical3A_111 : i32 to vector<16xi32>
      %shift_right_logical3A_113 = arith.shrui %get3A_110, %shift_right_logical3A_112 : vector<16xi32>
      %shift_left3A_114 = arith.constant 15 : i32
      %shift_left3A_115 = vector.broadcast %shift_left3A_114 : i32 to vector<16xi32>
      %shift_left3A_116 = arith.shli %shift_right_logical3A_113, %shift_left3A_115 : vector<16xi32>
      %and3A_117 = arith.constant 16383 : i32
      %and3A_118 = vector.broadcast %and3A_117 : i32 to vector<16xi32>
      %and3A_119 = arith.andi %get3A_110, %and3A_118 : vector<16xi32>
      %shift_left3A_120 = arith.constant 1 : i32
      %shift_left3A_121 = vector.broadcast %shift_left3A_120 : i32 to vector<16xi32>
      %shift_left3A_122 = arith.shli %and3A_119, %shift_left3A_121 : vector<16xi32>
      %shift_right_logical3A_123 = arith.constant 14 : i32
      %shift_right_logical3A_124 = vector.broadcast %shift_right_logical3A_123 : i32 to vector<16xi32>
      %shift_right_logical3A_125 = arith.shrui %get3A_110, %shift_right_logical3A_124 : vector<16xi32>
      %and3A_126 = arith.constant 1 : i32
      %and3A_127 = vector.broadcast %and3A_126 : i32 to vector<16xi32>
      %and3A_128 = arith.andi %shift_right_logical3A_125, %and3A_127 : vector<16xi32>
      %add3A_129 = arith.addi %shift_left3A_116, %shift_left3A_122 : vector<16xi32>
      %add3A_130 = arith.addi %add3A_129, %and3A_128 : vector<16xi32>
      %swap3A_131 = arith.index_cast %scan3A_85 : i32 to index
      %swap3A_132 = arith.constant 16 : index
      %swap3A_133 = tpu.vector_load %arg7[%swap3A_131, %swap3A_132] {strides = array<i32>} : memref<200x128xi32, #tpu.memory_space<vmem>>, vector<16xi32>,
      tpu.vector_store %arg7[%swap3A_131, %swap3A_132], %add3A_130 {strides = array<i32>} : memref<200x128xi32, #tpu.memory_space<vmem>>, vector<16xi32>,
      %get3A_134 = arith.index_cast %scan3A_85 : i32 to index
      %get3A_135 = arith.constant 32 : index
      %get3A_136 = tpu.vector_load %arg7[%get3A_134, %get3A_135] {strides = array<i32>} : memref<200x128xi32, #tpu.memory_space<vmem>>, vector<16xi32>,
      %shift_right_logical3A_137 = arith.constant 15 : i32
      %shift_right_logical3A_138 = vector.broadcast %shift_right_logical3A_137 : i32 to vector<16xi32>
      %shift_right_logical3A_139 = arith.shrui %get3A_136, %shift_right_logical3A_138 : vector<16xi32>
      %shift_left3A_140 = arith.constant 15 : i32
      %shift_left3A_141 = vector.broadcast %shift_left3A_140 : i32 to vector<16xi32>
      %shift_left3A_142 = arith.shli %shift_right_logical3A_139, %shift_left3A_141 : vector<16xi32>
      %and3A_143 = arith.constant 16383 : i32
      %and3A_144 = vector.broadcast %and3A_143 : i32 to vector<16xi32>
      %and3A_145 = arith.andi %get3A_136, %and3A_144 : vector<16xi32>
      %shift_left3A_146 = arith.constant 1 : i32
      %shift_left3A_147 = vector.broadcast %shift_left3A_146 : i32 to vector<16xi32>
      %shift_left3A_148 = arith.shli %and3A_145, %shift_left3A_147 : vector<16xi32>
      %shift_right_logical3A_149 = arith.constant 14 : i32
      %shift_right_logical3A_150 = vector.broadcast %shift_right_logical3A_149 : i32 to vector<16xi32>
      %shift_right_logical3A_151 = arith.shrui %get3A_136, %shift_right_logical3A_150 : vector<16xi32>
      %and3A_152 = arith.constant 1 : i32
      %and3A_153 = vector.broadcast %and3A_152 : i32 to vector<16xi32>
      %and3A_154 = arith.andi %shift_right_logical3A_151, %and3A_153 : vector<16xi32>
      %add3A_155 = arith.addi %shift_left3A_142, %shift_left3A_148 : vector<16xi32>
      %add3A_156 = arith.addi %add3A_155, %and3A_154 : vector<16xi32>
      %swap3A_157 = arith.index_cast %scan3A_85 : i32 to index
      %swap3A_158 = arith.constant 32 : index
      %swap3A_159 = tpu.vector_load %arg7[%swap3A_157, %swap3A_158] {strides = array<i32>} : memref<200x128xi32, #tpu.memory_space<vmem>>, vector<16xi32>,
      tpu.vector_store %arg7[%swap3A_157, %swap3A_158], %add3A_156 {strides = array<i32>} : memref<200x128xi32, #tpu.memory_space<vmem>>, vector<16xi32>,
      %get3A_160 = arith.index_cast %scan3A_85 : i32 to index
      %get3A_161 = arith.constant 48 : index
      %get3A_162 = tpu.vector_load %arg7[%get3A_160, %get3A_161] {strides = array<i32>} : memref<200x128xi32, #tpu.memory_space<vmem>>, vector<16xi32>,
      %shift_right_logical3A_163 = arith.constant 15 : i32
      %shift_right_logical3A_164 = vector.broadcast %shift_right_logical3A_163 : i32 to vector<16xi32>
      %shift_right_logical3A_165 = arith.shrui %get3A_162, %shift_right_logical3A_164 : vector<16xi32>
      %shift_left3A_166 = arith.constant 15 : i32
      %shift_left3A_167 = vector.broadcast %shift_left3A_166 : i32 to vector<16xi32>
      %shift_left3A_168 = arith.shli %shift_right_logical3A_165, %shift_left3A_167 : vector<16xi32>
      %and3A_169 = arith.constant 16383 : i32
      %and3A_170 = vector.broadcast %and3A_169 : i32 to vector<16xi32>
      %and3A_171 = arith.andi %get3A_162, %and3A_170 : vector<16xi32>
      %shift_left3A_172 = arith.constant 1 : i32
      %shift_left3A_173 = vector.broadcast %shift_left3A_172 : i32 to vector<16xi32>
      %shift_left3A_174 = arith.shli %and3A_171, %shift_left3A_173 : vector<16xi32>
      %shift_right_logical3A_175 = arith.constant 14 : i32
      %shift_right_logical3A_176 = vector.broadcast %shift_right_logical3A_175 : i32 to vector<16xi32>
      %shift_right_logical3A_177 = arith.shrui %get3A_162, %shift_right_logical3A_176 : vector<16xi32>
      %and3A_178 = arith.constant 1 : i32
      %and3A_179 = vector.broadcast %and3A_178 : i32 to vector<16xi32>
      %and3A_180 = arith.andi %shift_right_logical3A_177, %and3A_179 : vector<16xi32>
      %add3A_181 = arith.addi %shift_left3A_168, %shift_left3A_174 : vector<16xi32>
      %add3A_182 = arith.addi %add3A_181, %and3A_180 : vector<16xi32>
      %swap3A_183 = arith.index_cast %scan3A_85 : i32 to index
      %swap3A_184 = arith.constant 48 : index
      %swap3A_185 = tpu.vector_load %arg7[%swap3A_183, %swap3A_184] {strides = array<i32>} : memref<200x128xi32, #tpu.memory_space<vmem>>, vector<16xi32>,
      tpu.vector_store %arg7[%swap3A_183, %swap3A_184], %add3A_182 {strides = array<i32>} : memref<200x128xi32, #tpu.memory_space<vmem>>, vector<16xi32>,
      %get3A_186 = arith.index_cast %scan3A_85 : i32 to index
      %get3A_187 = arith.constant 64 : index
      %get3A_188 = tpu.vector_load %arg7[%get3A_186, %get3A_187] {strides = array<i32>} : memref<200x128xi32, #tpu.memory_space<vmem>>, vector<16xi32>,
      %shift_right_logical3A_189 = arith.constant 15 : i32
      %shift_right_logical3A_190 = vector.broadcast %shift_right_logical3A_189 : i32 to vector<16xi32>
      %shift_right_logical3A_191 = arith.shrui %get3A_188, %shift_right_logical3A_190 : vector<16xi32>
      %shift_left3A_192 = arith.constant 15 : i32
      %shift_left3A_193 = vector.broadcast %shift_left3A_192 : i32 to vector<16xi32>
      %shift_left3A_194 = arith.shli %shift_right_logical3A_191, %shift_left3A_193 : vector<16xi32>
      %and3A_195 = arith.constant 16383 : i32
      %and3A_196 = vector.broadcast %and3A_195 : i32 to vector<16xi32>
      %and3A_197 = arith.andi %get3A_188, %and3A_196 : vector<16xi32>
      %shift_left3A_198 = arith.constant 1 : i32
      %shift_left3A_199 = vector.broadcast %shift_left3A_198 : i32 to vector<16xi32>
      %shift_left3A_200 = arith.shli %and3A_197, %shift_left3A_199 : vector<16xi32>
      %shift_right_logical3A_201 = arith.constant 14 : i32
      %shift_right_logical3A_202 = vector.broadcast %shift_right_logical3A_201 : i32 to vector<16xi32>
      %shift_right_logical3A_203 = arith.shrui %get3A_188, %shift_right_logical3A_202 : vector<16xi32>
      %and3A_204 = arith.constant 1 : i32
      %and3A_205 = vector.broadcast %and3A_204 : i32 to vector<16xi32>
      %and3A_206 = arith.andi %shift_right_logical3A_203, %and3A_205 : vector<16xi32>
      %add3A_207 = arith.addi %shift_left3A_194, %shift_left3A_200 : vector<16xi32>
      %add3A_208 = arith.addi %add3A_207, %and3A_206 : vector<16xi32>
      %swap3A_209 = arith.index_cast %scan3A_85 : i32 to index
      %swap3A_210 = arith.constant 64 : index
      %swap3A_211 = tpu.vector_load %arg7[%swap3A_209, %swap3A_210] {strides = array<i32>} : memref<200x128xi32, #tpu.memory_space<vmem>>, vector<16xi32>,
      tpu.vector_store %arg7[%swap3A_209, %swap3A_210], %add3A_208 {strides = array<i32>} : memref<200x128xi32, #tpu.memory_space<vmem>>, vector<16xi32>,
      %get3A_212 = arith.index_cast %scan3A_85 : i32 to index
      %get3A_213 = arith.constant 80 : index
      %get3A_214 = tpu.vector_load %arg7[%get3A_212, %get3A_213] {strides = array<i32>} : memref<200x128xi32, #tpu.memory_space<vmem>>, vector<16xi32>,
      %shift_right_logical3A_215 = arith.constant 15 : i32
      %shift_right_logical3A_216 = vector.broadcast %shift_right_logical3A_215 : i32 to vector<16xi32>
      %shift_right_logical3A_217 = arith.shrui %get3A_214, %shift_right_logical3A_216 : vector<16xi32>
      %shift_left3A_218 = arith.constant 15 : i32
      %shift_left3A_219 = vector.broadcast %shift_left3A_218 : i32 to vector<16xi32>
      %shift_left3A_220 = arith.shli %shift_right_logical3A_217, %shift_left3A_219 : vector<16xi32>
      %and3A_221 = arith.constant 16383 : i32
      %and3A_222 = vector.broadcast %and3A_221 : i32 to vector<16xi32>
      %and3A_223 = arith.andi %get3A_214, %and3A_222 : vector<16xi32>
      %shift_left3A_224 = arith.constant 1 : i32
      %shift_left3A_225 = vector.broadcast %shift_left3A_224 : i32 to vector<16xi32>
      %shift_left3A_226 = arith.shli %and3A_223, %shift_left3A_225 : vector<16xi32>
      %shift_right_logical3A_227 = arith.constant 14 : i32
      %shift_right_logical3A_228 = vector.broadcast %shift_right_logical3A_227 : i32 to vector<16xi32>
      %shift_right_logical3A_229 = arith.shrui %get3A_214, %shift_right_logical3A_228 : vector<16xi32>
      %and3A_230 = arith.constant 1 : i32
      %and3A_231 = vector.broadcast %and3A_230 : i32 to vector<16xi32>
      %and3A_232 = arith.andi %shift_right_logical3A_229, %and3A_231 : vector<16xi32>
      %add3A_233 = arith.addi %shift_left3A_220, %shift_left3A_226 : vector<16xi32>
      %add3A_234 = arith.addi %add3A_233, %and3A_232 : vector<16xi32>
      %swap3A_235 = arith.index_cast %scan3A_85 : i32 to index
      %swap3A_236 = arith.constant 80 : index
      %swap3A_237 = tpu.vector_load %arg7[%swap3A_235, %swap3A_236] {strides = array<i32>} : memref<200x128xi32, #tpu.memory_space<vmem>>, vector<16xi32>,
      tpu.vector_store %arg7[%swap3A_235, %swap3A_236], %add3A_234 {strides = array<i32>} : memref<200x128xi32, #tpu.memory_space<vmem>>, vector<16xi32>,
      %get3A_238 = arith.index_cast %scan3A_85 : i32 to index
      %get3A_239 = arith.constant 96 : index
      %get3A_240 = tpu.vector_load %arg7[%get3A_238, %get3A_239] {strides = array<i32>} : memref<200x128xi32, #tpu.memory_space<vmem>>, vector<16xi32>,
      %shift_right_logical3A_241 = arith.constant 15 : i32
      %shift_right_logical3A_242 = vector.broadcast %shift_right_logical3A_241 : i32 to vector<16xi32>
      %shift_right_logical3A_243 = arith.shrui %get3A_240, %shift_right_logical3A_242 : vector<16xi32>
      %shift_left3A_244 = arith.constant 15 : i32
      %shift_left3A_245 = vector.broadcast %shift_left3A_244 : i32 to vector<16xi32>
      %shift_left3A_246 = arith.shli %shift_right_logical3A_243, %shift_left3A_245 : vector<16xi32>
      %and3A_247 = arith.constant 16383 : i32
      %and3A_248 = vector.broadcast %and3A_247 : i32 to vector<16xi32>
      %and3A_249 = arith.andi %get3A_240, %and3A_248 : vector<16xi32>
      %shift_left3A_250 = arith.constant 1 : i32
      %shift_left3A_251 = vector.broadcast %shift_left3A_250 : i32 to vector<16xi32>
      %shift_left3A_252 = arith.shli %and3A_249, %shift_left3A_251 : vector<16xi32>
      %shift_right_logical3A_253 = arith.constant 14 : i32
      %shift_right_logical3A_254 = vector.broadcast %shift_right_logical3A_253 : i32 to vector<16xi32>
      %shift_right_logical3A_255 = arith.shrui %get3A_240, %shift_right_logical3A_254 : vector<16xi32>
      %and3A_256 = arith.constant 1 : i32
      %and3A_257 = vector.broadcast %and3A_256 : i32 to vector<16xi32>
      %and3A_258 = arith.andi %shift_right_logical3A_255, %and3A_257 : vector<16xi32>
      %add3A_259 = arith.addi %shift_left3A_246, %shift_left3A_252 : vector<16xi32>
      %add3A_260 = arith.addi %add3A_259, %and3A_258 : vector<16xi32>
      %swap3A_261 = arith.index_cast %scan3A_85 : i32 to index
      %swap3A_262 = arith.constant 96 : index
      %swap3A_263 = tpu.vector_load %arg7[%swap3A_261, %swap3A_262] {strides = array<i32>} : memref<200x128xi32, #tpu.memory_space<vmem>>, vector<16xi32>,
      tpu.vector_store %arg7[%swap3A_261, %swap3A_262], %add3A_260 {strides = array<i32>} : memref<200x128xi32, #tpu.memory_space<vmem>>, vector<16xi32>,
      %get3A_264 = arith.index_cast %scan3A_85 : i32 to index
      %get3A_265 = arith.constant 112 : index
      %get3A_266 = tpu.vector_load %arg7[%get3A_264, %get3A_265] {strides = array<i32>} : memref<200x128xi32, #tpu.memory_space<vmem>>, vector<16xi32>,
      %shift_right_logical3A_267 = arith.constant 15 : i32
      %shift_right_logical3A_268 = vector.broadcast %shift_right_logical3A_267 : i32 to vector<16xi32>
      %shift_right_logical3A_269 = arith.shrui %get3A_266, %shift_right_logical3A_268 : vector<16xi32>
      %shift_left3A_270 = arith.constant 15 : i32
      %shift_left3A_271 = vector.broadcast %shift_left3A_270 : i32 to vector<16xi32>
      %shift_left3A_272 = arith.shli %shift_right_logical3A_269, %shift_left3A_271 : vector<16xi32>
      %and3A_273 = arith.constant 16383 : i32
      %and3A_274 = vector.broadcast %and3A_273 : i32 to vector<16xi32>
      %and3A_275 = arith.andi %get3A_266, %and3A_274 : vector<16xi32>
      %shift_left3A_276 = arith.constant 1 : i32
      %shift_left3A_277 = vector.broadcast %shift_left3A_276 : i32 to vector<16xi32>
      %shift_left3A_278 = arith.shli %and3A_275, %shift_left3A_277 : vector<16xi32>
      %shift_right_logical3A_279 = arith.constant 14 : i32
      %shift_right_logical3A_280 = vector.broadcast %shift_right_logical3A_279 : i32 to vector<16xi32>
      %shift_right_logical3A_281 = arith.shrui %get3A_266, %shift_right_logical3A_280 : vector<16xi32>
      %and3A_282 = arith.constant 1 : i32
      %and3A_283 = vector.broadcast %and3A_282 : i32 to vector<16xi32>
      %and3A_284 = arith.andi %shift_right_logical3A_281, %and3A_283 : vector<16xi32>
      %add3A_285 = arith.addi %shift_left3A_272, %shift_left3A_278 : vector<16xi32>
      %add3A_286 = arith.addi %add3A_285, %and3A_284 : vector<16xi32>
      %swap3A_287 = arith.index_cast %scan3A_85 : i32 to index
      %swap3A_288 = arith.constant 112 : index
      %swap3A_289 = tpu.vector_load %arg7[%swap3A_287, %swap3A_288] {strides = array<i32>} : memref<200x128xi32, #tpu.memory_space<vmem>>, vector<16xi32>,
      tpu.vector_store %arg7[%swap3A_287, %swap3A_288], %add3A_286 {strides = array<i32>} : memref<200x128xi32, #tpu.memory_space<vmem>>, vector<16xi32>,
    }
    %scan3A_28 = arith.constant 200 : i32
    %dma_start3A = arith.constant 0 : i32
    %dma_start3A_29 = arith.constant 0 : i32
    %dma_start3A_30 = arith.constant 0 : i32
    %dma_start3A_31 = tpu.memref_slice %arg9[%dma_start3A_29, %dma_start3A_30] : memref<256x64xf32, #tpu.memory_space<vmem>> -> memref<128x64xf32, #tpu.memory_space<vmem>>
    %dma_start3A_32 = arith.constant 0 : i32
    %dma_start3A_33 = tpu.memref_slice %arg7[%dma_start3A, %dma_start3A_32] : memref<200x128xi32, #tpu.memory_space<vmem>> -> memref<1x128xi32, #tpu.memory_space<vmem>>
    %dma_start3A_34 = tpu.memref_squeeze %dma_start3A_33 : memref<1x128xi32, #tpu.memory_space<vmem>> -> memref<128xi32, #tpu.memory_space<vmem>>
    %dma_start3A_35 = arith.constant 0 : i32
    %dma_start3A_36 = arith.constant 0 : i32
    %dma_start3A_37 = tpu.memref_slice %arg4[%dma_start3A_35, %dma_start3A_36] : memref<1015808x64xf32, #tpu.memory_space<hbm>> -> memref<1015808x64xf32, #tpu.memory_space<hbm>>
    tpu.enqueue_indirect_dma source(%dma_start3A_37 : memref<1015808x64xf32, #tpu.memory_space<hbm>>) target(%dma_start3A_31 : memref<128x64xf32, #tpu.memory_space<vmem>>) offsets(%dma_start3A_34 : memref<128xi32, #tpu.memory_space<vmem>>) semaphore(%arg14 : memref<!tpu.dma_semaphore, #tpu.memory_space<semaphore_mem>>)
    %dma_start3A_38 = arith.constant 1 : i32
    %dma_start3A_39 = arith.constant 128 : i32
    %dma_start3A_40 = arith.constant 0 : i32
    %dma_start3A_41 = tpu.memref_slice %arg9[%dma_start3A_39, %dma_start3A_40] : memref<256x64xf32, #tpu.memory_space<vmem>> -> memref<128x64xf32, #tpu.memory_space<vmem>>
    %dma_start3A_42 = arith.constant 0 : i32
    %dma_start3A_43 = tpu.memref_slice %arg7[%dma_start3A_38, %dma_start3A_42] : memref<200x128xi32, #tpu.memory_space<vmem>> -> memref<1x128xi32, #tpu.memory_space<vmem>>
    %dma_start3A_44 = tpu.memref_squeeze %dma_start3A_43 : memref<1x128xi32, #tpu.memory_space<vmem>> -> memref<128xi32, #tpu.memory_space<vmem>>
    %dma_start3A_45 = arith.constant 0 : i32
    %dma_start3A_46 = arith.constant 0 : i32
    %dma_start3A_47 = tpu.memref_slice %arg4[%dma_start3A_45, %dma_start3A_46] : memref<1015808x64xf32, #tpu.memory_space<hbm>> -> memref<1015808x64xf32, #tpu.memory_space<hbm>>
    tpu.enqueue_indirect_dma source(%dma_start3A_47 : memref<1015808x64xf32, #tpu.memory_space<hbm>>) target(%dma_start3A_41 : memref<128x64xf32, #tpu.memory_space<vmem>>) offsets(%dma_start3A_44 : memref<128xi32, #tpu.memory_space<vmem>>) semaphore(%arg14 : memref<!tpu.dma_semaphore, #tpu.memory_space<semaphore_mem>>)
    %dma_start3A_48 = arith.constant 2 : i32
    %dma_start3A_49 = arith.constant 0 : i32
    %dma_start3A_50 = arith.constant 0 : i32
    %dma_start3A_51 = tpu.memref_slice %arg10[%dma_start3A_49, %dma_start3A_50] : memref<256x64xf32, #tpu.memory_space<vmem>> -> memref<128x64xf32, #tpu.memory_space<vmem>>
    %dma_start3A_52 = arith.constant 0 : i32
    %dma_start3A_53 = tpu.memref_slice %arg7[%dma_start3A_48, %dma_start3A_52] : memref<200x128xi32, #tpu.memory_space<vmem>> -> memref<1x128xi32, #tpu.memory_space<vmem>>
    %dma_start3A_54 = tpu.memref_squeeze %dma_start3A_53 : memref<1x128xi32, #tpu.memory_space<vmem>> -> memref<128xi32, #tpu.memory_space<vmem>>
    %dma_start3A_55 = arith.constant 0 : i32
    %dma_start3A_56 = arith.constant 0 : i32
    %dma_start3A_57 = tpu.memref_slice %arg4[%dma_start3A_55, %dma_start3A_56] : memref<1015808x64xf32, #tpu.memory_space<hbm>> -> memref<1015808x64xf32, #tpu.memory_space<hbm>>
    tpu.enqueue_indirect_dma source(%dma_start3A_57 : memref<1015808x64xf32, #tpu.memory_space<hbm>>) target(%dma_start3A_51 : memref<128x64xf32, #tpu.memory_space<vmem>>) offsets(%dma_start3A_54 : memref<128xi32, #tpu.memory_space<vmem>>) semaphore(%arg15 : memref<!tpu.dma_semaphore, #tpu.memory_space<semaphore_mem>>)
    %dma_start3A_58 = arith.constant 3 : i32
    %dma_start3A_59 = arith.constant 128 : i32
    %dma_start3A_60 = arith.constant 0 : i32
    %dma_start3A_61 = tpu.memref_slice %arg10[%dma_start3A_59, %dma_start3A_60] : memref<256x64xf32, #tpu.memory_space<vmem>> -> memref<128x64xf32, #tpu.memory_space<vmem>>
    %dma_start3A_62 = arith.constant 0 : i32
    %dma_start3A_63 = tpu.memref_slice %arg7[%dma_start3A_58, %dma_start3A_62] : memref<200x128xi32, #tpu.memory_space<vmem>> -> memref<1x128xi32, #tpu.memory_space<vmem>>
    %dma_start3A_64 = tpu.memref_squeeze %dma_start3A_63 : memref<1x128xi32, #tpu.memory_space<vmem>> -> memref<128xi32, #tpu.memory_space<vmem>>
    %dma_start3A_65 = arith.constant 0 : i32
    %dma_start3A_66 = arith.constant 0 : i32
    %dma_start3A_67 = tpu.memref_slice %arg4[%dma_start3A_65, %dma_start3A_66] : memref<1015808x64xf32, #tpu.memory_space<hbm>> -> memref<1015808x64xf32, #tpu.memory_space<hbm>>
    tpu.enqueue_indirect_dma source(%dma_start3A_67 : memref<1015808x64xf32, #tpu.memory_space<hbm>>) target(%dma_start3A_61 : memref<128x64xf32, #tpu.memory_space<vmem>>) offsets(%dma_start3A_64 : memref<128xi32, #tpu.memory_space<vmem>>) semaphore(%arg15 : memref<!tpu.dma_semaphore, #tpu.memory_space<semaphore_mem>>)
    %scan3A_68 = arith.constant 0 : i32
    %scan3A_69 = arith.constant 0 : i32
    %scan3A_70 = arith.constant 50 : i32
    %scan3A_71 = arith.addi %scan3A_69, %scan3A_70 : i32
    %scan3A_72 = arith.constant 1 : i32
    scf.for %scan3A_85 = %scan3A_69 to %scan3A_71 step %scan3A_72  : i32 {
      %mul3A_86 = arith.constant 2 : i32
      %mul3A_87 = arith.muli %mul3A_86, %scan3A_85 : i32
      %dma_wait3A_88 = arith.constant 0 : i32
      %dma_wait3A_89 = arith.constant 0 : i32
      %dma_wait3A_90 = tpu.memref_slice %arg4[%dma_wait3A_88, %dma_wait3A_89] : memref<1015808x64xf32, #tpu.memory_space<hbm>> -> memref<256x64xf32, #tpu.memory_space<hbm>>
      %dma_wait3A_91 = arith.constant 0 : i32
      %dma_wait3A_92 = arith.constant 0 : i32
      %dma_wait3A_93 = tpu.memref_slice %arg4[%dma_wait3A_91, %dma_wait3A_92] : memref<1015808x64xf32, #tpu.memory_space<hbm>> -> memref<256x64xf32, #tpu.memory_space<hbm>>
      tpu.wait_dma2 semaphore(%arg14 : memref<!tpu.dma_semaphore, #tpu.memory_space<semaphore_mem>>) src(%dma_wait3A_93 : memref<256x64xf32, #tpu.memory_space<hbm>>) dst(%arg9 : memref<256x64xf32, #tpu.memory_space<vmem>>)
      %gt3A = arith.constant 0 : i32
      %gt3A_94 = arith.cmpi sgt, %scan3A_85, %gt3A : i32
      %convert_element_type3A = arith.extui %gt3A_94 : i1 to i32
      %cond3A = arith.constant 0 : i32
      %cond3A_95 = arith.cmpi ne, %convert_element_type3A, %cond3A : i32
      scf.if %cond3A_95 {
        %dma_wait3A_190 = arith.constant 0 : i32
        %dma_wait3A_191 = arith.constant 0 : i32
        %dma_wait3A_192 = tpu.memref_slice %arg6[%dma_wait3A_190, %dma_wait3A_191] : memref<409600x128xf32, #tpu.memory_space<hbm>> -> memref<128x128xf32, #tpu.memory_space<hbm>>
        %dma_wait3A_193 = arith.constant 0 : i32
        %dma_wait3A_194 = arith.constant 0 : i32
        %dma_wait3A_195 = tpu.memref_slice %arg6[%dma_wait3A_193, %dma_wait3A_194] : memref<409600x128xf32, #tpu.memory_space<hbm>> -> memref<128x128xf32, #tpu.memory_space<hbm>>
        tpu.wait_dma2 semaphore(%arg16 : memref<!tpu.dma_semaphore, #tpu.memory_space<semaphore_mem>>) src(%dma_wait3A_195 : memref<128x128xf32, #tpu.memory_space<hbm>>) dst(%arg11 : memref<128x128xf32, #tpu.memory_space<vmem>>)
      } else {
      }
      %scan3A_96 = arith.constant 0 : i32
      %scan3A_97 = arith.constant 0 : i32
      %scan3A_98 = arith.constant 16 : i32
      %scan3A_99 = arith.addi %scan3A_97, %scan3A_98 : i32
      %scan3A_100 = arith.constant 1 : i32
      scf.for %scan3A_190 = %scan3A_97 to %scan3A_99 step %scan3A_100  : i32 {
        %mul3A_191 = arith.constant 256 : i32
        %mul3A_192 = arith.muli %mul3A_87, %mul3A_191 : i32
        %mul3A_193 = arith.constant 16 : i32
        %mul3A_194 = arith.muli %scan3A_190, %mul3A_193 : i32
        %add3A_195 = arith.addi %mul3A_192, %mul3A_194 : i32
        %get3A_196 = arith.index_cast %add3A_195 : i32 to index
        %get3A_197 = tpu.vector_load %arg8[%get3A_196] {strides = array<i32>} : memref<25600xf32, #tpu.memory_space<vmem>>, vector<16xf32>,
        %broadcast_in_dim3A = arith.constant 0 : i32
        %broadcast_in_dim3A_198 = vector.broadcast %broadcast_in_dim3A : i32 to vector<16x1xi32>
        %gather3A = vector.shape_cast %broadcast_in_dim3A_198 : vector<16x1xi32> to vector<16xi32>
        %gather3A_199 = tpu.dynamic_gather %get3A_197[%gather3A] in [0] : vector<16xf32>, vector<16xi32> -> vector<16xf32>
        %mul3A_200 = arith.constant 16 : i32
        %mul3A_201 = arith.muli %scan3A_190, %mul3A_200 : i32
        %add3A_202 = arith.constant 0 : i32
        %add3A_203 = arith.addi %mul3A_201, %add3A_202 : i32
        %mul3A_204 = arith.constant 8 : i32
        %mul3A_205 = arith.muli %scan3A_190, %mul3A_204 : i32
        %add3A_206 = arith.constant 0 : i32
        %add3A_207 = arith.addi %mul3A_205, %add3A_206 : i32
        %get3A_208 = arith.index_cast %add3A_203 : i32 to index
        %get3A_209 = arith.constant 0 : index
        %get3A_210 = tpu.vector_load %arg9[%get3A_208, %get3A_209] {strides = array<i32>} : memref<256x64xf32, #tpu.memory_space<vmem>>, vector<16xf32>,
        %mul3A_211 = arith.constant 8.000000e+00 : f32
        %mul3A_212 = vector.broadcast %mul3A_211 : f32 to vector<16xf32>
        %mul3A_213 = arith.mulf %get3A_210, %mul3A_212 : vector<16xf32>
        %mul3A_214 = arith.mulf %gather3A_199, %mul3A_6 : vector<16xf32>
        %add3A_215 = arith.addf %mul3A_213, %mul3A_214 : vector<16xf32>
        %swap3A = arith.index_cast %add3A_207 : i32 to index
        %swap3A_216 = arith.constant 0 : index
        %swap3A_217 = tpu.vector_load %arg11[%swap3A, %swap3A_216] {strides = array<i32>} : memref<128x128xf32, #tpu.memory_space<vmem>>, vector<16xf32>,
        tpu.vector_store %arg11[%swap3A, %swap3A_216], %add3A_215 {strides = array<i32>} : memref<128x128xf32, #tpu.memory_space<vmem>>, vector<16xf32>,
        %get3A_218 = arith.index_cast %add3A_203 : i32 to index
        %get3A_219 = arith.constant 16 : index
        %get3A_220 = tpu.vector_load %arg9[%get3A_218, %get3A_219] {strides = array<i32>} : memref<256x64xf32, #tpu.memory_space<vmem>>, vector<16xf32>,
        %mul3A_221 = arith.constant 8.000000e+00 : f32
        %mul3A_222 = vector.broadcast %mul3A_221 : f32 to vector<16xf32>
        %mul3A_223 = arith.mulf %get3A_220, %mul3A_222 : vector<16xf32>
        %mul3A_224 = arith.mulf %gather3A_199, %mul3A_11 : vector<16xf32>
        %add3A_225 = arith.addf %mul3A_223, %mul3A_224 : vector<16xf32>
        %swap3A_226 = arith.index_cast %add3A_207 : i32 to index
        %swap3A_227 = arith.constant 16 : index
        %swap3A_228 = tpu.vector_load %arg11[%swap3A_226, %swap3A_227] {strides = array<i32>} : memref<128x128xf32, #tpu.memory_space<vmem>>, vector<16xf32>,
        tpu.vector_store %arg11[%swap3A_226, %swap3A_227], %add3A_225 {strides = array<i32>} : memref<128x128xf32, #tpu.memory_space<vmem>>, vector<16xf32>,
        %get3A_229 = arith.index_cast %add3A_203 : i32 to index
        %get3A_230 = arith.constant 32 : index
        %get3A_231 = tpu.vector_load %arg9[%get3A_229, %get3A_230] {strides = array<i32>} : memref<256x64xf32, #tpu.memory_space<vmem>>, vector<16xf32>,
        %mul3A_232 = arith.constant 8.000000e+00 : f32
        %mul3A_233 = vector.broadcast %mul3A_232 : f32 to vector<16xf32>
        %mul3A_234 = arith.mulf %get3A_231, %mul3A_233 : vector<16xf32>
        %mul3A_235 = arith.mulf %gather3A_199, %mul3A_16 : vector<16xf32>
        %add3A_236 = arith.addf %mul3A_234, %mul3A_235 : vector<16xf32>
        %swap3A_237 = arith.index_cast %add3A_207 : i32 to index
        %swap3A_238 = arith.constant 32 : index
        %swap3A_239 = tpu.vector_load %arg11[%swap3A_237, %swap3A_238] {strides = array<i32>} : memref<128x128xf32, #tpu.memory_space<vmem>>, vector<16xf32>,
        tpu.vector_store %arg11[%swap3A_237, %swap3A_238], %add3A_236 {strides = array<i32>} : memref<128x128xf32, #tpu.memory_space<vmem>>, vector<16xf32>,
        %get3A_240 = arith.index_cast %add3A_203 : i32 to index
        %get3A_241 = arith.constant 48 : index
        %get3A_242 = tpu.vector_load %arg9[%get3A_240, %get3A_241] {strides = array<i32>} : memref<256x64xf32, #tpu.memory_space<vmem>>, vector<16xf32>,
        %mul3A_243 = arith.constant 8.000000e+00 : f32
        %mul3A_244 = vector.broadcast %mul3A_243 : f32 to vector<16xf32>
        %mul3A_245 = arith.mulf %get3A_242, %mul3A_244 : vector<16xf32>
        %mul3A_246 = arith.mulf %gather3A_199, %mul3A_21 : vector<16xf32>
        %add3A_247 = arith.addf %mul3A_245, %mul3A_246 : vector<16xf32>
        %swap3A_248 = arith.index_cast %add3A_207 : i32 to index
        %swap3A_249 = arith.constant 48 : index
        %swap3A_250 = tpu.vector_load %arg11[%swap3A_248, %swap3A_249] {strides = array<i32>} : memref<128x128xf32, #tpu.memory_space<vmem>>, vector<16xf32>,
        tpu.vector_store %arg11[%swap3A_248, %swap3A_249], %add3A_247 {strides = array<i32>} : memref<128x128xf32, #tpu.memory_space<vmem>>, vector<16xf32>,
        %broadcast_in_dim3A_251 = arith.constant 1 : i32
        %broadcast_in_dim3A_252 = vector.broadcast %broadcast_in_dim3A_251 : i32 to vector<16x1xi32>
        %gather3A_253 = vector.shape_cast %broadcast_in_dim3A_252 : vector<16x1xi32> to vector<16xi32>
        %gather3A_254 = tpu.dynamic_gather %get3A_197[%gather3A_253] in [0] : vector<16xf32>, vector<16xi32> -> vector<16xf32>
        %mul3A_255 = arith.constant 16 : i32
        %mul3A_256 = arith.muli %scan3A_190, %mul3A_255 : i32
        %add3A_257 = arith.constant 1 : i32
        %add3A_258 = arith.addi %mul3A_256, %add3A_257 : i32
        %mul3A_259 = arith.constant 8 : i32
        %mul3A_260 = arith.muli %scan3A_190, %mul3A_259 : i32
        %add3A_261 = arith.constant 0 : i32
        %add3A_262 = arith.addi %mul3A_260, %add3A_261 : i32
        %get3A_263 = arith.index_cast %add3A_258 : i32 to index
        %get3A_264 = arith.constant 0 : index
        %get3A_265 = tpu.vector_load %arg9[%get3A_263, %get3A_264] {strides = array<i32>} : memref<256x64xf32, #tpu.memory_space<vmem>>, vector<16xf32>,
        %mul3A_266 = arith.constant 8.000000e+00 : f32
        %mul3A_267 = vector.broadcast %mul3A_266 : f32 to vector<16xf32>
        %mul3A_268 = arith.mulf %get3A_265, %mul3A_267 : vector<16xf32>
        %mul3A_269 = arith.mulf %gather3A_254, %mul3A_6 : vector<16xf32>
        %add3A_270 = arith.addf %mul3A_268, %mul3A_269 : vector<16xf32>
        %swap3A_271 = arith.index_cast %add3A_262 : i32 to index
        %swap3A_272 = arith.constant 64 : index
        %swap3A_273 = tpu.vector_load %arg11[%swap3A_271, %swap3A_272] {strides = array<i32>} : memref<128x128xf32, #tpu.memory_space<vmem>>, vector<16xf32>,
        tpu.vector_store %arg11[%swap3A_271, %swap3A_272], %add3A_270 {strides = array<i32>} : memref<128x128xf32, #tpu.memory_space<vmem>>, vector<16xf32>,
        %get3A_274 = arith.index_cast %add3A_258 : i32 to index
        %get3A_275 = arith.constant 16 : index
        %get3A_276 = tpu.vector_load %arg9[%get3A_274, %get3A_275] {strides = array<i32>} : memref<256x64xf32, #tpu.memory_space<vmem>>, vector<16xf32>,
        %mul3A_277 = arith.constant 8.000000e+00 : f32
        %mul3A_278 = vector.broadcast %mul3A_277 : f32 to vector<16xf32>
        %mul3A_279 = arith.mulf %get3A_276, %mul3A_278 : vector<16xf32>
        %mul3A_280 = arith.mulf %gather3A_254, %mul3A_11 : vector<16xf32>
        %add3A_281 = arith.addf %mul3A_279, %mul3A_280 : vector<16xf32>
        %swap3A_282 = arith.index_cast %add3A_262 : i32 to index
        %swap3A_283 = arith.constant 80 : index
        %swap3A_284 = tpu.vector_load %arg11[%swap3A_282, %swap3A_283] {strides = array<i32>} : memref<128x128xf32, #tpu.memory_space<vmem>>, vector<16xf32>,
        tpu.vector_store %arg11[%swap3A_282, %swap3A_283], %add3A_281 {strides = array<i32>} : memref<128x128xf32, #tpu.memory_space<vmem>>, vector<16xf32>,
        %get3A_285 = arith.index_cast %add3A_258 : i32 to index
        %get3A_286 = arith.constant 32 : index
        %get3A_287 = tpu.vector_load %arg9[%get3A_285, %get3A_286] {strides = array<i32>} : memref<256x64xf32, #tpu.memory_space<vmem>>, vector<16xf32>,
        %mul3A_288 = arith.constant 8.000000e+00 : f32
        %mul3A_289 = vector.broadcast %mul3A_288 : f32 to vector<16xf32>
        %mul3A_290 = arith.mulf %get3A_287, %mul3A_289 : vector<16xf32>
        %mul3A_291 = arith.mulf %gather3A_254, %mul3A_16 : vector<16xf32>
        %add3A_292 = arith.addf %mul3A_290, %mul3A_291 : vector<16xf32>
        %swap3A_293 = arith.index_cast %add3A_262 : i32 to index
        %swap3A_294 = arith.constant 96 : index
        %swap3A_295 = tpu.vector_load %arg11[%swap3A_293, %swap3A_294] {strides = array<i32>} : memref<128x128xf32, #tpu.memory_space<vmem>>, vector<16xf32>,
        tpu.vector_store %arg11[%swap3A_293, %swap3A_294], %add3A_292 {strides = array<i32>} : memref<128x128xf32, #tpu.memory_space<vmem>>, vector<16xf32>,
        %get3A_296 = arith.index_cast %add3A_258 : i32 to index
        %get3A_297 = arith.constant 48 : index
        %get3A_298 = tpu.vector_load %arg9[%get3A_296, %get3A_297] {strides = array<i32>} : memref<256x64xf32, #tpu.memory_space<vmem>>, vector<16xf32>,
        %mul3A_299 = arith.constant 8.000000e+00 : f32
        %mul3A_300 = vector.broadcast %mul3A_299 : f32 to vector<16xf32>
        %mul3A_301 = arith.mulf %get3A_298, %mul3A_300 : vector<16xf32>
        %mul3A_302 = arith.mulf %gather3A_254, %mul3A_21 : vector<16xf32>
        %add3A_303 = arith.addf %mul3A_301, %mul3A_302 : vector<16xf32>
        %swap3A_304 = arith.index_cast %add3A_262 : i32 to index
        %swap3A_305 = arith.constant 112 : index
        %swap3A_306 = tpu.vector_load %arg11[%swap3A_304, %swap3A_305] {strides = array<i32>} : memref<128x128xf32, #tpu.memory_space<vmem>>, vector<16xf32>,
        tpu.vector_store %arg11[%swap3A_304, %swap3A_305], %add3A_303 {strides = array<i32>} : memref<128x128xf32, #tpu.memory_space<vmem>>, vector<16xf32>,
        %broadcast_in_dim3A_307 = arith.constant 2 : i32
        %broadcast_in_dim3A_308 = vector.broadcast %broadcast_in_dim3A_307 : i32 to vector<16x1xi32>
        %gather3A_309 = vector.shape_cast %broadcast_in_dim3A_308 : vector<16x1xi32> to vector<16xi32>
        %gather3A_310 = tpu.dynamic_gather %get3A_197[%gather3A_309] in [0] : vector<16xf32>, vector<16xi32> -> vector<16xf32>
        %mul3A_311 = arith.constant 16 : i32
        %mul3A_312 = arith.muli %scan3A_190, %mul3A_311 : i32
        %add3A_313 = arith.constant 2 : i32
        %add3A_314 = arith.addi %mul3A_312, %add3A_313 : i32
        %mul3A_315 = arith.constant 8 : i32
        %mul3A_316 = arith.muli %scan3A_190, %mul3A_315 : i32
        %add3A_317 = arith.constant 1 : i32
        %add3A_318 = arith.addi %mul3A_316, %add3A_317 : i32
        %get3A_319 = arith.index_cast %add3A_314 : i32 to index
        %get3A_320 = arith.constant 0 : index
        %get3A_321 = tpu.vector_load %arg9[%get3A_319, %get3A_320] {strides = array<i32>} : memref<256x64xf32, #tpu.memory_space<vmem>>, vector<16xf32>,
        %mul3A_322 = arith.constant 8.000000e+00 : f32
        %mul3A_323 = vector.broadcast %mul3A_322 : f32 to vector<16xf32>
        %mul3A_324 = arith.mulf %get3A_321, %mul3A_323 : vector<16xf32>
        %mul3A_325 = arith.mulf %gather3A_310, %mul3A_6 : vector<16xf32>
        %add3A_326 = arith.addf %mul3A_324, %mul3A_325 : vector<16xf32>
        %swap3A_327 = arith.index_cast %add3A_318 : i32 to index
        %swap3A_328 = arith.constant 0 : index
        %swap3A_329 = tpu.vector_load %arg11[%swap3A_327, %swap3A_328] {strides = array<i32>} : memref<128x128xf32, #tpu.memory_space<vmem>>, vector<16xf32>,
        tpu.vector_store %arg11[%swap3A_327, %swap3A_328], %add3A_326 {strides = array<i32>} : memref<128x128xf32, #tpu.memory_space<vmem>>, vector<16xf32>,
        %get3A_330 = arith.index_cast %add3A_314 : i32 to index
        %get3A_331 = arith.constant 16 : index
        %get3A_332 = tpu.vector_load %arg9[%get3A_330, %get3A_331] {strides = array<i32>} : memref<256x64xf32, #tpu.memory_space<vmem>>, vector<16xf32>,
        %mul3A_333 = arith.constant 8.000000e+00 : f32
        %mul3A_334 = vector.broadcast %mul3A_333 : f32 to vector<16xf32>
        %mul3A_335 = arith.mulf %get3A_332, %mul3A_334 : vector<16xf32>
        %mul3A_336 = arith.mulf %gather3A_310, %mul3A_11 : vector<16xf32>
        %add3A_337 = arith.addf %mul3A_335, %mul3A_336 : vector<16xf32>
        %swap3A_338 = arith.index_cast %add3A_318 : i32 to index
        %swap3A_339 = arith.constant 16 : index
        %swap3A_340 = tpu.vector_load %arg11[%swap3A_338, %swap3A_339] {strides = array<i32>} : memref<128x128xf32, #tpu.memory_space<vmem>>, vector<16xf32>,
        tpu.vector_store %arg11[%swap3A_338, %swap3A_339], %add3A_337 {strides = array<i32>} : memref<128x128xf32, #tpu.memory_space<vmem>>, vector<16xf32>,
        %get3A_341 = arith.index_cast %add3A_314 : i32 to index
        %get3A_342 = arith.constant 32 : index
        %get3A_343 = tpu.vector_load %arg9[%get3A_341, %get3A_342] {strides = array<i32>} : memref<256x64xf32, #tpu.memory_space<vmem>>, vector<16xf32>,
        %mul3A_344 = arith.constant 8.000000e+00 : f32
        %mul3A_345 = vector.broadcast %mul3A_344 : f32 to vector<16xf32>
        %mul3A_346 = arith.mulf %get3A_343, %mul3A_345 : vector<16xf32>
        %mul3A_347 = arith.mulf %gather3A_310, %mul3A_16 : vector<16xf32>
        %add3A_348 = arith.addf %mul3A_346, %mul3A_347 : vector<16xf32>
        %swap3A_349 = arith.index_cast %add3A_318 : i32 to index
        %swap3A_350 = arith.constant 32 : index
        %swap3A_351 = tpu.vector_load %arg11[%swap3A_349, %swap3A_350] {strides = array<i32>} : memref<128x128xf32, #tpu.memory_space<vmem>>, vector<16xf32>,
        tpu.vector_store %arg11[%swap3A_349, %swap3A_350], %add3A_348 {strides = array<i32>} : memref<128x128xf32, #tpu.memory_space<vmem>>, vector<16xf32>,
        %get3A_352 = arith.index_cast %add3A_314 : i32 to index
        %get3A_353 = arith.constant 48 : index
        %get3A_354 = tpu.vector_load %arg9[%get3A_352, %get3A_353] {strides = array<i32>} : memref<256x64xf32, #tpu.memory_space<vmem>>, vector<16xf32>,
        %mul3A_355 = arith.constant 8.000000e+00 : f32
        %mul3A_356 = vector.broadcast %mul3A_355 : f32 to vector<16xf32>
        %mul3A_357 = arith.mulf %get3A_354, %mul3A_356 : vector<16xf32>
        %mul3A_358 = arith.mulf %gather3A_310, %mul3A_21 : vector<16xf32>
        %add3A_359 = arith.addf %mul3A_357, %mul3A_358 : vector<16xf32>
        %swap3A_360 = arith.index_cast %add3A_318 : i32 to index
        %swap3A_361 = arith.constant 48 : index
        %swap3A_362 = tpu.vector_load %arg11[%swap3A_360, %swap3A_361] {strides = array<i32>} : memref<128x128xf32, #tpu.memory_space<vmem>>, vector<16xf32>,
        tpu.vector_store %arg11[%swap3A_360, %swap3A_361], %add3A_359 {strides = array<i32>} : memref<128x128xf32, #tpu.memory_space<vmem>>, vector<16xf32>,
        %broadcast_in_dim3A_363 = arith.constant 3 : i32
        %broadcast_in_dim3A_364 = vector.broadcast %broadcast_in_dim3A_363 : i32 to vector<16x1xi32>
        %gather3A_365 = vector.shape_cast %broadcast_in_dim3A_364 : vector<16x1xi32> to vector<16xi32>
        %gather3A_366 = tpu.dynamic_gather %get3A_197[%gather3A_365] in [0] : vector<16xf32>, vector<16xi32> -> vector<16xf32>
        %mul3A_367 = arith.constant 16 : i32
        %mul3A_368 = arith.muli %scan3A_190, %mul3A_367 : i32
        %add3A_369 = arith.constant 3 : i32
        %add3A_370 = arith.addi %mul3A_368, %add3A_369 : i32
        %mul3A_371 = arith.constant 8 : i32
        %mul3A_372 = arith.muli %scan3A_190, %mul3A_371 : i32
        %add3A_373 = arith.constant 1 : i32
        %add3A_374 = arith.addi %mul3A_372, %add3A_373 : i32
        %get3A_375 = arith.index_cast %add3A_370 : i32 to index
        %get3A_376 = arith.constant 0 : index
        %get3A_377 = tpu.vector_load %arg9[%get3A_375, %get3A_376] {strides = array<i32>} : memref<256x64xf32, #tpu.memory_space<vmem>>, vector<16xf32>,
        %mul3A_378 = arith.constant 8.000000e+00 : f32
        %mul3A_379 = vector.broadcast %mul3A_378 : f32 to vector<16xf32>
        %mul3A_380 = arith.mulf %get3A_377, %mul3A_379 : vector<16xf32>
        %mul3A_381 = arith.mulf %gather3A_366, %mul3A_6 : vector<16xf32>
        %add3A_382 = arith.addf %mul3A_380, %mul3A_381 : vector<16xf32>
        %swap3A_383 = arith.index_cast %add3A_374 : i32 to index
        %swap3A_384 = arith.constant 64 : index
        %swap3A_385 = tpu.vector_load %arg11[%swap3A_383, %swap3A_384] {strides = array<i32>} : memref<128x128xf32, #tpu.memory_space<vmem>>, vector<16xf32>,
        tpu.vector_store %arg11[%swap3A_383, %swap3A_384], %add3A_382 {strides = array<i32>} : memref<128x128xf32, #tpu.memory_space<vmem>>, vector<16xf32>,
        %get3A_386 = arith.index_cast %add3A_370 : i32 to index
        %get3A_387 = arith.constant 16 : index
        %get3A_388 = tpu.vector_load %arg9[%get3A_386, %get3A_387] {strides = array<i32>} : memref<256x64xf32, #tpu.memory_space<vmem>>, vector<16xf32>,
        %mul3A_389 = arith.constant 8.000000e+00 : f32
        %mul3A_390 = vector.broadcast %mul3A_389 : f32 to vector<16xf32>
        %mul3A_391 = arith.mulf %get3A_388, %mul3A_390 : vector<16xf32>
        %mul3A_392 = arith.mulf %gather3A_366, %mul3A_11 : vector<16xf32>
        %add3A_393 = arith.addf %mul3A_391, %mul3A_392 : vector<16xf32>
        %swap3A_394 = arith.index_cast %add3A_374 : i32 to index
        %swap3A_395 = arith.constant 80 : index
        %swap3A_396 = tpu.vector_load %arg11[%swap3A_394, %swap3A_395] {strides = array<i32>} : memref<128x128xf32, #tpu.memory_space<vmem>>, vector<16xf32>,
        tpu.vector_store %arg11[%swap3A_394, %swap3A_395], %add3A_393 {strides = array<i32>} : memref<128x128xf32, #tpu.memory_space<vmem>>, vector<16xf32>,
        %get3A_397 = arith.index_cast %add3A_370 : i32 to index
        %get3A_398 = arith.constant 32 : index
        %get3A_399 = tpu.vector_load %arg9[%get3A_397, %get3A_398] {strides = array<i32>} : memref<256x64xf32, #tpu.memory_space<vmem>>, vector<16xf32>,
        %mul3A_400 = arith.constant 8.000000e+00 : f32
        %mul3A_401 = vector.broadcast %mul3A_400 : f32 to vector<16xf32>
        %mul3A_402 = arith.mulf %get3A_399, %mul3A_401 : vector<16xf32>
        %mul3A_403 = arith.mulf %gather3A_366, %mul3A_16 : vector<16xf32>
        %add3A_404 = arith.addf %mul3A_402, %mul3A_403 : vector<16xf32>
        %swap3A_405 = arith.index_cast %add3A_374 : i32 to index
        %swap3A_406 = arith.constant 96 : index
        %swap3A_407 = tpu.vector_load %arg11[%swap3A_405, %swap3A_406] {strides = array<i32>} : memref<128x128xf32, #tpu.memory_space<vmem>>, vector<16xf32>,
        tpu.vector_store %arg11[%swap3A_405, %swap3A_406], %add3A_404 {strides = array<i32>} : memref<128x128xf32, #tpu.memory_space<vmem>>, vector<16xf32>,
        %get3A_408 = arith.index_cast %add3A_370 : i32 to index
        %get3A_409 = arith.constant 48 : index
        %get3A_410 = tpu.vector_load %arg9[%get3A_408, %get3A_409] {strides = array<i32>} : memref<256x64xf32, #tpu.memory_space<vmem>>, vector<16xf32>,
        %mul3A_411 = arith.constant 8.000000e+00 : f32
        %mul3A_412 = vector.broadcast %mul3A_411 : f32 to vector<16xf32>
        %mul3A_413 = arith.mulf %get3A_410, %mul3A_412 : vector<16xf32>
        %mul3A_414 = arith.mulf %gather3A_366, %mul3A_21 : vector<16xf32>
        %add3A_415 = arith.addf %mul3A_413, %mul3A_414 : vector<16xf32>
        %swap3A_416 = arith.index_cast %add3A_374 : i32 to index
        %swap3A_417 = arith.constant 112 : index
        %swap3A_418 = tpu.vector_load %arg11[%swap3A_416, %swap3A_417] {strides = array<i32>} : memref<128x128xf32, #tpu.memory_space<vmem>>, vector<16xf32>,
        tpu.vector_store %arg11[%swap3A_416, %swap3A_417], %add3A_415 {strides = array<i32>} : memref<128x128xf32, #tpu.memory_space<vmem>>, vector<16xf32>,
        %broadcast_in_dim3A_419 = arith.constant 4 : i32
        %broadcast_in_dim3A_420 = vector.broadcast %broadcast_in_dim3A_419 : i32 to vector<16x1xi32>
        %gather3A_421 = vector.shape_cast %broadcast_in_dim3A_420 : vector<16x1xi32> to vector<16xi32>
        %gather3A_422 = tpu.dynamic_gather %get3A_197[%gather3A_421] in [0] : vector<16xf32>, vector<16xi32> -> vector<16xf32>
        %mul3A_423 = arith.constant 16 : i32
        %mul3A_424 = arith.muli %scan3A_190, %mul3A_423 : i32
        %add3A_425 = arith.constant 4 : i32
        %add3A_426 = arith.addi %mul3A_424, %add3A_425 : i32
        %mul3A_427 = arith.constant 8 : i32
        %mul3A_428 = arith.muli %scan3A_190, %mul3A_427 : i32
        %add3A_429 = arith.constant 2 : i32
        %add3A_430 = arith.addi %mul3A_428, %add3A_429 : i32
        %get3A_431 = arith.index_cast %add3A_426 : i32 to index
        %get3A_432 = arith.constant 0 : index
        %get3A_433 = tpu.vector_load %arg9[%get3A_431, %get3A_432] {strides = array<i32>} : memref<256x64xf32, #tpu.memory_space<vmem>>, vector<16xf32>,
        %mul3A_434 = arith.constant 8.000000e+00 : f32
        %mul3A_435 = vector.broadcast %mul3A_434 : f32 to vector<16xf32>
        %mul3A_436 = arith.mulf %get3A_433, %mul3A_435 : vector<16xf32>
        %mul3A_437 = arith.mulf %gather3A_422, %mul3A_6 : vector<16xf32>
        %add3A_438 = arith.addf %mul3A_436, %mul3A_437 : vector<16xf32>
        %swap3A_439 = arith.index_cast %add3A_430 : i32 to index
        %swap3A_440 = arith.constant 0 : index
        %swap3A_441 = tpu.vector_load %arg11[%swap3A_439, %swap3A_440] {strides = array<i32>} : memref<128x128xf32, #tpu.memory_space<vmem>>, vector<16xf32>,
        tpu.vector_store %arg11[%swap3A_439, %swap3A_440], %add3A_438 {strides = array<i32>} : memref<128x128xf32, #tpu.memory_space<vmem>>, vector<16xf32>,
        %get3A_442 = arith.index_cast %add3A_426 : i32 to index
        %get3A_443 = arith.constant 16 : index
        %get3A_444 = tpu.vector_load %arg9[%get3A_442, %get3A_443] {strides = array<i32>} : memref<256x64xf32, #tpu.memory_space<vmem>>, vector<16xf32>,
        %mul3A_445 = arith.constant 8.000000e+00 : f32
        %mul3A_446 = vector.broadcast %mul3A_445 : f32 to vector<16xf32>
        %mul3A_447 = arith.mulf %get3A_444, %mul3A_446 : vector<16xf32>
        %mul3A_448 = arith.mulf %gather3A_422, %mul3A_11 : vector<16xf32>
        %add3A_449 = arith.addf %mul3A_447, %mul3A_448 : vector<16xf32>
        %swap3A_450 = arith.index_cast %add3A_430 : i32 to index
        %swap3A_451 = arith.constant 16 : index
        %swap3A_452 = tpu.vector_load %arg11[%swap3A_450, %swap3A_451] {strides = array<i32>} : memref<128x128xf32, #tpu.memory_space<vmem>>, vector<16xf32>,
        tpu.vector_store %arg11[%swap3A_450, %swap3A_451], %add3A_449 {strides = array<i32>} : memref<128x128xf32, #tpu.memory_space<vmem>>, vector<16xf32>,
        %get3A_453 = arith.index_cast %add3A_426 : i32 to index
        %get3A_454 = arith.constant 32 : index
        %get3A_455 = tpu.vector_load %arg9[%get3A_453, %get3A_454] {strides = array<i32>} : memref<256x64xf32, #tpu.memory_space<vmem>>, vector<16xf32>,
        %mul3A_456 = arith.constant 8.000000e+00 : f32
        %mul3A_457 = vector.broadcast %mul3A_456 : f32 to vector<16xf32>
        %mul3A_458 = arith.mulf %get3A_455, %mul3A_457 : vector<16xf32>
        %mul3A_459 = arith.mulf %gather3A_422, %mul3A_16 : vector<16xf32>
        %add3A_460 = arith.addf %mul3A_458, %mul3A_459 : vector<16xf32>
        %swap3A_461 = arith.index_cast %add3A_430 : i32 to index
        %swap3A_462 = arith.constant 32 : index
        %swap3A_463 = tpu.vector_load %arg11[%swap3A_461, %swap3A_462] {strides = array<i32>} : memref<128x128xf32, #tpu.memory_space<vmem>>, vector<16xf32>,
        tpu.vector_store %arg11[%swap3A_461, %swap3A_462], %add3A_460 {strides = array<i32>} : memref<128x128xf32, #tpu.memory_space<vmem>>, vector<16xf32>,
        %get3A_464 = arith.index_cast %add3A_426 : i32 to index
        %get3A_465 = arith.constant 48 : index
        %get3A_466 = tpu.vector_load %arg9[%get3A_464, %get3A_465] {strides = array<i32>} : memref<256x64xf32, #tpu.memory_space<vmem>>, vector<16xf32>,
        %mul3A_467 = arith.constant 8.000000e+00 : f32
        %mul3A_468 = vector.broadcast %mul3A_467 : f32 to vector<16xf32>
        %mul3A_469 = arith.mulf %get3A_466, %mul3A_468 : vector<16xf32>
        %mul3A_470 = arith.mulf %gather3A_422, %mul3A_21 : vector<16xf32>
        %add3A_471 = arith.addf %mul3A_469, %mul3A_470 : vector<16xf32>
        %swap3A_472 = arith.index_cast %add3A_430 : i32 to index
        %swap3A_473 = arith.constant 48 : index
        %swap3A_474 = tpu.vector_load %arg11[%swap3A_472, %swap3A_473] {strides = array<i32>} : memref<128x128xf32, #tpu.memory_space<vmem>>, vector<16xf32>,
        tpu.vector_store %arg11[%swap3A_472, %swap3A_473], %add3A_471 {strides = array<i32>} : memref<128x128xf32, #tpu.memory_space<vmem>>, vector<16xf32>,
        %broadcast_in_dim3A_475 = arith.constant 5 : i32
        %broadcast_in_dim3A_476 = vector.broadcast %broadcast_in_dim3A_475 : i32 to vector<16x1xi32>
        %gather3A_477 = vector.shape_cast %broadcast_in_dim3A_476 : vector<16x1xi32> to vector<16xi32>
        %gather3A_478 = tpu.dynamic_gather %get3A_197[%gather3A_477] in [0] : vector<16xf32>, vector<16xi32> -> vector<16xf32>
        %mul3A_479 = arith.constant 16 : i32
        %mul3A_480 = arith.muli %scan3A_190, %mul3A_479 : i32
        %add3A_481 = arith.constant 5 : i32
        %add3A_482 = arith.addi %mul3A_480, %add3A_481 : i32
        %mul3A_483 = arith.constant 8 : i32
        %mul3A_484 = arith.muli %scan3A_190, %mul3A_483 : i32
        %add3A_485 = arith.constant 2 : i32
        %add3A_486 = arith.addi %mul3A_484, %add3A_485 : i32
        %get3A_487 = arith.index_cast %add3A_482 : i32 to index
        %get3A_488 = arith.constant 0 : index
        %get3A_489 = tpu.vector_load %arg9[%get3A_487, %get3A_488] {strides = array<i32>} : memref<256x64xf32, #tpu.memory_space<vmem>>, vector<16xf32>,
        %mul3A_490 = arith.constant 8.000000e+00 : f32
        %mul3A_491 = vector.broadcast %mul3A_490 : f32 to vector<16xf32>
        %mul3A_492 = arith.mulf %get3A_489, %mul3A_491 : vector<16xf32>
        %mul3A_493 = arith.mulf %gather3A_478, %mul3A_6 : vector<16xf32>
        %add3A_494 = arith.addf %mul3A_492, %mul3A_493 : vector<16xf32>
        %swap3A_495 = arith.index_cast %add3A_486 : i32 to index
        %swap3A_496 = arith.constant 64 : index
        %swap3A_497 = tpu.vector_load %arg11[%swap3A_495, %swap3A_496] {strides = array<i32>} : memref<128x128xf32, #tpu.memory_space<vmem>>, vector<16xf32>,
        tpu.vector_store %arg11[%swap3A_495, %swap3A_496], %add3A_494 {strides = array<i32>} : memref<128x128xf32, #tpu.memory_space<vmem>>, vector<16xf32>,
        %get3A_498 = arith.index_cast %add3A_482 : i32 to index
        %get3A_499 = arith.constant 16 : index
        %get3A_500 = tpu.vector_load %arg9[%get3A_498, %get3A_499] {strides = array<i32>} : memref<256x64xf32, #tpu.memory_space<vmem>>, vector<16xf32>,
        %mul3A_501 = arith.constant 8.000000e+00 : f32
        %mul3A_502 = vector.broadcast %mul3A_501 : f32 to vector<16xf32>
        %mul3A_503 = arith.mulf %get3A_500, %mul3A_502 : vector<16xf32>
        %mul3A_504 = arith.mulf %gather3A_478, %mul3A_11 : vector<16xf32>
        %add3A_505 = arith.addf %mul3A_503, %mul3A_504 : vector<16xf32>
        %swap3A_506 = arith.index_cast %add3A_486 : i32 to index
        %swap3A_507 = arith.constant 80 : index
        %swap3A_508 = tpu.vector_load %arg11[%swap3A_506, %swap3A_507] {strides = array<i32>} : memref<128x128xf32, #tpu.memory_space<vmem>>, vector<16xf32>,
        tpu.vector_store %arg11[%swap3A_506, %swap3A_507], %add3A_505 {strides = array<i32>} : memref<128x128xf32, #tpu.memory_space<vmem>>, vector<16xf32>,
        %get3A_509 = arith.index_cast %add3A_482 : i32 to index
        %get3A_510 = arith.constant 32 : index
        %get3A_511 = tpu.vector_load %arg9[%get3A_509, %get3A_510] {strides = array<i32>} : memref<256x64xf32, #tpu.memory_space<vmem>>, vector<16xf32>,
        %mul3A_512 = arith.constant 8.000000e+00 : f32
        %mul3A_513 = vector.broadcast %mul3A_512 : f32 to vector<16xf32>
        %mul3A_514 = arith.mulf %get3A_511, %mul3A_513 : vector<16xf32>
        %mul3A_515 = arith.mulf %gather3A_478, %mul3A_16 : vector<16xf32>
        %add3A_516 = arith.addf %mul3A_514, %mul3A_515 : vector<16xf32>
        %swap3A_517 = arith.index_cast %add3A_486 : i32 to index
        %swap3A_518 = arith.constant 96 : index
        %swap3A_519 = tpu.vector_load %arg11[%swap3A_517, %swap3A_518] {strides = array<i32>} : memref<128x128xf32, #tpu.memory_space<vmem>>, vector<16xf32>,
        tpu.vector_store %arg11[%swap3A_517, %swap3A_518], %add3A_516 {strides = array<i32>} : memref<128x128xf32, #tpu.memory_space<vmem>>, vector<16xf32>,
        %get3A_520 = arith.index_cast %add3A_482 : i32 to index
        %get3A_521 = arith.constant 48 : index
        %get3A_522 = tpu.vector_load %arg9[%get3A_520, %get3A_521] {strides = array<i32>} : memref<256x64xf32, #tpu.memory_space<vmem>>, vector<16xf32>,
        %mul3A_523 = arith.constant 8.000000e+00 : f32
        %mul3A_524 = vector.broadcast %mul3A_523 : f32 to vector<16xf32>
        %mul3A_525 = arith.mulf %get3A_522, %mul3A_524 : vector<16xf32>
        %mul3A_526 = arith.mulf %gather3A_478, %mul3A_21 : vector<16xf32>
        %add3A_527 = arith.addf %mul3A_525, %mul3A_526 : vector<16xf32>
        %swap3A_528 = arith.index_cast %add3A_486 : i32 to index
        %swap3A_529 = arith.constant 112 : index
        %swap3A_530 = tpu.vector_load %arg11[%swap3A_528, %swap3A_529] {strides = array<i32>} : memref<128x128xf32, #tpu.memory_space<vmem>>, vector<16xf32>,
        tpu.vector_store %arg11[%swap3A_528, %swap3A_529], %add3A_527 {strides = array<i32>} : memref<128x128xf32, #tpu.memory_space<vmem>>, vector<16xf32>,
        %broadcast_in_dim3A_531 = arith.constant 6 : i32
        %broadcast_in_dim3A_532 = vector.broadcast %broadcast_in_dim3A_531 : i32 to vector<16x1xi32>
        %gather3A_533 = vector.shape_cast %broadcast_in_dim3A_532 : vector<16x1xi32> to vector<16xi32>
        %gather3A_534 = tpu.dynamic_gather %get3A_197[%gather3A_533] in [0] : vector<16xf32>, vector<16xi32> -> vector<16xf32>
        %mul3A_535 = arith.constant 16 : i32
        %mul3A_536 = arith.muli %scan3A_190, %mul3A_535 : i32
        %add3A_537 = arith.constant 6 : i32
        %add3A_538 = arith.addi %mul3A_536, %add3A_537 : i32
        %mul3A_539 = arith.constant 8 : i32
        %mul3A_540 = arith.muli %scan3A_190, %mul3A_539 : i32
        %add3A_541 = arith.constant 3 : i32
        %add3A_542 = arith.addi %mul3A_540, %add3A_541 : i32
        %get3A_543 = arith.index_cast %add3A_538 : i32 to index
        %get3A_544 = arith.constant 0 : index
        %get3A_545 = tpu.vector_load %arg9[%get3A_543, %get3A_544] {strides = array<i32>} : memref<256x64xf32, #tpu.memory_space<vmem>>, vector<16xf32>,
        %mul3A_546 = arith.constant 8.000000e+00 : f32
        %mul3A_547 = vector.broadcast %mul3A_546 : f32 to vector<16xf32>
        %mul3A_548 = arith.mulf %get3A_545, %mul3A_547 : vector<16xf32>
        %mul3A_549 = arith.mulf %gather3A_534, %mul3A_6 : vector<16xf32>
        %add3A_550 = arith.addf %mul3A_548, %mul3A_549 : vector<16xf32>
        %swap3A_551 = arith.index_cast %add3A_542 : i32 to index
        %swap3A_552 = arith.constant 0 : index
        %swap3A_553 = tpu.vector_load %arg11[%swap3A_551, %swap3A_552] {strides = array<i32>} : memref<128x128xf32, #tpu.memory_space<vmem>>, vector<16xf32>,
        tpu.vector_store %arg11[%swap3A_551, %swap3A_552], %add3A_550 {strides = array<i32>} : memref<128x128xf32, #tpu.memory_space<vmem>>, vector<16xf32>,
        %get3A_554 = arith.index_cast %add3A_538 : i32 to index
        %get3A_555 = arith.constant 16 : index
        %get3A_556 = tpu.vector_load %arg9[%get3A_554, %get3A_555] {strides = array<i32>} : memref<256x64xf32, #tpu.memory_space<vmem>>, vector<16xf32>,
        %mul3A_557 = arith.constant 8.000000e+00 : f32
        %mul3A_558 = vector.broadcast %mul3A_557 : f32 to vector<16xf32>
        %mul3A_559 = arith.mulf %get3A_556, %mul3A_558 : vector<16xf32>
        %mul3A_560 = arith.mulf %gather3A_534, %mul3A_11 : vector<16xf32>
        %add3A_561 = arith.addf %mul3A_559, %mul3A_560 : vector<16xf32>
        %swap3A_562 = arith.index_cast %add3A_542 : i32 to index
        %swap3A_563 = arith.constant 16 : index
        %swap3A_564 = tpu.vector_load %arg11[%swap3A_562, %swap3A_563] {strides = array<i32>} : memref<128x128xf32, #tpu.memory_space<vmem>>, vector<16xf32>,
        tpu.vector_store %arg11[%swap3A_562, %swap3A_563], %add3A_561 {strides = array<i32>} : memref<128x128xf32, #tpu.memory_space<vmem>>, vector<16xf32>,
        %get3A_565 = arith.index_cast %add3A_538 : i32 to index
        %get3A_566 = arith.constant 32 : index
        %get3A_567 = tpu.vector_load %arg9[%get3A_565, %get3A_566] {strides = array<i32>} : memref<256x64xf32, #tpu.memory_space<vmem>>, vector<16xf32>,
        %mul3A_568 = arith.constant 8.000000e+00 : f32
        %mul3A_569 = vector.broadcast %mul3A_568 : f32 to vector<16xf32>
        %mul3A_570 = arith.mulf %get3A_567, %mul3A_569 : vector<16xf32>
        %mul3A_571 = arith.mulf %gather3A_534, %mul3A_16 : vector<16xf32>
        %add3A_572 = arith.addf %mul3A_570, %mul3A_571 : vector<16xf32>
        %swap3A_573 = arith.index_cast %add3A_542 : i32 to index
        %swap3A_574 = arith.constant 32 : index
        %swap3A_575 = tpu.vector_load %arg11[%swap3A_573, %swap3A_574] {strides = array<i32>} : memref<128x128xf32, #tpu.memory_space<vmem>>, vector<16xf32>,
        tpu.vector_store %arg11[%swap3A_573, %swap3A_574], %add3A_572 {strides = array<i32>} : memref<128x128xf32, #tpu.memory_space<vmem>>, vector<16xf32>,
        %get3A_576 = arith.index_cast %add3A_538 : i32 to index
        %get3A_577 = arith.constant 48 : index
        %get3A_578 = tpu.vector_load %arg9[%get3A_576, %get3A_577] {strides = array<i32>} : memref<256x64xf32, #tpu.memory_space<vmem>>, vector<16xf32>,
        %mul3A_579 = arith.constant 8.000000e+00 : f32
        %mul3A_580 = vector.broadcast %mul3A_579 : f32 to vector<16xf32>
        %mul3A_581 = arith.mulf %get3A_578, %mul3A_580 : vector<16xf32>
        %mul3A_582 = arith.mulf %gather3A_534, %mul3A_21 : vector<16xf32>
        %add3A_583 = arith.addf %mul3A_581, %mul3A_582 : vector<16xf32>
        %swap3A_584 = arith.index_cast %add3A_542 : i32 to index
        %swap3A_585 = arith.constant 48 : index
        %swap3A_586 = tpu.vector_load %arg11[%swap3A_584, %swap3A_585] {strides = array<i32>} : memref<128x128xf32, #tpu.memory_space<vmem>>, vector<16xf32>,
        tpu.vector_store %arg11[%swap3A_584, %swap3A_585], %add3A_583 {strides = array<i32>} : memref<128x128xf32, #tpu.memory_space<vmem>>, vector<16xf32>,
        %broadcast_in_dim3A_587 = arith.constant 7 : i32
        %broadcast_in_dim3A_588 = vector.broadcast %broadcast_in_dim3A_587 : i32 to vector<16x1xi32>
        %gather3A_589 = vector.shape_cast %broadcast_in_dim3A_588 : vector<16x1xi32> to vector<16xi32>
        %gather3A_590 = tpu.dynamic_gather %get3A_197[%gather3A_589] in [0] : vector<16xf32>, vector<16xi32> -> vector<16xf32>
        %mul3A_591 = arith.constant 16 : i32
        %mul3A_592 = arith.muli %scan3A_190, %mul3A_591 : i32
        %add3A_593 = arith.constant 7 : i32
        %add3A_594 = arith.addi %mul3A_592, %add3A_593 : i32
        %mul3A_595 = arith.constant 8 : i32
        %mul3A_596 = arith.muli %scan3A_190, %mul3A_595 : i32
        %add3A_597 = arith.constant 3 : i32
        %add3A_598 = arith.addi %mul3A_596, %add3A_597 : i32
        %get3A_599 = arith.index_cast %add3A_594 : i32 to index
        %get3A_600 = arith.constant 0 : index
        %get3A_601 = tpu.vector_load %arg9[%get3A_599, %get3A_600] {strides = array<i32>} : memref<256x64xf32, #tpu.memory_space<vmem>>, vector<16xf32>,
        %mul3A_602 = arith.constant 8.000000e+00 : f32
        %mul3A_603 = vector.broadcast %mul3A_602 : f32 to vector<16xf32>
        %mul3A_604 = arith.mulf %get3A_601, %mul3A_603 : vector<16xf32>
        %mul3A_605 = arith.mulf %gather3A_590, %mul3A_6 : vector<16xf32>
        %add3A_606 = arith.addf %mul3A_604, %mul3A_605 : vector<16xf32>
        %swap3A_607 = arith.index_cast %add3A_598 : i32 to index
        %swap3A_608 = arith.constant 64 : index
        %swap3A_609 = tpu.vector_load %arg11[%swap3A_607, %swap3A_608] {strides = array<i32>} : memref<128x128xf32, #tpu.memory_space<vmem>>, vector<16xf32>,
        tpu.vector_store %arg11[%swap3A_607, %swap3A_608], %add3A_606 {strides = array<i32>} : memref<128x128xf32, #tpu.memory_space<vmem>>, vector<16xf32>,
        %get3A_610 = arith.index_cast %add3A_594 : i32 to index
        %get3A_611 = arith.constant 16 : index
        %get3A_612 = tpu.vector_load %arg9[%get3A_610, %get3A_611] {strides = array<i32>} : memref<256x64xf32, #tpu.memory_space<vmem>>, vector<16xf32>,
        %mul3A_613 = arith.constant 8.000000e+00 : f32
        %mul3A_614 = vector.broadcast %mul3A_613 : f32 to vector<16xf32>
        %mul3A_615 = arith.mulf %get3A_612, %mul3A_614 : vector<16xf32>
        %mul3A_616 = arith.mulf %gather3A_590, %mul3A_11 : vector<16xf32>
        %add3A_617 = arith.addf %mul3A_615, %mul3A_616 : vector<16xf32>
        %swap3A_618 = arith.index_cast %add3A_598 : i32 to index
        %swap3A_619 = arith.constant 80 : index
        %swap3A_620 = tpu.vector_load %arg11[%swap3A_618, %swap3A_619] {strides = array<i32>} : memref<128x128xf32, #tpu.memory_space<vmem>>, vector<16xf32>,
        tpu.vector_store %arg11[%swap3A_618, %swap3A_619], %add3A_617 {strides = array<i32>} : memref<128x128xf32, #tpu.memory_space<vmem>>, vector<16xf32>,
        %get3A_621 = arith.index_cast %add3A_594 : i32 to index
        %get3A_622 = arith.constant 32 : index
        %get3A_623 = tpu.vector_load %arg9[%get3A_621, %get3A_622] {strides = array<i32>} : memref<256x64xf32, #tpu.memory_space<vmem>>, vector<16xf32>,
        %mul3A_624 = arith.constant 8.000000e+00 : f32
        %mul3A_625 = vector.broadcast %mul3A_624 : f32 to vector<16xf32>
        %mul3A_626 = arith.mulf %get3A_623, %mul3A_625 : vector<16xf32>
        %mul3A_627 = arith.mulf %gather3A_590, %mul3A_16 : vector<16xf32>
        %add3A_628 = arith.addf %mul3A_626, %mul3A_627 : vector<16xf32>
        %swap3A_629 = arith.index_cast %add3A_598 : i32 to index
        %swap3A_630 = arith.constant 96 : index
        %swap3A_631 = tpu.vector_load %arg11[%swap3A_629, %swap3A_630] {strides = array<i32>} : memref<128x128xf32, #tpu.memory_space<vmem>>, vector<16xf32>,
        tpu.vector_store %arg11[%swap3A_629, %swap3A_630], %add3A_628 {strides = array<i32>} : memref<128x128xf32, #tpu.memory_space<vmem>>, vector<16xf32>,
        %get3A_632 = arith.index_cast %add3A_594 : i32 to index
        %get3A_633 = arith.constant 48 : index
        %get3A_634 = tpu.vector_load %arg9[%get3A_632, %get3A_633] {strides = array<i32>} : memref<256x64xf32, #tpu.memory_space<vmem>>, vector<16xf32>,
        %mul3A_635 = arith.constant 8.000000e+00 : f32
        %mul3A_636 = vector.broadcast %mul3A_635 : f32 to vector<16xf32>
        %mul3A_637 = arith.mulf %get3A_634, %mul3A_636 : vector<16xf32>
        %mul3A_638 = arith.mulf %gather3A_590, %mul3A_21 : vector<16xf32>
        %add3A_639 = arith.addf %mul3A_637, %mul3A_638 : vector<16xf32>
        %swap3A_640 = arith.index_cast %add3A_598 : i32 to index
        %swap3A_641 = arith.constant 112 : index
        %swap3A_642 = tpu.vector_load %arg11[%swap3A_640, %swap3A_641] {strides = array<i32>} : memref<128x128xf32, #tpu.memory_space<vmem>>, vector<16xf32>,
        tpu.vector_store %arg11[%swap3A_640, %swap3A_641], %add3A_639 {strides = array<i32>} : memref<128x128xf32, #tpu.memory_space<vmem>>, vector<16xf32>,
        %broadcast_in_dim3A_643 = arith.constant 8 : i32
        %broadcast_in_dim3A_644 = vector.broadcast %broadcast_in_dim3A_643 : i32 to vector<16x1xi32>
        %gather3A_645 = vector.shape_cast %broadcast_in_dim3A_644 : vector<16x1xi32> to vector<16xi32>
        %gather3A_646 = tpu.dynamic_gather %get3A_197[%gather3A_645] in [0] : vector<16xf32>, vector<16xi32> -> vector<16xf32>
        %mul3A_647 = arith.constant 16 : i32
        %mul3A_648 = arith.muli %scan3A_190, %mul3A_647 : i32
        %add3A_649 = arith.constant 8 : i32
        %add3A_650 = arith.addi %mul3A_648, %add3A_649 : i32
        %mul3A_651 = arith.constant 8 : i32
        %mul3A_652 = arith.muli %scan3A_190, %mul3A_651 : i32
        %add3A_653 = arith.constant 4 : i32
        %add3A_654 = arith.addi %mul3A_652, %add3A_653 : i32
        %get3A_655 = arith.index_cast %add3A_650 : i32 to index
        %get3A_656 = arith.constant 0 : index
        %get3A_657 = tpu.vector_load %arg9[%get3A_655, %get3A_656] {strides = array<i32>} : memref<256x64xf32, #tpu.memory_space<vmem>>, vector<16xf32>,
        %mul3A_658 = arith.constant 8.000000e+00 : f32
        %mul3A_659 = vector.broadcast %mul3A_658 : f32 to vector<16xf32>
        %mul3A_660 = arith.mulf %get3A_657, %mul3A_659 : vector<16xf32>
        %mul3A_661 = arith.mulf %gather3A_646, %mul3A_6 : vector<16xf32>
        %add3A_662 = arith.addf %mul3A_660, %mul3A_661 : vector<16xf32>
        %swap3A_663 = arith.index_cast %add3A_654 : i32 to index
        %swap3A_664 = arith.constant 0 : index
        %swap3A_665 = tpu.vector_load %arg11[%swap3A_663, %swap3A_664] {strides = array<i32>} : memref<128x128xf32, #tpu.memory_space<vmem>>, vector<16xf32>,
        tpu.vector_store %arg11[%swap3A_663, %swap3A_664], %add3A_662 {strides = array<i32>} : memref<128x128xf32, #tpu.memory_space<vmem>>, vector<16xf32>,
        %get3A_666 = arith.index_cast %add3A_650 : i32 to index
        %get3A_667 = arith.constant 16 : index
        %get3A_668 = tpu.vector_load %arg9[%get3A_666, %get3A_667] {strides = array<i32>} : memref<256x64xf32, #tpu.memory_space<vmem>>, vector<16xf32>,
        %mul3A_669 = arith.constant 8.000000e+00 : f32
        %mul3A_670 = vector.broadcast %mul3A_669 : f32 to vector<16xf32>
        %mul3A_671 = arith.mulf %get3A_668, %mul3A_670 : vector<16xf32>
        %mul3A_672 = arith.mulf %gather3A_646, %mul3A_11 : vector<16xf32>
        %add3A_673 = arith.addf %mul3A_671, %mul3A_672 : vector<16xf32>
        %swap3A_674 = arith.index_cast %add3A_654 : i32 to index
        %swap3A_675 = arith.constant 16 : index
        %swap3A_676 = tpu.vector_load %arg11[%swap3A_674, %swap3A_675] {strides = array<i32>} : memref<128x128xf32, #tpu.memory_space<vmem>>, vector<16xf32>,
        tpu.vector_store %arg11[%swap3A_674, %swap3A_675], %add3A_673 {strides = array<i32>} : memref<128x128xf32, #tpu.memory_space<vmem>>, vector<16xf32>,
        %get3A_677 = arith.index_cast %add3A_650 : i32 to index
        %get3A_678 = arith.constant 32 : index
        %get3A_679 = tpu.vector_load %arg9[%get3A_677, %get3A_678] {strides = array<i32>} : memref<256x64xf32, #tpu.memory_space<vmem>>, vector<16xf32>,
        %mul3A_680 = arith.constant 8.000000e+00 : f32
        %mul3A_681 = vector.broadcast %mul3A_680 : f32 to vector<16xf32>
        %mul3A_682 = arith.mulf %get3A_679, %mul3A_681 : vector<16xf32>
        %mul3A_683 = arith.mulf %gather3A_646, %mul3A_16 : vector<16xf32>
        %add3A_684 = arith.addf %mul3A_682, %mul3A_683 : vector<16xf32>
        %swap3A_685 = arith.index_cast %add3A_654 : i32 to index
        %swap3A_686 = arith.constant 32 : index
        %swap3A_687 = tpu.vector_load %arg11[%swap3A_685, %swap3A_686] {strides = array<i32>} : memref<128x128xf32, #tpu.memory_space<vmem>>, vector<16xf32>,
        tpu.vector_store %arg11[%swap3A_685, %swap3A_686], %add3A_684 {strides = array<i32>} : memref<128x128xf32, #tpu.memory_space<vmem>>, vector<16xf32>,
        %get3A_688 = arith.index_cast %add3A_650 : i32 to index
        %get3A_689 = arith.constant 48 : index
        %get3A_690 = tpu.vector_load %arg9[%get3A_688, %get3A_689] {strides = array<i32>} : memref<256x64xf32, #tpu.memory_space<vmem>>, vector<16xf32>,
        %mul3A_691 = arith.constant 8.000000e+00 : f32
        %mul3A_692 = vector.broadcast %mul3A_691 : f32 to vector<16xf32>
        %mul3A_693 = arith.mulf %get3A_690, %mul3A_692 : vector<16xf32>
        %mul3A_694 = arith.mulf %gather3A_646, %mul3A_21 : vector<16xf32>
        %add3A_695 = arith.addf %mul3A_693, %mul3A_694 : vector<16xf32>
        %swap3A_696 = arith.index_cast %add3A_654 : i32 to index
        %swap3A_697 = arith.constant 48 : index
        %swap3A_698 = tpu.vector_load %arg11[%swap3A_696, %swap3A_697] {strides = array<i32>} : memref<128x128xf32, #tpu.memory_space<vmem>>, vector<16xf32>,
        tpu.vector_store %arg11[%swap3A_696, %swap3A_697], %add3A_695 {strides = array<i32>} : memref<128x128xf32, #tpu.memory_space<vmem>>, vector<16xf32>,
        %broadcast_in_dim3A_699 = arith.constant 9 : i32
        %broadcast_in_dim3A_700 = vector.broadcast %broadcast_in_dim3A_699 : i32 to vector<16x1xi32>
        %gather3A_701 = vector.shape_cast %broadcast_in_dim3A_700 : vector<16x1xi32> to vector<16xi32>
        %gather3A_702 = tpu.dynamic_gather %get3A_197[%gather3A_701] in [0] : vector<16xf32>, vector<16xi32> -> vector<16xf32>
        %mul3A_703 = arith.constant 16 : i32
        %mul3A_704 = arith.muli %scan3A_190, %mul3A_703 : i32
        %add3A_705 = arith.constant 9 : i32
        %add3A_706 = arith.addi %mul3A_704, %add3A_705 : i32
        %mul3A_707 = arith.constant 8 : i32
        %mul3A_708 = arith.muli %scan3A_190, %mul3A_707 : i32
        %add3A_709 = arith.constant 4 : i32
        %add3A_710 = arith.addi %mul3A_708, %add3A_709 : i32
        %get3A_711 = arith.index_cast %add3A_706 : i32 to index
        %get3A_712 = arith.constant 0 : index
        %get3A_713 = tpu.vector_load %arg9[%get3A_711, %get3A_712] {strides = array<i32>} : memref<256x64xf32, #tpu.memory_space<vmem>>, vector<16xf32>,
        %mul3A_714 = arith.constant 8.000000e+00 : f32
        %mul3A_715 = vector.broadcast %mul3A_714 : f32 to vector<16xf32>
        %mul3A_716 = arith.mulf %get3A_713, %mul3A_715 : vector<16xf32>
        %mul3A_717 = arith.mulf %gather3A_702, %mul3A_6 : vector<16xf32>
        %add3A_718 = arith.addf %mul3A_716, %mul3A_717 : vector<16xf32>
        %swap3A_719 = arith.index_cast %add3A_710 : i32 to index
        %swap3A_720 = arith.constant 64 : index
        %swap3A_721 = tpu.vector_load %arg11[%swap3A_719, %swap3A_720] {strides = array<i32>} : memref<128x128xf32, #tpu.memory_space<vmem>>, vector<16xf32>,
        tpu.vector_store %arg11[%swap3A_719, %swap3A_720], %add3A_718 {strides = array<i32>} : memref<128x128xf32, #tpu.memory_space<vmem>>, vector<16xf32>,
        %get3A_722 = arith.index_cast %add3A_706 : i32 to index
        %get3A_723 = arith.constant 16 : index
        %get3A_724 = tpu.vector_load %arg9[%get3A_722, %get3A_723] {strides = array<i32>} : memref<256x64xf32, #tpu.memory_space<vmem>>, vector<16xf32>,
        %mul3A_725 = arith.constant 8.000000e+00 : f32
        %mul3A_726 = vector.broadcast %mul3A_725 : f32 to vector<16xf32>
        %mul3A_727 = arith.mulf %get3A_724, %mul3A_726 : vector<16xf32>
        %mul3A_728 = arith.mulf %gather3A_702, %mul3A_11 : vector<16xf32>
        %add3A_729 = arith.addf %mul3A_727, %mul3A_728 : vector<16xf32>
        %swap3A_730 = arith.index_cast %add3A_710 : i32 to index
        %swap3A_731 = arith.constant 80 : index
        %swap3A_732 = tpu.vector_load %arg11[%swap3A_730, %swap3A_731] {strides = array<i32>} : memref<128x128xf32, #tpu.memory_space<vmem>>, vector<16xf32>,
        tpu.vector_store %arg11[%swap3A_730, %swap3A_731], %add3A_729 {strides = array<i32>} : memref<128x128xf32, #tpu.memory_space<vmem>>, vector<16xf32>,
        %get3A_733 = arith.index_cast %add3A_706 : i32 to index
        %get3A_734 = arith.constant 32 : index
        %get3A_735 = tpu.vector_load %arg9[%get3A_733, %get3A_734] {strides = array<i32>} : memref<256x64xf32, #tpu.memory_space<vmem>>, vector<16xf32>,
        %mul3A_736 = arith.constant 8.000000e+00 : f32
        %mul3A_737 = vector.broadcast %mul3A_736 : f32 to vector<16xf32>
        %mul3A_738 = arith.mulf %get3A_735, %mul3A_737 : vector<16xf32>
        %mul3A_739 = arith.mulf %gather3A_702, %mul3A_16 : vector<16xf32>
        %add3A_740 = arith.addf %mul3A_738, %mul3A_739 : vector<16xf32>
        %swap3A_741 = arith.index_cast %add3A_710 : i32 to index
        %swap3A_742 = arith.constant 96 : index
        %swap3A_743 = tpu.vector_load %arg11[%swap3A_741, %swap3A_742] {strides = array<i32>} : memref<128x128xf32, #tpu.memory_space<vmem>>, vector<16xf32>,
        tpu.vector_store %arg11[%swap3A_741, %swap3A_742], %add3A_740 {strides = array<i32>} : memref<128x128xf32, #tpu.memory_space<vmem>>, vector<16xf32>,
        %get3A_744 = arith.index_cast %add3A_706 : i32 to index
        %get3A_745 = arith.constant 48 : index
        %get3A_746 = tpu.vector_load %arg9[%get3A_744, %get3A_745] {strides = array<i32>} : memref<256x64xf32, #tpu.memory_space<vmem>>, vector<16xf32>,
        %mul3A_747 = arith.constant 8.000000e+00 : f32
        %mul3A_748 = vector.broadcast %mul3A_747 : f32 to vector<16xf32>
        %mul3A_749 = arith.mulf %get3A_746, %mul3A_748 : vector<16xf32>
        %mul3A_750 = arith.mulf %gather3A_702, %mul3A_21 : vector<16xf32>
        %add3A_751 = arith.addf %mul3A_749, %mul3A_750 : vector<16xf32>
        %swap3A_752 = arith.index_cast %add3A_710 : i32 to index
        %swap3A_753 = arith.constant 112 : index
        %swap3A_754 = tpu.vector_load %arg11[%swap3A_752, %swap3A_753] {strides = array<i32>} : memref<128x128xf32, #tpu.memory_space<vmem>>, vector<16xf32>,
        tpu.vector_store %arg11[%swap3A_752, %swap3A_753], %add3A_751 {strides = array<i32>} : memref<128x128xf32, #tpu.memory_space<vmem>>, vector<16xf32>,
        %broadcast_in_dim3A_755 = arith.constant 10 : i32
        %broadcast_in_dim3A_756 = vector.broadcast %broadcast_in_dim3A_755 : i32 to vector<16x1xi32>
        %gather3A_757 = vector.shape_cast %broadcast_in_dim3A_756 : vector<16x1xi32> to vector<16xi32>
        %gather3A_758 = tpu.dynamic_gather %get3A_197[%gather3A_757] in [0] : vector<16xf32>, vector<16xi32> -> vector<16xf32>
        %mul3A_759 = arith.constant 16 : i32
        %mul3A_760 = arith.muli %scan3A_190, %mul3A_759 : i32
        %add3A_761 = arith.constant 10 : i32
        %add3A_762 = arith.addi %mul3A_760, %add3A_761 : i32
        %mul3A_763 = arith.constant 8 : i32
        %mul3A_764 = arith.muli %scan3A_190, %mul3A_763 : i32
        %add3A_765 = arith.constant 5 : i32
        %add3A_766 = arith.addi %mul3A_764, %add3A_765 : i32
        %get3A_767 = arith.index_cast %add3A_762 : i32 to index
        %get3A_768 = arith.constant 0 : index
        %get3A_769 = tpu.vector_load %arg9[%get3A_767, %get3A_768] {strides = array<i32>} : memref<256x64xf32, #tpu.memory_space<vmem>>, vector<16xf32>,
        %mul3A_770 = arith.constant 8.000000e+00 : f32
        %mul3A_771 = vector.broadcast %mul3A_770 : f32 to vector<16xf32>
        %mul3A_772 = arith.mulf %get3A_769, %mul3A_771 : vector<16xf32>
        %mul3A_773 = arith.mulf %gather3A_758, %mul3A_6 : vector<16xf32>
        %add3A_774 = arith.addf %mul3A_772, %mul3A_773 : vector<16xf32>
        %swap3A_775 = arith.index_cast %add3A_766 : i32 to index
        %swap3A_776 = arith.constant 0 : index
        %swap3A_777 = tpu.vector_load %arg11[%swap3A_775, %swap3A_776] {strides = array<i32>} : memref<128x128xf32, #tpu.memory_space<vmem>>, vector<16xf32>,
        tpu.vector_store %arg11[%swap3A_775, %swap3A_776], %add3A_774 {strides = array<i32>} : memref<128x128xf32, #tpu.memory_space<vmem>>, vector<16xf32>,
        %get3A_778 = arith.index_cast %add3A_762 : i32 to index
        %get3A_779 = arith.constant 16 : index
        %get3A_780 = tpu.vector_load %arg9[%get3A_778, %get3A_779] {strides = array<i32>} : memref<256x64xf32, #tpu.memory_space<vmem>>, vector<16xf32>,
        %mul3A_781 = arith.constant 8.000000e+00 : f32
        %mul3A_782 = vector.broadcast %mul3A_781 : f32 to vector<16xf32>
        %mul3A_783 = arith.mulf %get3A_780, %mul3A_782 : vector<16xf32>
        %mul3A_784 = arith.mulf %gather3A_758, %mul3A_11 : vector<16xf32>
        %add3A_785 = arith.addf %mul3A_783, %mul3A_784 : vector<16xf32>
        %swap3A_786 = arith.index_cast %add3A_766 : i32 to index
        %swap3A_787 = arith.constant 16 : index
        %swap3A_788 = tpu.vector_load %arg11[%swap3A_786, %swap3A_787] {strides = array<i32>} : memref<128x128xf32, #tpu.memory_space<vmem>>, vector<16xf32>,
        tpu.vector_store %arg11[%swap3A_786, %swap3A_787], %add3A_785 {strides = array<i32>} : memref<128x128xf32, #tpu.memory_space<vmem>>, vector<16xf32>,
        %get3A_789 = arith.index_cast %add3A_762 : i32 to index
        %get3A_790 = arith.constant 32 : index
        %get3A_791 = tpu.vector_load %arg9[%get3A_789, %get3A_790] {strides = array<i32>} : memref<256x64xf32, #tpu.memory_space<vmem>>, vector<16xf32>,
        %mul3A_792 = arith.constant 8.000000e+00 : f32
        %mul3A_793 = vector.broadcast %mul3A_792 : f32 to vector<16xf32>
        %mul3A_794 = arith.mulf %get3A_791, %mul3A_793 : vector<16xf32>
        %mul3A_795 = arith.mulf %gather3A_758, %mul3A_16 : vector<16xf32>
        %add3A_796 = arith.addf %mul3A_794, %mul3A_795 : vector<16xf32>
        %swap3A_797 = arith.index_cast %add3A_766 : i32 to index
        %swap3A_798 = arith.constant 32 : index
        %swap3A_799 = tpu.vector_load %arg11[%swap3A_797, %swap3A_798] {strides = array<i32>} : memref<128x128xf32, #tpu.memory_space<vmem>>, vector<16xf32>,
        tpu.vector_store %arg11[%swap3A_797, %swap3A_798], %add3A_796 {strides = array<i32>} : memref<128x128xf32, #tpu.memory_space<vmem>>, vector<16xf32>,
        %get3A_800 = arith.index_cast %add3A_762 : i32 to index
        %get3A_801 = arith.constant 48 : index
        %get3A_802 = tpu.vector_load %arg9[%get3A_800, %get3A_801] {strides = array<i32>} : memref<256x64xf32, #tpu.memory_space<vmem>>, vector<16xf32>,
        %mul3A_803 = arith.constant 8.000000e+00 : f32
        %mul3A_804 = vector.broadcast %mul3A_803 : f32 to vector<16xf32>
        %mul3A_805 = arith.mulf %get3A_802, %mul3A_804 : vector<16xf32>
        %mul3A_806 = arith.mulf %gather3A_758, %mul3A_21 : vector<16xf32>
        %add3A_807 = arith.addf %mul3A_805, %mul3A_806 : vector<16xf32>
        %swap3A_808 = arith.index_cast %add3A_766 : i32 to index
        %swap3A_809 = arith.constant 48 : index
        %swap3A_810 = tpu.vector_load %arg11[%swap3A_808, %swap3A_809] {strides = array<i32>} : memref<128x128xf32, #tpu.memory_space<vmem>>, vector<16xf32>,
        tpu.vector_store %arg11[%swap3A_808, %swap3A_809], %add3A_807 {strides = array<i32>} : memref<128x128xf32, #tpu.memory_space<vmem>>, vector<16xf32>,
        %broadcast_in_dim3A_811 = arith.constant 11 : i32
        %broadcast_in_dim3A_812 = vector.broadcast %broadcast_in_dim3A_811 : i32 to vector<16x1xi32>
        %gather3A_813 = vector.shape_cast %broadcast_in_dim3A_812 : vector<16x1xi32> to vector<16xi32>
        %gather3A_814 = tpu.dynamic_gather %get3A_197[%gather3A_813] in [0] : vector<16xf32>, vector<16xi32> -> vector<16xf32>
        %mul3A_815 = arith.constant 16 : i32
        %mul3A_816 = arith.muli %scan3A_190, %mul3A_815 : i32
        %add3A_817 = arith.constant 11 : i32
        %add3A_818 = arith.addi %mul3A_816, %add3A_817 : i32
        %mul3A_819 = arith.constant 8 : i32
        %mul3A_820 = arith.muli %scan3A_190, %mul3A_819 : i32
        %add3A_821 = arith.constant 5 : i32
        %add3A_822 = arith.addi %mul3A_820, %add3A_821 : i32
        %get3A_823 = arith.index_cast %add3A_818 : i32 to index
        %get3A_824 = arith.constant 0 : index
        %get3A_825 = tpu.vector_load %arg9[%get3A_823, %get3A_824] {strides = array<i32>} : memref<256x64xf32, #tpu.memory_space<vmem>>, vector<16xf32>,
        %mul3A_826 = arith.constant 8.000000e+00 : f32
        %mul3A_827 = vector.broadcast %mul3A_826 : f32 to vector<16xf32>
        %mul3A_828 = arith.mulf %get3A_825, %mul3A_827 : vector<16xf32>
        %mul3A_829 = arith.mulf %gather3A_814, %mul3A_6 : vector<16xf32>
        %add3A_830 = arith.addf %mul3A_828, %mul3A_829 : vector<16xf32>
        %swap3A_831 = arith.index_cast %add3A_822 : i32 to index
        %swap3A_832 = arith.constant 64 : index
        %swap3A_833 = tpu.vector_load %arg11[%swap3A_831, %swap3A_832] {strides = array<i32>} : memref<128x128xf32, #tpu.memory_space<vmem>>, vector<16xf32>,
        tpu.vector_store %arg11[%swap3A_831, %swap3A_832], %add3A_830 {strides = array<i32>} : memref<128x128xf32, #tpu.memory_space<vmem>>, vector<16xf32>,
        %get3A_834 = arith.index_cast %add3A_818 : i32 to index
        %get3A_835 = arith.constant 16 : index
        %get3A_836 = tpu.vector_load %arg9[%get3A_834, %get3A_835] {strides = array<i32>} : memref<256x64xf32, #tpu.memory_space<vmem>>, vector<16xf32>,
        %mul3A_837 = arith.constant 8.000000e+00 : f32
        %mul3A_838 = vector.broadcast %mul3A_837 : f32 to vector<16xf32>
        %mul3A_839 = arith.mulf %get3A_836, %mul3A_838 : vector<16xf32>
        %mul3A_840 = arith.mulf %gather3A_814, %mul3A_11 : vector<16xf32>
        %add3A_841 = arith.addf %mul3A_839, %mul3A_840 : vector<16xf32>
        %swap3A_842 = arith.index_cast %add3A_822 : i32 to index
        %swap3A_843 = arith.constant 80 : index
        %swap3A_844 = tpu.vector_load %arg11[%swap3A_842, %swap3A_843] {strides = array<i32>} : memref<128x128xf32, #tpu.memory_space<vmem>>, vector<16xf32>,
        tpu.vector_store %arg11[%swap3A_842, %swap3A_843], %add3A_841 {strides = array<i32>} : memref<128x128xf32, #tpu.memory_space<vmem>>, vector<16xf32>,
        %get3A_845 = arith.index_cast %add3A_818 : i32 to index
        %get3A_846 = arith.constant 32 : index
        %get3A_847 = tpu.vector_load %arg9[%get3A_845, %get3A_846] {strides = array<i32>} : memref<256x64xf32, #tpu.memory_space<vmem>>, vector<16xf32>,
        %mul3A_848 = arith.constant 8.000000e+00 : f32
        %mul3A_849 = vector.broadcast %mul3A_848 : f32 to vector<16xf32>
        %mul3A_850 = arith.mulf %get3A_847, %mul3A_849 : vector<16xf32>
        %mul3A_851 = arith.mulf %gather3A_814, %mul3A_16 : vector<16xf32>
        %add3A_852 = arith.addf %mul3A_850, %mul3A_851 : vector<16xf32>
        %swap3A_853 = arith.index_cast %add3A_822 : i32 to index
        %swap3A_854 = arith.constant 96 : index
        %swap3A_855 = tpu.vector_load %arg11[%swap3A_853, %swap3A_854] {strides = array<i32>} : memref<128x128xf32, #tpu.memory_space<vmem>>, vector<16xf32>,
        tpu.vector_store %arg11[%swap3A_853, %swap3A_854], %add3A_852 {strides = array<i32>} : memref<128x128xf32, #tpu.memory_space<vmem>>, vector<16xf32>,
        %get3A_856 = arith.index_cast %add3A_818 : i32 to index
        %get3A_857 = arith.constant 48 : index
        %get3A_858 = tpu.vector_load %arg9[%get3A_856, %get3A_857] {strides = array<i32>} : memref<256x64xf32, #tpu.memory_space<vmem>>, vector<16xf32>,
        %mul3A_859 = arith.constant 8.000000e+00 : f32
        %mul3A_860 = vector.broadcast %mul3A_859 : f32 to vector<16xf32>
        %mul3A_861 = arith.mulf %get3A_858, %mul3A_860 : vector<16xf32>
        %mul3A_862 = arith.mulf %gather3A_814, %mul3A_21 : vector<16xf32>
        %add3A_863 = arith.addf %mul3A_861, %mul3A_862 : vector<16xf32>
        %swap3A_864 = arith.index_cast %add3A_822 : i32 to index
        %swap3A_865 = arith.constant 112 : index
        %swap3A_866 = tpu.vector_load %arg11[%swap3A_864, %swap3A_865] {strides = array<i32>} : memref<128x128xf32, #tpu.memory_space<vmem>>, vector<16xf32>,
        tpu.vector_store %arg11[%swap3A_864, %swap3A_865], %add3A_863 {strides = array<i32>} : memref<128x128xf32, #tpu.memory_space<vmem>>, vector<16xf32>,
        %broadcast_in_dim3A_867 = arith.constant 12 : i32
        %broadcast_in_dim3A_868 = vector.broadcast %broadcast_in_dim3A_867 : i32 to vector<16x1xi32>
        %gather3A_869 = vector.shape_cast %broadcast_in_dim3A_868 : vector<16x1xi32> to vector<16xi32>
        %gather3A_870 = tpu.dynamic_gather %get3A_197[%gather3A_869] in [0] : vector<16xf32>, vector<16xi32> -> vector<16xf32>
        %mul3A_871 = arith.constant 16 : i32
        %mul3A_872 = arith.muli %scan3A_190, %mul3A_871 : i32
        %add3A_873 = arith.constant 12 : i32
        %add3A_874 = arith.addi %mul3A_872, %add3A_873 : i32
        %mul3A_875 = arith.constant 8 : i32
        %mul3A_876 = arith.muli %scan3A_190, %mul3A_875 : i32
        %add3A_877 = arith.constant 6 : i32
        %add3A_878 = arith.addi %mul3A_876, %add3A_877 : i32
        %get3A_879 = arith.index_cast %add3A_874 : i32 to index
        %get3A_880 = arith.constant 0 : index
        %get3A_881 = tpu.vector_load %arg9[%get3A_879, %get3A_880] {strides = array<i32>} : memref<256x64xf32, #tpu.memory_space<vmem>>, vector<16xf32>,
        %mul3A_882 = arith.constant 8.000000e+00 : f32
        %mul3A_883 = vector.broadcast %mul3A_882 : f32 to vector<16xf32>
        %mul3A_884 = arith.mulf %get3A_881, %mul3A_883 : vector<16xf32>
        %mul3A_885 = arith.mulf %gather3A_870, %mul3A_6 : vector<16xf32>
        %add3A_886 = arith.addf %mul3A_884, %mul3A_885 : vector<16xf32>
        %swap3A_887 = arith.index_cast %add3A_878 : i32 to index
        %swap3A_888 = arith.constant 0 : index
        %swap3A_889 = tpu.vector_load %arg11[%swap3A_887, %swap3A_888] {strides = array<i32>} : memref<128x128xf32, #tpu.memory_space<vmem>>, vector<16xf32>,
        tpu.vector_store %arg11[%swap3A_887, %swap3A_888], %add3A_886 {strides = array<i32>} : memref<128x128xf32, #tpu.memory_space<vmem>>, vector<16xf32>,
        %get3A_890 = arith.index_cast %add3A_874 : i32 to index
        %get3A_891 = arith.constant 16 : index
        %get3A_892 = tpu.vector_load %arg9[%get3A_890, %get3A_891] {strides = array<i32>} : memref<256x64xf32, #tpu.memory_space<vmem>>, vector<16xf32>,
        %mul3A_893 = arith.constant 8.000000e+00 : f32
        %mul3A_894 = vector.broadcast %mul3A_893 : f32 to vector<16xf32>
        %mul3A_895 = arith.mulf %get3A_892, %mul3A_894 : vector<16xf32>
        %mul3A_896 = arith.mulf %gather3A_870, %mul3A_11 : vector<16xf32>
        %add3A_897 = arith.addf %mul3A_895, %mul3A_896 : vector<16xf32>
        %swap3A_898 = arith.index_cast %add3A_878 : i32 to index
        %swap3A_899 = arith.constant 16 : index
        %swap3A_900 = tpu.vector_load %arg11[%swap3A_898, %swap3A_899] {strides = array<i32>} : memref<128x128xf32, #tpu.memory_space<vmem>>, vector<16xf32>,
        tpu.vector_store %arg11[%swap3A_898, %swap3A_899], %add3A_897 {strides = array<i32>} : memref<128x128xf32, #tpu.memory_space<vmem>>, vector<16xf32>,
        %get3A_901 = arith.index_cast %add3A_874 : i32 to index
        %get3A_902 = arith.constant 32 : index
        %get3A_903 = tpu.vector_load %arg9[%get3A_901, %get3A_902] {strides = array<i32>} : memref<256x64xf32, #tpu.memory_space<vmem>>, vector<16xf32>,
        %mul3A_904 = arith.constant 8.000000e+00 : f32
        %mul3A_905 = vector.broadcast %mul3A_904 : f32 to vector<16xf32>
        %mul3A_906 = arith.mulf %get3A_903, %mul3A_905 : vector<16xf32>
        %mul3A_907 = arith.mulf %gather3A_870, %mul3A_16 : vector<16xf32>
        %add3A_908 = arith.addf %mul3A_906, %mul3A_907 : vector<16xf32>
        %swap3A_909 = arith.index_cast %add3A_878 : i32 to index
        %swap3A_910 = arith.constant 32 : index
        %swap3A_911 = tpu.vector_load %arg11[%swap3A_909, %swap3A_910] {strides = array<i32>} : memref<128x128xf32, #tpu.memory_space<vmem>>, vector<16xf32>,
        tpu.vector_store %arg11[%swap3A_909, %swap3A_910], %add3A_908 {strides = array<i32>} : memref<128x128xf32, #tpu.memory_space<vmem>>, vector<16xf32>,
        %get3A_912 = arith.index_cast %add3A_874 : i32 to index
        %get3A_913 = arith.constant 48 : index
        %get3A_914 = tpu.vector_load %arg9[%get3A_912, %get3A_913] {strides = array<i32>} : memref<256x64xf32, #tpu.memory_space<vmem>>, vector<16xf32>,
        %mul3A_915 = arith.constant 8.000000e+00 : f32
        %mul3A_916 = vector.broadcast %mul3A_915 : f32 to vector<16xf32>
        %mul3A_917 = arith.mulf %get3A_914, %mul3A_916 : vector<16xf32>
        %mul3A_918 = arith.mulf %gather3A_870, %mul3A_21 : vector<16xf32>
        %add3A_919 = arith.addf %mul3A_917, %mul3A_918 : vector<16xf32>
        %swap3A_920 = arith.index_cast %add3A_878 : i32 to index
        %swap3A_921 = arith.constant 48 : index
        %swap3A_922 = tpu.vector_load %arg11[%swap3A_920, %swap3A_921] {strides = array<i32>} : memref<128x128xf32, #tpu.memory_space<vmem>>, vector<16xf32>,
        tpu.vector_store %arg11[%swap3A_920, %swap3A_921], %add3A_919 {strides = array<i32>} : memref<128x128xf32, #tpu.memory_space<vmem>>, vector<16xf32>,
        %broadcast_in_dim3A_923 = arith.constant 13 : i32
        %broadcast_in_dim3A_924 = vector.broadcast %broadcast_in_dim3A_923 : i32 to vector<16x1xi32>
        %gather3A_925 = vector.shape_cast %broadcast_in_dim3A_924 : vector<16x1xi32> to vector<16xi32>
        %gather3A_926 = tpu.dynamic_gather %get3A_197[%gather3A_925] in [0] : vector<16xf32>, vector<16xi32> -> vector<16xf32>
        %mul3A_927 = arith.constant 16 : i32
        %mul3A_928 = arith.muli %scan3A_190, %mul3A_927 : i32
        %add3A_929 = arith.constant 13 : i32
        %add3A_930 = arith.addi %mul3A_928, %add3A_929 : i32
        %mul3A_931 = arith.constant 8 : i32
        %mul3A_932 = arith.muli %scan3A_190, %mul3A_931 : i32
        %add3A_933 = arith.constant 6 : i32
        %add3A_934 = arith.addi %mul3A_932, %add3A_933 : i32
        %get3A_935 = arith.index_cast %add3A_930 : i32 to index
        %get3A_936 = arith.constant 0 : index
        %get3A_937 = tpu.vector_load %arg9[%get3A_935, %get3A_936] {strides = array<i32>} : memref<256x64xf32, #tpu.memory_space<vmem>>, vector<16xf32>,
        %mul3A_938 = arith.constant 8.000000e+00 : f32
        %mul3A_939 = vector.broadcast %mul3A_938 : f32 to vector<16xf32>
        %mul3A_940 = arith.mulf %get3A_937, %mul3A_939 : vector<16xf32>
        %mul3A_941 = arith.mulf %gather3A_926, %mul3A_6 : vector<16xf32>
        %add3A_942 = arith.addf %mul3A_940, %mul3A_941 : vector<16xf32>
        %swap3A_943 = arith.index_cast %add3A_934 : i32 to index
        %swap3A_944 = arith.constant 64 : index
        %swap3A_945 = tpu.vector_load %arg11[%swap3A_943, %swap3A_944] {strides = array<i32>} : memref<128x128xf32, #tpu.memory_space<vmem>>, vector<16xf32>,
        tpu.vector_store %arg11[%swap3A_943, %swap3A_944], %add3A_942 {strides = array<i32>} : memref<128x128xf32, #tpu.memory_space<vmem>>, vector<16xf32>,
        %get3A_946 = arith.index_cast %add3A_930 : i32 to index
        %get3A_947 = arith.constant 16 : index
        %get3A_948 = tpu.vector_load %arg9[%get3A_946, %get3A_947] {strides = array<i32>} : memref<256x64xf32, #tpu.memory_space<vmem>>, vector<16xf32>,
        %mul3A_949 = arith.constant 8.000000e+00 : f32
        %mul3A_950 = vector.broadcast %mul3A_949 : f32 to vector<16xf32>
        %mul3A_951 = arith.mulf %get3A_948, %mul3A_950 : vector<16xf32>
        %mul3A_952 = arith.mulf %gather3A_926, %mul3A_11 : vector<16xf32>
        %add3A_953 = arith.addf %mul3A_951, %mul3A_952 : vector<16xf32>
        %swap3A_954 = arith.index_cast %add3A_934 : i32 to index
        %swap3A_955 = arith.constant 80 : index
        %swap3A_956 = tpu.vector_load %arg11[%swap3A_954, %swap3A_955] {strides = array<i32>} : memref<128x128xf32, #tpu.memory_space<vmem>>, vector<16xf32>,
        tpu.vector_store %arg11[%swap3A_954, %swap3A_955], %add3A_953 {strides = array<i32>} : memref<128x128xf32, #tpu.memory_space<vmem>>, vector<16xf32>,
        %get3A_957 = arith.index_cast %add3A_930 : i32 to index
        %get3A_958 = arith.constant 32 : index
        %get3A_959 = tpu.vector_load %arg9[%get3A_957, %get3A_958] {strides = array<i32>} : memref<256x64xf32, #tpu.memory_space<vmem>>, vector<16xf32>,
        %mul3A_960 = arith.constant 8.000000e+00 : f32
        %mul3A_961 = vector.broadcast %mul3A_960 : f32 to vector<16xf32>
        %mul3A_962 = arith.mulf %get3A_959, %mul3A_961 : vector<16xf32>
        %mul3A_963 = arith.mulf %gather3A_926, %mul3A_16 : vector<16xf32>
        %add3A_964 = arith.addf %mul3A_962, %mul3A_963 : vector<16xf32>
        %swap3A_965 = arith.index_cast %add3A_934 : i32 to index
        %swap3A_966 = arith.constant 96 : index
        %swap3A_967 = tpu.vector_load %arg11[%swap3A_965, %swap3A_966] {strides = array<i32>} : memref<128x128xf32, #tpu.memory_space<vmem>>, vector<16xf32>,
        tpu.vector_store %arg11[%swap3A_965, %swap3A_966], %add3A_964 {strides = array<i32>} : memref<128x128xf32, #tpu.memory_space<vmem>>, vector<16xf32>,
        %get3A_968 = arith.index_cast %add3A_930 : i32 to index
        %get3A_969 = arith.constant 48 : index
        %get3A_970 = tpu.vector_load %arg9[%get3A_968, %get3A_969] {strides = array<i32>} : memref<256x64xf32, #tpu.memory_space<vmem>>, vector<16xf32>,
        %mul3A_971 = arith.constant 8.000000e+00 : f32
        %mul3A_972 = vector.broadcast %mul3A_971 : f32 to vector<16xf32>
        %mul3A_973 = arith.mulf %get3A_970, %mul3A_972 : vector<16xf32>
        %mul3A_974 = arith.mulf %gather3A_926, %mul3A_21 : vector<16xf32>
        %add3A_975 = arith.addf %mul3A_973, %mul3A_974 : vector<16xf32>
        %swap3A_976 = arith.index_cast %add3A_934 : i32 to index
        %swap3A_977 = arith.constant 112 : index
        %swap3A_978 = tpu.vector_load %arg11[%swap3A_976, %swap3A_977] {strides = array<i32>} : memref<128x128xf32, #tpu.memory_space<vmem>>, vector<16xf32>,
        tpu.vector_store %arg11[%swap3A_976, %swap3A_977], %add3A_975 {strides = array<i32>} : memref<128x128xf32, #tpu.memory_space<vmem>>, vector<16xf32>,
        %broadcast_in_dim3A_979 = arith.constant 14 : i32
        %broadcast_in_dim3A_980 = vector.broadcast %broadcast_in_dim3A_979 : i32 to vector<16x1xi32>
        %gather3A_981 = vector.shape_cast %broadcast_in_dim3A_980 : vector<16x1xi32> to vector<16xi32>
        %gather3A_982 = tpu.dynamic_gather %get3A_197[%gather3A_981] in [0] : vector<16xf32>, vector<16xi32> -> vector<16xf32>
        %mul3A_983 = arith.constant 16 : i32
        %mul3A_984 = arith.muli %scan3A_190, %mul3A_983 : i32
        %add3A_985 = arith.constant 14 : i32
        %add3A_986 = arith.addi %mul3A_984, %add3A_985 : i32
        %mul3A_987 = arith.constant 8 : i32
        %mul3A_988 = arith.muli %scan3A_190, %mul3A_987 : i32
        %add3A_989 = arith.constant 7 : i32
        %add3A_990 = arith.addi %mul3A_988, %add3A_989 : i32
        %get3A_991 = arith.index_cast %add3A_986 : i32 to index
        %get3A_992 = arith.constant 0 : index
        %get3A_993 = tpu.vector_load %arg9[%get3A_991, %get3A_992] {strides = array<i32>} : memref<256x64xf32, #tpu.memory_space<vmem>>, vector<16xf32>,
        %mul3A_994 = arith.constant 8.000000e+00 : f32
        %mul3A_995 = vector.broadcast %mul3A_994 : f32 to vector<16xf32>
        %mul3A_996 = arith.mulf %get3A_993, %mul3A_995 : vector<16xf32>
        %mul3A_997 = arith.mulf %gather3A_982, %mul3A_6 : vector<16xf32>
        %add3A_998 = arith.addf %mul3A_996, %mul3A_997 : vector<16xf32>
        %swap3A_999 = arith.index_cast %add3A_990 : i32 to index
        %swap3A_1000 = arith.constant 0 : index
        %swap3A_1001 = tpu.vector_load %arg11[%swap3A_999, %swap3A_1000] {strides = array<i32>} : memref<128x128xf32, #tpu.memory_space<vmem>>, vector<16xf32>,
        tpu.vector_store %arg11[%swap3A_999, %swap3A_1000], %add3A_998 {strides = array<i32>} : memref<128x128xf32, #tpu.memory_space<vmem>>, vector<16xf32>,
        %get3A_1002 = arith.index_cast %add3A_986 : i32 to index
        %get3A_1003 = arith.constant 16 : index
        %get3A_1004 = tpu.vector_load %arg9[%get3A_1002, %get3A_1003] {strides = array<i32>} : memref<256x64xf32, #tpu.memory_space<vmem>>, vector<16xf32>,
        %mul3A_1005 = arith.constant 8.000000e+00 : f32
        %mul3A_1006 = vector.broadcast %mul3A_1005 : f32 to vector<16xf32>
        %mul3A_1007 = arith.mulf %get3A_1004, %mul3A_1006 : vector<16xf32>
        %mul3A_1008 = arith.mulf %gather3A_982, %mul3A_11 : vector<16xf32>
        %add3A_1009 = arith.addf %mul3A_1007, %mul3A_1008 : vector<16xf32>
        %swap3A_1010 = arith.index_cast %add3A_990 : i32 to index
        %swap3A_1011 = arith.constant 16 : index
        %swap3A_1012 = tpu.vector_load %arg11[%swap3A_1010, %swap3A_1011] {strides = array<i32>} : memref<128x128xf32, #tpu.memory_space<vmem>>, vector<16xf32>,
        tpu.vector_store %arg11[%swap3A_1010, %swap3A_1011], %add3A_1009 {strides = array<i32>} : memref<128x128xf32, #tpu.memory_space<vmem>>, vector<16xf32>,
        %get3A_1013 = arith.index_cast %add3A_986 : i32 to index
        %get3A_1014 = arith.constant 32 : index
        %get3A_1015 = tpu.vector_load %arg9[%get3A_1013, %get3A_1014] {strides = array<i32>} : memref<256x64xf32, #tpu.memory_space<vmem>>, vector<16xf32>,
        %mul3A_1016 = arith.constant 8.000000e+00 : f32
        %mul3A_1017 = vector.broadcast %mul3A_1016 : f32 to vector<16xf32>
        %mul3A_1018 = arith.mulf %get3A_1015, %mul3A_1017 : vector<16xf32>
        %mul3A_1019 = arith.mulf %gather3A_982, %mul3A_16 : vector<16xf32>
        %add3A_1020 = arith.addf %mul3A_1018, %mul3A_1019 : vector<16xf32>
        %swap3A_1021 = arith.index_cast %add3A_990 : i32 to index
        %swap3A_1022 = arith.constant 32 : index
        %swap3A_1023 = tpu.vector_load %arg11[%swap3A_1021, %swap3A_1022] {strides = array<i32>} : memref<128x128xf32, #tpu.memory_space<vmem>>, vector<16xf32>,
        tpu.vector_store %arg11[%swap3A_1021, %swap3A_1022], %add3A_1020 {strides = array<i32>} : memref<128x128xf32, #tpu.memory_space<vmem>>, vector<16xf32>,
        %get3A_1024 = arith.index_cast %add3A_986 : i32 to index
        %get3A_1025 = arith.constant 48 : index
        %get3A_1026 = tpu.vector_load %arg9[%get3A_1024, %get3A_1025] {strides = array<i32>} : memref<256x64xf32, #tpu.memory_space<vmem>>, vector<16xf32>,
        %mul3A_1027 = arith.constant 8.000000e+00 : f32
        %mul3A_1028 = vector.broadcast %mul3A_1027 : f32 to vector<16xf32>
        %mul3A_1029 = arith.mulf %get3A_1026, %mul3A_1028 : vector<16xf32>
        %mul3A_1030 = arith.mulf %gather3A_982, %mul3A_21 : vector<16xf32>
        %add3A_1031 = arith.addf %mul3A_1029, %mul3A_1030 : vector<16xf32>
        %swap3A_1032 = arith.index_cast %add3A_990 : i32 to index
        %swap3A_1033 = arith.constant 48 : index
        %swap3A_1034 = tpu.vector_load %arg11[%swap3A_1032, %swap3A_1033] {strides = array<i32>} : memref<128x128xf32, #tpu.memory_space<vmem>>, vector<16xf32>,
        tpu.vector_store %arg11[%swap3A_1032, %swap3A_1033], %add3A_1031 {strides = array<i32>} : memref<128x128xf32, #tpu.memory_space<vmem>>, vector<16xf32>,
        %broadcast_in_dim3A_1035 = arith.constant 15 : i32
        %broadcast_in_dim3A_1036 = vector.broadcast %broadcast_in_dim3A_1035 : i32 to vector<16x1xi32>
        %gather3A_1037 = vector.shape_cast %broadcast_in_dim3A_1036 : vector<16x1xi32> to vector<16xi32>
        %gather3A_1038 = tpu.dynamic_gather %get3A_197[%gather3A_1037] in [0] : vector<16xf32>, vector<16xi32> -> vector<16xf32>
        %mul3A_1039 = arith.constant 16 : i32
        %mul3A_1040 = arith.muli %scan3A_190, %mul3A_1039 : i32
        %add3A_1041 = arith.constant 15 : i32
        %add3A_1042 = arith.addi %mul3A_1040, %add3A_1041 : i32
        %mul3A_1043 = arith.constant 8 : i32
        %mul3A_1044 = arith.muli %scan3A_190, %mul3A_1043 : i32
        %add3A_1045 = arith.constant 7 : i32
        %add3A_1046 = arith.addi %mul3A_1044, %add3A_1045 : i32
        %get3A_1047 = arith.index_cast %add3A_1042 : i32 to index
        %get3A_1048 = arith.constant 0 : index
        %get3A_1049 = tpu.vector_load %arg9[%get3A_1047, %get3A_1048] {strides = array<i32>} : memref<256x64xf32, #tpu.memory_space<vmem>>, vector<16xf32>,
        %mul3A_1050 = arith.constant 8.000000e+00 : f32
        %mul3A_1051 = vector.broadcast %mul3A_1050 : f32 to vector<16xf32>
        %mul3A_1052 = arith.mulf %get3A_1049, %mul3A_1051 : vector<16xf32>
        %mul3A_1053 = arith.mulf %gather3A_1038, %mul3A_6 : vector<16xf32>
        %add3A_1054 = arith.addf %mul3A_1052, %mul3A_1053 : vector<16xf32>
        %swap3A_1055 = arith.index_cast %add3A_1046 : i32 to index
        %swap3A_1056 = arith.constant 64 : index
        %swap3A_1057 = tpu.vector_load %arg11[%swap3A_1055, %swap3A_1056] {strides = array<i32>} : memref<128x128xf32, #tpu.memory_space<vmem>>, vector<16xf32>,
        tpu.vector_store %arg11[%swap3A_1055, %swap3A_1056], %add3A_1054 {strides = array<i32>} : memref<128x128xf32, #tpu.memory_space<vmem>>, vector<16xf32>,
        %get3A_1058 = arith.index_cast %add3A_1042 : i32 to index
        %get3A_1059 = arith.constant 16 : index
        %get3A_1060 = tpu.vector_load %arg9[%get3A_1058, %get3A_1059] {strides = array<i32>} : memref<256x64xf32, #tpu.memory_space<vmem>>, vector<16xf32>,
        %mul3A_1061 = arith.constant 8.000000e+00 : f32
        %mul3A_1062 = vector.broadcast %mul3A_1061 : f32 to vector<16xf32>
        %mul3A_1063 = arith.mulf %get3A_1060, %mul3A_1062 : vector<16xf32>
        %mul3A_1064 = arith.mulf %gather3A_1038, %mul3A_11 : vector<16xf32>
        %add3A_1065 = arith.addf %mul3A_1063, %mul3A_1064 : vector<16xf32>
        %swap3A_1066 = arith.index_cast %add3A_1046 : i32 to index
        %swap3A_1067 = arith.constant 80 : index
        %swap3A_1068 = tpu.vector_load %arg11[%swap3A_1066, %swap3A_1067] {strides = array<i32>} : memref<128x128xf32, #tpu.memory_space<vmem>>, vector<16xf32>,
        tpu.vector_store %arg11[%swap3A_1066, %swap3A_1067], %add3A_1065 {strides = array<i32>} : memref<128x128xf32, #tpu.memory_space<vmem>>, vector<16xf32>,
        %get3A_1069 = arith.index_cast %add3A_1042 : i32 to index
        %get3A_1070 = arith.constant 32 : index
        %get3A_1071 = tpu.vector_load %arg9[%get3A_1069, %get3A_1070] {strides = array<i32>} : memref<256x64xf32, #tpu.memory_space<vmem>>, vector<16xf32>,
        %mul3A_1072 = arith.constant 8.000000e+00 : f32
        %mul3A_1073 = vector.broadcast %mul3A_1072 : f32 to vector<16xf32>
        %mul3A_1074 = arith.mulf %get3A_1071, %mul3A_1073 : vector<16xf32>
        %mul3A_1075 = arith.mulf %gather3A_1038, %mul3A_16 : vector<16xf32>
        %add3A_1076 = arith.addf %mul3A_1074, %mul3A_1075 : vector<16xf32>
        %swap3A_1077 = arith.index_cast %add3A_1046 : i32 to index
        %swap3A_1078 = arith.constant 96 : index
        %swap3A_1079 = tpu.vector_load %arg11[%swap3A_1077, %swap3A_1078] {strides = array<i32>} : memref<128x128xf32, #tpu.memory_space<vmem>>, vector<16xf32>,
        tpu.vector_store %arg11[%swap3A_1077, %swap3A_1078], %add3A_1076 {strides = array<i32>} : memref<128x128xf32, #tpu.memory_space<vmem>>, vector<16xf32>,
        %get3A_1080 = arith.index_cast %add3A_1042 : i32 to index
        %get3A_1081 = arith.constant 48 : index
        %get3A_1082 = tpu.vector_load %arg9[%get3A_1080, %get3A_1081] {strides = array<i32>} : memref<256x64xf32, #tpu.memory_space<vmem>>, vector<16xf32>,
        %mul3A_1083 = arith.constant 8.000000e+00 : f32
        %mul3A_1084 = vector.broadcast %mul3A_1083 : f32 to vector<16xf32>
        %mul3A_1085 = arith.mulf %get3A_1082, %mul3A_1084 : vector<16xf32>
        %mul3A_1086 = arith.mulf %gather3A_1038, %mul3A_21 : vector<16xf32>
        %add3A_1087 = arith.addf %mul3A_1085, %mul3A_1086 : vector<16xf32>
        %swap3A_1088 = arith.index_cast %add3A_1046 : i32 to index
        %swap3A_1089 = arith.constant 112 : index
        %swap3A_1090 = tpu.vector_load %arg11[%swap3A_1088, %swap3A_1089] {strides = array<i32>} : memref<128x128xf32, #tpu.memory_space<vmem>>, vector<16xf32>,
        tpu.vector_store %arg11[%swap3A_1088, %swap3A_1089], %add3A_1087 {strides = array<i32>} : memref<128x128xf32, #tpu.memory_space<vmem>>, vector<16xf32>,
      }
      %scan3A_101 = arith.constant 16 : i32
      %mul3A_102 = arith.constant 256 : i32
      %mul3A_103 = arith.muli %mul3A_87, %mul3A_102 : i32
      %add3A_104 = arith.addi %mul3A_2, %mul3A_103 : i32
      %jit3A = arith.constant 2 : i32
      %div3A = arith.divsi %add3A_104, %jit3A : i32
      %sign3A = arith.constant 0 : i32
      %sign3A_105 = arith.cmpi sgt, %add3A_104, %sign3A : i32
      %sign3A_106 = arith.extui %sign3A_105 : i1 to i32
      %sign3A_107 = arith.constant 0 : i32
      %sign3A_108 = arith.cmpi slt, %add3A_104, %sign3A_107 : i32
      %sign3A_109 = arith.extui %sign3A_108 : i1 to i32
      %sign3A_110 = arith.subi %sign3A_106, %sign3A_109 : i32
      %sign3A_111 = arith.constant 0 : i32
      %sign3A_112 = arith.cmpi sgt, %jit3A, %sign3A_111 : i32
      %sign3A_113 = arith.extui %sign3A_112 : i1 to i32
      %sign3A_114 = arith.constant 0 : i32
      %sign3A_115 = arith.cmpi slt, %jit3A, %sign3A_114 : i32
      %sign3A_116 = arith.extui %sign3A_115 : i1 to i32
      %sign3A_117 = arith.subi %sign3A_113, %sign3A_116 : i32
      %ne3A = arith.cmpi ne, %sign3A_110, %sign3A_117 : i32
      %rem3A = arith.remsi %add3A_104, %jit3A : i32
      %ne3A_118 = arith.constant 0 : i32
      %ne3A_119 = arith.cmpi ne, %rem3A, %ne3A_118 : i32
      %and3A = arith.andi %ne3A, %ne3A_119 : i1
      %sub3A = arith.constant 1 : i32
      %sub3A_120 = arith.subi %div3A, %sub3A : i32
      %select_n3A = arith.select %and3A, %sub3A_120, %div3A : i32
      %dma_start3A_121 = arith.constant 0 : i32
      %dma_start3A_122 = tpu.memref_slice %arg6[%select_n3A, %dma_start3A_121] : memref<409600x128xf32, #tpu.memory_space<hbm>> -> memref<128x128xf32, #tpu.memory_space<hbm>>
      %dma_start3A_123 = arith.constant 0 : i32
      %dma_start3A_124 = tpu.memref_slice %arg6[%select_n3A, %dma_start3A_123] : memref<409600x128xf32, #tpu.memory_space<hbm>> -> memref<128x128xf32, #tpu.memory_space<hbm>>
      tpu.enqueue_dma source(%arg11 : memref<128x128xf32, #tpu.memory_space<vmem>>) target(%dma_start3A_124 : memref<128x128xf32, #tpu.memory_space<hbm>>) target_semaphore(%arg16 : memref<!tpu.dma_semaphore, #tpu.memory_space<semaphore_mem>>)
      %add3A_125 = arith.constant 2 : i32
      %add3A_126 = arith.addi %mul3A_87, %add3A_125 : i32
      %lt3A = arith.constant 100 : i32
      %lt3A_127 = arith.cmpi slt, %add3A_126, %lt3A : i32
      %convert_element_type3A_128 = arith.extui %lt3A_127 : i1 to i32
      %cond3A_129 = arith.constant 0 : i32
      %cond3A_130 = arith.cmpi ne, %convert_element_type3A_128, %cond3A_129 : i32
      scf.if %cond3A_130 {
        %add3A_190 = arith.constant 2 : i32
        %add3A_191 = arith.addi %mul3A_87, %add3A_190 : i32
        %mul3A_192 = arith.constant 2 : i32
        %mul3A_193 = arith.muli %add3A_191, %mul3A_192 : i32
        %add3A_194 = arith.constant 0 : i32
        %add3A_195 = arith.addi %mul3A_193, %add3A_194 : i32
        %dma_start3A_196 = arith.constant 0 : i32
        %dma_start3A_197 = arith.constant 0 : i32
        %dma_start3A_198 = tpu.memref_slice %arg9[%dma_start3A_196, %dma_start3A_197] : memref<256x64xf32, #tpu.memory_space<vmem>> -> memref<128x64xf32, #tpu.memory_space<vmem>>
        %dma_start3A_199 = arith.constant 0 : i32
        %dma_start3A_200 = tpu.memref_slice %arg7[%add3A_195, %dma_start3A_199] : memref<200x128xi32, #tpu.memory_space<vmem>> -> memref<1x128xi32, #tpu.memory_space<vmem>>
        %dma_start3A_201 = tpu.memref_squeeze %dma_start3A_200 : memref<1x128xi32, #tpu.memory_space<vmem>> -> memref<128xi32, #tpu.memory_space<vmem>>
        %dma_start3A_202 = arith.constant 0 : i32
        %dma_start3A_203 = arith.constant 0 : i32
        %dma_start3A_204 = tpu.memref_slice %arg4[%dma_start3A_202, %dma_start3A_203] : memref<1015808x64xf32, #tpu.memory_space<hbm>> -> memref<1015808x64xf32, #tpu.memory_space<hbm>>
        tpu.enqueue_indirect_dma source(%dma_start3A_204 : memref<1015808x64xf32, #tpu.memory_space<hbm>>) target(%dma_start3A_198 : memref<128x64xf32, #tpu.memory_space<vmem>>) offsets(%dma_start3A_201 : memref<128xi32, #tpu.memory_space<vmem>>) semaphore(%arg14 : memref<!tpu.dma_semaphore, #tpu.memory_space<semaphore_mem>>)
        %mul3A_205 = arith.constant 2 : i32
        %mul3A_206 = arith.muli %add3A_191, %mul3A_205 : i32
        %add3A_207 = arith.constant 1 : i32
        %add3A_208 = arith.addi %mul3A_206, %add3A_207 : i32
        %dma_start3A_209 = arith.constant 128 : i32
        %dma_start3A_210 = arith.constant 0 : i32
        %dma_start3A_211 = tpu.memref_slice %arg9[%dma_start3A_209, %dma_start3A_210] : memref<256x64xf32, #tpu.memory_space<vmem>> -> memref<128x64xf32, #tpu.memory_space<vmem>>
        %dma_start3A_212 = arith.constant 0 : i32
        %dma_start3A_213 = tpu.memref_slice %arg7[%add3A_208, %dma_start3A_212] : memref<200x128xi32, #tpu.memory_space<vmem>> -> memref<1x128xi32, #tpu.memory_space<vmem>>
        %dma_start3A_214 = tpu.memref_squeeze %dma_start3A_213 : memref<1x128xi32, #tpu.memory_space<vmem>> -> memref<128xi32, #tpu.memory_space<vmem>>
        %dma_start3A_215 = arith.constant 0 : i32
        %dma_start3A_216 = arith.constant 0 : i32
        %dma_start3A_217 = tpu.memref_slice %arg4[%dma_start3A_215, %dma_start3A_216] : memref<1015808x64xf32, #tpu.memory_space<hbm>> -> memref<1015808x64xf32, #tpu.memory_space<hbm>>
        tpu.enqueue_indirect_dma source(%dma_start3A_217 : memref<1015808x64xf32, #tpu.memory_space<hbm>>) target(%dma_start3A_211 : memref<128x64xf32, #tpu.memory_space<vmem>>) offsets(%dma_start3A_214 : memref<128xi32, #tpu.memory_space<vmem>>) semaphore(%arg14 : memref<!tpu.dma_semaphore, #tpu.memory_space<semaphore_mem>>)
      } else {
      }
      %mul3A_131 = arith.constant 2 : i32
      %mul3A_132 = arith.muli %mul3A_131, %scan3A_85 : i32
      %add3A_133 = arith.constant 1 : i32
      %add3A_134 = arith.addi %mul3A_132, %add3A_133 : i32
      %dma_wait3A_135 = arith.constant 0 : i32
      %dma_wait3A_136 = arith.constant 0 : i32
      %dma_wait3A_137 = tpu.memref_slice %arg4[%dma_wait3A_135, %dma_wait3A_136] : memref<1015808x64xf32, #tpu.memory_space<hbm>> -> memref<256x64xf32, #tpu.memory_space<hbm>>
      %dma_wait3A_138 = arith.constant 0 : i32
      %dma_wait3A_139 = arith.constant 0 : i32
      %dma_wait3A_140 = tpu.memref_slice %arg4[%dma_wait3A_138, %dma_wait3A_139] : memref<1015808x64xf32, #tpu.memory_space<hbm>> -> memref<256x64xf32, #tpu.memory_space<hbm>>
      tpu.wait_dma2 semaphore(%arg15 : memref<!tpu.dma_semaphore, #tpu.memory_space<semaphore_mem>>) src(%dma_wait3A_140 : memref<256x64xf32, #tpu.memory_space<hbm>>) dst(%arg10 : memref<256x64xf32, #tpu.memory_space<vmem>>)
      %gt3A_141 = arith.constant 0 : i32
      %gt3A_142 = arith.cmpi sgt, %scan3A_85, %gt3A_141 : i32
      %convert_element_type3A_143 = arith.extui %gt3A_142 : i1 to i32
      %cond3A_144 = arith.constant 0 : i32
      %cond3A_145 = arith.cmpi ne, %convert_element_type3A_143, %cond3A_144 : i32
      scf.if %cond3A_145 {
        %dma_wait3A_190 = arith.constant 0 : i32
        %dma_wait3A_191 = arith.constant 0 : i32
        %dma_wait3A_192 = tpu.memref_slice %arg6[%dma_wait3A_190, %dma_wait3A_191] : memref<409600x128xf32, #tpu.memory_space<hbm>> -> memref<128x128xf32, #tpu.memory_space<hbm>>
        %dma_wait3A_193 = arith.constant 0 : i32
        %dma_wait3A_194 = arith.constant 0 : i32
        %dma_wait3A_195 = tpu.memref_slice %arg6[%dma_wait3A_193, %dma_wait3A_194] : memref<409600x128xf32, #tpu.memory_space<hbm>> -> memref<128x128xf32, #tpu.memory_space<hbm>>
        tpu.wait_dma2 semaphore(%arg17 : memref<!tpu.dma_semaphore, #tpu.memory_space<semaphore_mem>>) src(%dma_wait3A_195 : memref<128x128xf32, #tpu.memory_space<hbm>>) dst(%arg12 : memref<128x128xf32, #tpu.memory_space<vmem>>)
      } else {
      }
      %scan3A_146 = arith.constant 0 : i32
      %scan3A_147 = arith.constant 0 : i32
      %scan3A_148 = arith.constant 16 : i32
      %scan3A_149 = arith.addi %scan3A_147, %scan3A_148 : i32
      %scan3A_150 = arith.constant 1 : i32
      scf.for %scan3A_190 = %scan3A_147 to %scan3A_149 step %scan3A_150  : i32 {
        %mul3A_191 = arith.constant 256 : i32
        %mul3A_192 = arith.muli %add3A_134, %mul3A_191 : i32
        %mul3A_193 = arith.constant 16 : i32
        %mul3A_194 = arith.muli %scan3A_190, %mul3A_193 : i32
        %add3A_195 = arith.addi %mul3A_192, %mul3A_194 : i32
        %get3A_196 = arith.index_cast %add3A_195 : i32 to index
        %get3A_197 = tpu.vector_load %arg8[%get3A_196] {strides = array<i32>} : memref<25600xf32, #tpu.memory_space<vmem>>, vector<16xf32>,
        %broadcast_in_dim3A = arith.constant 0 : i32
        %broadcast_in_dim3A_198 = vector.broadcast %broadcast_in_dim3A : i32 to vector<16x1xi32>
        %gather3A = vector.shape_cast %broadcast_in_dim3A_198 : vector<16x1xi32> to vector<16xi32>
        %gather3A_199 = tpu.dynamic_gather %get3A_197[%gather3A] in [0] : vector<16xf32>, vector<16xi32> -> vector<16xf32>
        %mul3A_200 = arith.constant 16 : i32
        %mul3A_201 = arith.muli %scan3A_190, %mul3A_200 : i32
        %add3A_202 = arith.constant 0 : i32
        %add3A_203 = arith.addi %mul3A_201, %add3A_202 : i32
        %mul3A_204 = arith.constant 8 : i32
        %mul3A_205 = arith.muli %scan3A_190, %mul3A_204 : i32
        %add3A_206 = arith.constant 0 : i32
        %add3A_207 = arith.addi %mul3A_205, %add3A_206 : i32
        %get3A_208 = arith.index_cast %add3A_203 : i32 to index
        %get3A_209 = arith.constant 0 : index
        %get3A_210 = tpu.vector_load %arg10[%get3A_208, %get3A_209] {strides = array<i32>} : memref<256x64xf32, #tpu.memory_space<vmem>>, vector<16xf32>,
        %mul3A_211 = arith.constant 8.000000e+00 : f32
        %mul3A_212 = vector.broadcast %mul3A_211 : f32 to vector<16xf32>
        %mul3A_213 = arith.mulf %get3A_210, %mul3A_212 : vector<16xf32>
        %mul3A_214 = arith.mulf %gather3A_199, %mul3A_6 : vector<16xf32>
        %add3A_215 = arith.addf %mul3A_213, %mul3A_214 : vector<16xf32>
        %swap3A = arith.index_cast %add3A_207 : i32 to index
        %swap3A_216 = arith.constant 0 : index
        %swap3A_217 = tpu.vector_load %arg12[%swap3A, %swap3A_216] {strides = array<i32>} : memref<128x128xf32, #tpu.memory_space<vmem>>, vector<16xf32>,
        tpu.vector_store %arg12[%swap3A, %swap3A_216], %add3A_215 {strides = array<i32>} : memref<128x128xf32, #tpu.memory_space<vmem>>, vector<16xf32>,
        %get3A_218 = arith.index_cast %add3A_203 : i32 to index
        %get3A_219 = arith.constant 16 : index
        %get3A_220 = tpu.vector_load %arg10[%get3A_218, %get3A_219] {strides = array<i32>} : memref<256x64xf32, #tpu.memory_space<vmem>>, vector<16xf32>,
        %mul3A_221 = arith.constant 8.000000e+00 : f32
        %mul3A_222 = vector.broadcast %mul3A_221 : f32 to vector<16xf32>
        %mul3A_223 = arith.mulf %get3A_220, %mul3A_222 : vector<16xf32>
        %mul3A_224 = arith.mulf %gather3A_199, %mul3A_11 : vector<16xf32>
        %add3A_225 = arith.addf %mul3A_223, %mul3A_224 : vector<16xf32>
        %swap3A_226 = arith.index_cast %add3A_207 : i32 to index
        %swap3A_227 = arith.constant 16 : index
        %swap3A_228 = tpu.vector_load %arg12[%swap3A_226, %swap3A_227] {strides = array<i32>} : memref<128x128xf32, #tpu.memory_space<vmem>>, vector<16xf32>,
        tpu.vector_store %arg12[%swap3A_226, %swap3A_227], %add3A_225 {strides = array<i32>} : memref<128x128xf32, #tpu.memory_space<vmem>>, vector<16xf32>,
        %get3A_229 = arith.index_cast %add3A_203 : i32 to index
        %get3A_230 = arith.constant 32 : index
        %get3A_231 = tpu.vector_load %arg10[%get3A_229, %get3A_230] {strides = array<i32>} : memref<256x64xf32, #tpu.memory_space<vmem>>, vector<16xf32>,
        %mul3A_232 = arith.constant 8.000000e+00 : f32
        %mul3A_233 = vector.broadcast %mul3A_232 : f32 to vector<16xf32>
        %mul3A_234 = arith.mulf %get3A_231, %mul3A_233 : vector<16xf32>
        %mul3A_235 = arith.mulf %gather3A_199, %mul3A_16 : vector<16xf32>
        %add3A_236 = arith.addf %mul3A_234, %mul3A_235 : vector<16xf32>
        %swap3A_237 = arith.index_cast %add3A_207 : i32 to index
        %swap3A_238 = arith.constant 32 : index
        %swap3A_239 = tpu.vector_load %arg12[%swap3A_237, %swap3A_238] {strides = array<i32>} : memref<128x128xf32, #tpu.memory_space<vmem>>, vector<16xf32>,
        tpu.vector_store %arg12[%swap3A_237, %swap3A_238], %add3A_236 {strides = array<i32>} : memref<128x128xf32, #tpu.memory_space<vmem>>, vector<16xf32>,
        %get3A_240 = arith.index_cast %add3A_203 : i32 to index
        %get3A_241 = arith.constant 48 : index
        %get3A_242 = tpu.vector_load %arg10[%get3A_240, %get3A_241] {strides = array<i32>} : memref<256x64xf32, #tpu.memory_space<vmem>>, vector<16xf32>,
        %mul3A_243 = arith.constant 8.000000e+00 : f32
        %mul3A_244 = vector.broadcast %mul3A_243 : f32 to vector<16xf32>
        %mul3A_245 = arith.mulf %get3A_242, %mul3A_244 : vector<16xf32>
        %mul3A_246 = arith.mulf %gather3A_199, %mul3A_21 : vector<16xf32>
        %add3A_247 = arith.addf %mul3A_245, %mul3A_246 : vector<16xf32>
        %swap3A_248 = arith.index_cast %add3A_207 : i32 to index
        %swap3A_249 = arith.constant 48 : index
        %swap3A_250 = tpu.vector_load %arg12[%swap3A_248, %swap3A_249] {strides = array<i32>} : memref<128x128xf32, #tpu.memory_space<vmem>>, vector<16xf32>,
        tpu.vector_store %arg12[%swap3A_248, %swap3A_249], %add3A_247 {strides = array<i32>} : memref<128x128xf32, #tpu.memory_space<vmem>>, vector<16xf32>,
        %broadcast_in_dim3A_251 = arith.constant 1 : i32
        %broadcast_in_dim3A_252 = vector.broadcast %broadcast_in_dim3A_251 : i32 to vector<16x1xi32>
        %gather3A_253 = vector.shape_cast %broadcast_in_dim3A_252 : vector<16x1xi32> to vector<16xi32>
        %gather3A_254 = tpu.dynamic_gather %get3A_197[%gather3A_253] in [0] : vector<16xf32>, vector<16xi32> -> vector<16xf32>
        %mul3A_255 = arith.constant 16 : i32
        %mul3A_256 = arith.muli %scan3A_190, %mul3A_255 : i32
        %add3A_257 = arith.constant 1 : i32
        %add3A_258 = arith.addi %mul3A_256, %add3A_257 : i32
        %mul3A_259 = arith.constant 8 : i32
        %mul3A_260 = arith.muli %scan3A_190, %mul3A_259 : i32
        %add3A_261 = arith.constant 0 : i32
        %add3A_262 = arith.addi %mul3A_260, %add3A_261 : i32
        %get3A_263 = arith.index_cast %add3A_258 : i32 to index
        %get3A_264 = arith.constant 0 : index
        %get3A_265 = tpu.vector_load %arg10[%get3A_263, %get3A_264] {strides = array<i32>} : memref<256x64xf32, #tpu.memory_space<vmem>>, vector<16xf32>,
        %mul3A_266 = arith.constant 8.000000e+00 : f32
        %mul3A_267 = vector.broadcast %mul3A_266 : f32 to vector<16xf32>
        %mul3A_268 = arith.mulf %get3A_265, %mul3A_267 : vector<16xf32>
        %mul3A_269 = arith.mulf %gather3A_254, %mul3A_6 : vector<16xf32>
        %add3A_270 = arith.addf %mul3A_268, %mul3A_269 : vector<16xf32>
        %swap3A_271 = arith.index_cast %add3A_262 : i32 to index
        %swap3A_272 = arith.constant 64 : index
        %swap3A_273 = tpu.vector_load %arg12[%swap3A_271, %swap3A_272] {strides = array<i32>} : memref<128x128xf32, #tpu.memory_space<vmem>>, vector<16xf32>,
        tpu.vector_store %arg12[%swap3A_271, %swap3A_272], %add3A_270 {strides = array<i32>} : memref<128x128xf32, #tpu.memory_space<vmem>>, vector<16xf32>,
        %get3A_274 = arith.index_cast %add3A_258 : i32 to index
        %get3A_275 = arith.constant 16 : index
        %get3A_276 = tpu.vector_load %arg10[%get3A_274, %get3A_275] {strides = array<i32>} : memref<256x64xf32, #tpu.memory_space<vmem>>, vector<16xf32>,
        %mul3A_277 = arith.constant 8.000000e+00 : f32
        %mul3A_278 = vector.broadcast %mul3A_277 : f32 to vector<16xf32>
        %mul3A_279 = arith.mulf %get3A_276, %mul3A_278 : vector<16xf32>
        %mul3A_280 = arith.mulf %gather3A_254, %mul3A_11 : vector<16xf32>
        %add3A_281 = arith.addf %mul3A_279, %mul3A_280 : vector<16xf32>
        %swap3A_282 = arith.index_cast %add3A_262 : i32 to index
        %swap3A_283 = arith.constant 80 : index
        %swap3A_284 = tpu.vector_load %arg12[%swap3A_282, %swap3A_283] {strides = array<i32>} : memref<128x128xf32, #tpu.memory_space<vmem>>, vector<16xf32>,
        tpu.vector_store %arg12[%swap3A_282, %swap3A_283], %add3A_281 {strides = array<i32>} : memref<128x128xf32, #tpu.memory_space<vmem>>, vector<16xf32>,
        %get3A_285 = arith.index_cast %add3A_258 : i32 to index
        %get3A_286 = arith.constant 32 : index
        %get3A_287 = tpu.vector_load %arg10[%get3A_285, %get3A_286] {strides = array<i32>} : memref<256x64xf32, #tpu.memory_space<vmem>>, vector<16xf32>,
        %mul3A_288 = arith.constant 8.000000e+00 : f32
        %mul3A_289 = vector.broadcast %mul3A_288 : f32 to vector<16xf32>
        %mul3A_290 = arith.mulf %get3A_287, %mul3A_289 : vector<16xf32>
        %mul3A_291 = arith.mulf %gather3A_254, %mul3A_16 : vector<16xf32>
        %add3A_292 = arith.addf %mul3A_290, %mul3A_291 : vector<16xf32>
        %swap3A_293 = arith.index_cast %add3A_262 : i32 to index
        %swap3A_294 = arith.constant 96 : index
        %swap3A_295 = tpu.vector_load %arg12[%swap3A_293, %swap3A_294] {strides = array<i32>} : memref<128x128xf32, #tpu.memory_space<vmem>>, vector<16xf32>,
        tpu.vector_store %arg12[%swap3A_293, %swap3A_294], %add3A_292 {strides = array<i32>} : memref<128x128xf32, #tpu.memory_space<vmem>>, vector<16xf32>,
        %get3A_296 = arith.index_cast %add3A_258 : i32 to index
        %get3A_297 = arith.constant 48 : index
        %get3A_298 = tpu.vector_load %arg10[%get3A_296, %get3A_297] {strides = array<i32>} : memref<256x64xf32, #tpu.memory_space<vmem>>, vector<16xf32>,
        %mul3A_299 = arith.constant 8.000000e+00 : f32
        %mul3A_300 = vector.broadcast %mul3A_299 : f32 to vector<16xf32>
        %mul3A_301 = arith.mulf %get3A_298, %mul3A_300 : vector<16xf32>
        %mul3A_302 = arith.mulf %gather3A_254, %mul3A_21 : vector<16xf32>
        %add3A_303 = arith.addf %mul3A_301, %mul3A_302 : vector<16xf32>
        %swap3A_304 = arith.index_cast %add3A_262 : i32 to index
        %swap3A_305 = arith.constant 112 : index
        %swap3A_306 = tpu.vector_load %arg12[%swap3A_304, %swap3A_305] {strides = array<i32>} : memref<128x128xf32, #tpu.memory_space<vmem>>, vector<16xf32>,
        tpu.vector_store %arg12[%swap3A_304, %swap3A_305], %add3A_303 {strides = array<i32>} : memref<128x128xf32, #tpu.memory_space<vmem>>, vector<16xf32>,
        %broadcast_in_dim3A_307 = arith.constant 2 : i32
        %broadcast_in_dim3A_308 = vector.broadcast %broadcast_in_dim3A_307 : i32 to vector<16x1xi32>
        %gather3A_309 = vector.shape_cast %broadcast_in_dim3A_308 : vector<16x1xi32> to vector<16xi32>
        %gather3A_310 = tpu.dynamic_gather %get3A_197[%gather3A_309] in [0] : vector<16xf32>, vector<16xi32> -> vector<16xf32>
        %mul3A_311 = arith.constant 16 : i32
        %mul3A_312 = arith.muli %scan3A_190, %mul3A_311 : i32
        %add3A_313 = arith.constant 2 : i32
        %add3A_314 = arith.addi %mul3A_312, %add3A_313 : i32
        %mul3A_315 = arith.constant 8 : i32
        %mul3A_316 = arith.muli %scan3A_190, %mul3A_315 : i32
        %add3A_317 = arith.constant 1 : i32
        %add3A_318 = arith.addi %mul3A_316, %add3A_317 : i32
        %get3A_319 = arith.index_cast %add3A_314 : i32 to index
        %get3A_320 = arith.constant 0 : index
        %get3A_321 = tpu.vector_load %arg10[%get3A_319, %get3A_320] {strides = array<i32>} : memref<256x64xf32, #tpu.memory_space<vmem>>, vector<16xf32>,
        %mul3A_322 = arith.constant 8.000000e+00 : f32
        %mul3A_323 = vector.broadcast %mul3A_322 : f32 to vector<16xf32>
        %mul3A_324 = arith.mulf %get3A_321, %mul3A_323 : vector<16xf32>
        %mul3A_325 = arith.mulf %gather3A_310, %mul3A_6 : vector<16xf32>
        %add3A_326 = arith.addf %mul3A_324, %mul3A_325 : vector<16xf32>
        %swap3A_327 = arith.index_cast %add3A_318 : i32 to index
        %swap3A_328 = arith.constant 0 : index
        %swap3A_329 = tpu.vector_load %arg12[%swap3A_327, %swap3A_328] {strides = array<i32>} : memref<128x128xf32, #tpu.memory_space<vmem>>, vector<16xf32>,
        tpu.vector_store %arg12[%swap3A_327, %swap3A_328], %add3A_326 {strides = array<i32>} : memref<128x128xf32, #tpu.memory_space<vmem>>, vector<16xf32>,
        %get3A_330 = arith.index_cast %add3A_314 : i32 to index
        %get3A_331 = arith.constant 16 : index
        %get3A_332 = tpu.vector_load %arg10[%get3A_330, %get3A_331] {strides = array<i32>} : memref<256x64xf32, #tpu.memory_space<vmem>>, vector<16xf32>,
        %mul3A_333 = arith.constant 8.000000e+00 : f32
        %mul3A_334 = vector.broadcast %mul3A_333 : f32 to vector<16xf32>
        %mul3A_335 = arith.mulf %get3A_332, %mul3A_334 : vector<16xf32>
        %mul3A_336 = arith.mulf %gather3A_310, %mul3A_11 : vector<16xf32>
        %add3A_337 = arith.addf %mul3A_335, %mul3A_336 : vector<16xf32>
        %swap3A_338 = arith.index_cast %add3A_318 : i32 to index
        %swap3A_339 = arith.constant 16 : index
        %swap3A_340 = tpu.vector_load %arg12[%swap3A_338, %swap3A_339] {strides = array<i32>} : memref<128x128xf32, #tpu.memory_space<vmem>>, vector<16xf32>,
        tpu.vector_store %arg12[%swap3A_338, %swap3A_339], %add3A_337 {strides = array<i32>} : memref<128x128xf32, #tpu.memory_space<vmem>>, vector<16xf32>,
        %get3A_341 = arith.index_cast %add3A_314 : i32 to index
        %get3A_342 = arith.constant 32 : index
        %get3A_343 = tpu.vector_load %arg10[%get3A_341, %get3A_342] {strides = array<i32>} : memref<256x64xf32, #tpu.memory_space<vmem>>, vector<16xf32>,
        %mul3A_344 = arith.constant 8.000000e+00 : f32
        %mul3A_345 = vector.broadcast %mul3A_344 : f32 to vector<16xf32>
        %mul3A_346 = arith.mulf %get3A_343, %mul3A_345 : vector<16xf32>
        %mul3A_347 = arith.mulf %gather3A_310, %mul3A_16 : vector<16xf32>
        %add3A_348 = arith.addf %mul3A_346, %mul3A_347 : vector<16xf32>
        %swap3A_349 = arith.index_cast %add3A_318 : i32 to index
        %swap3A_350 = arith.constant 32 : index
        %swap3A_351 = tpu.vector_load %arg12[%swap3A_349, %swap3A_350] {strides = array<i32>} : memref<128x128xf32, #tpu.memory_space<vmem>>, vector<16xf32>,
        tpu.vector_store %arg12[%swap3A_349, %swap3A_350], %add3A_348 {strides = array<i32>} : memref<128x128xf32, #tpu.memory_space<vmem>>, vector<16xf32>,
        %get3A_352 = arith.index_cast %add3A_314 : i32 to index
        %get3A_353 = arith.constant 48 : index
        %get3A_354 = tpu.vector_load %arg10[%get3A_352, %get3A_353] {strides = array<i32>} : memref<256x64xf32, #tpu.memory_space<vmem>>, vector<16xf32>,
        %mul3A_355 = arith.constant 8.000000e+00 : f32
        %mul3A_356 = vector.broadcast %mul3A_355 : f32 to vector<16xf32>
        %mul3A_357 = arith.mulf %get3A_354, %mul3A_356 : vector<16xf32>
        %mul3A_358 = arith.mulf %gather3A_310, %mul3A_21 : vector<16xf32>
        %add3A_359 = arith.addf %mul3A_357, %mul3A_358 : vector<16xf32>
        %swap3A_360 = arith.index_cast %add3A_318 : i32 to index
        %swap3A_361 = arith.constant 48 : index
        %swap3A_362 = tpu.vector_load %arg12[%swap3A_360, %swap3A_361] {strides = array<i32>} : memref<128x128xf32, #tpu.memory_space<vmem>>, vector<16xf32>,
        tpu.vector_store %arg12[%swap3A_360, %swap3A_361], %add3A_359 {strides = array<i32>} : memref<128x128xf32, #tpu.memory_space<vmem>>, vector<16xf32>,
        %broadcast_in_dim3A_363 = arith.constant 3 : i32
        %broadcast_in_dim3A_364 = vector.broadcast %broadcast_in_dim3A_363 : i32 to vector<16x1xi32>
        %gather3A_365 = vector.shape_cast %broadcast_in_dim3A_364 : vector<16x1xi32> to vector<16xi32>
        %gather3A_366 = tpu.dynamic_gather %get3A_197[%gather3A_365] in [0] : vector<16xf32>, vector<16xi32> -> vector<16xf32>
        %mul3A_367 = arith.constant 16 : i32
        %mul3A_368 = arith.muli %scan3A_190, %mul3A_367 : i32
        %add3A_369 = arith.constant 3 : i32
        %add3A_370 = arith.addi %mul3A_368, %add3A_369 : i32
        %mul3A_371 = arith.constant 8 : i32
        %mul3A_372 = arith.muli %scan3A_190, %mul3A_371 : i32
        %add3A_373 = arith.constant 1 : i32
        %add3A_374 = arith.addi %mul3A_372, %add3A_373 : i32
        %get3A_375 = arith.index_cast %add3A_370 : i32 to index
        %get3A_376 = arith.constant 0 : index
        %get3A_377 = tpu.vector_load %arg10[%get3A_375, %get3A_376] {strides = array<i32>} : memref<256x64xf32, #tpu.memory_space<vmem>>, vector<16xf32>,
        %mul3A_378 = arith.constant 8.000000e+00 : f32
        %mul3A_379 = vector.broadcast %mul3A_378 : f32 to vector<16xf32>
        %mul3A_380 = arith.mulf %get3A_377, %mul3A_379 : vector<16xf32>
        %mul3A_381 = arith.mulf %gather3A_366, %mul3A_6 : vector<16xf32>
        %add3A_382 = arith.addf %mul3A_380, %mul3A_381 : vector<16xf32>
        %swap3A_383 = arith.index_cast %add3A_374 : i32 to index
        %swap3A_384 = arith.constant 64 : index
        %swap3A_385 = tpu.vector_load %arg12[%swap3A_383, %swap3A_384] {strides = array<i32>} : memref<128x128xf32, #tpu.memory_space<vmem>>, vector<16xf32>,
        tpu.vector_store %arg12[%swap3A_383, %swap3A_384], %add3A_382 {strides = array<i32>} : memref<128x128xf32, #tpu.memory_space<vmem>>, vector<16xf32>,
        %get3A_386 = arith.index_cast %add3A_370 : i32 to index
        %get3A_387 = arith.constant 16 : index
        %get3A_388 = tpu.vector_load %arg10[%get3A_386, %get3A_387] {strides = array<i32>} : memref<256x64xf32, #tpu.memory_space<vmem>>, vector<16xf32>,
        %mul3A_389 = arith.constant 8.000000e+00 : f32
        %mul3A_390 = vector.broadcast %mul3A_389 : f32 to vector<16xf32>
        %mul3A_391 = arith.mulf %get3A_388, %mul3A_390 : vector<16xf32>
        %mul3A_392 = arith.mulf %gather3A_366, %mul3A_11 : vector<16xf32>
        %add3A_393 = arith.addf %mul3A_391, %mul3A_392 : vector<16xf32>
        %swap3A_394 = arith.index_cast %add3A_374 : i32 to index
        %swap3A_395 = arith.constant 80 : index
        %swap3A_396 = tpu.vector_load %arg12[%swap3A_394, %swap3A_395] {strides = array<i32>} : memref<128x128xf32, #tpu.memory_space<vmem>>, vector<16xf32>,
        tpu.vector_store %arg12[%swap3A_394, %swap3A_395], %add3A_393 {strides = array<i32>} : memref<128x128xf32, #tpu.memory_space<vmem>>, vector<16xf32>,
        %get3A_397 = arith.index_cast %add3A_370 : i32 to index
        %get3A_398 = arith.constant 32 : index
        %get3A_399 = tpu.vector_load %arg10[%get3A_397, %get3A_398] {strides = array<i32>} : memref<256x64xf32, #tpu.memory_space<vmem>>, vector<16xf32>,
        %mul3A_400 = arith.constant 8.000000e+00 : f32
        %mul3A_401 = vector.broadcast %mul3A_400 : f32 to vector<16xf32>
        %mul3A_402 = arith.mulf %get3A_399, %mul3A_401 : vector<16xf32>
        %mul3A_403 = arith.mulf %gather3A_366, %mul3A_16 : vector<16xf32>
        %add3A_404 = arith.addf %mul3A_402, %mul3A_403 : vector<16xf32>
        %swap3A_405 = arith.index_cast %add3A_374 : i32 to index
        %swap3A_406 = arith.constant 96 : index
        %swap3A_407 = tpu.vector_load %arg12[%swap3A_405, %swap3A_406] {strides = array<i32>} : memref<128x128xf32, #tpu.memory_space<vmem>>, vector<16xf32>,
        tpu.vector_store %arg12[%swap3A_405, %swap3A_406], %add3A_404 {strides = array<i32>} : memref<128x128xf32, #tpu.memory_space<vmem>>, vector<16xf32>,
        %get3A_408 = arith.index_cast %add3A_370 : i32 to index
        %get3A_409 = arith.constant 48 : index
        %get3A_410 = tpu.vector_load %arg10[%get3A_408, %get3A_409] {strides = array<i32>} : memref<256x64xf32, #tpu.memory_space<vmem>>, vector<16xf32>,
        %mul3A_411 = arith.constant 8.000000e+00 : f32
        %mul3A_412 = vector.broadcast %mul3A_411 : f32 to vector<16xf32>
        %mul3A_413 = arith.mulf %get3A_410, %mul3A_412 : vector<16xf32>
        %mul3A_414 = arith.mulf %gather3A_366, %mul3A_21 : vector<16xf32>
        %add3A_415 = arith.addf %mul3A_413, %mul3A_414 : vector<16xf32>
        %swap3A_416 = arith.index_cast %add3A_374 : i32 to index
        %swap3A_417 = arith.constant 112 : index
        %swap3A_418 = tpu.vector_load %arg12[%swap3A_416, %swap3A_417] {strides = array<i32>} : memref<128x128xf32, #tpu.memory_space<vmem>>, vector<16xf32>,
        tpu.vector_store %arg12[%swap3A_416, %swap3A_417], %add3A_415 {strides = array<i32>} : memref<128x128xf32, #tpu.memory_space<vmem>>, vector<16xf32>,
        %broadcast_in_dim3A_419 = arith.constant 4 : i32
        %broadcast_in_dim3A_420 = vector.broadcast %broadcast_in_dim3A_419 : i32 to vector<16x1xi32>
        %gather3A_421 = vector.shape_cast %broadcast_in_dim3A_420 : vector<16x1xi32> to vector<16xi32>
        %gather3A_422 = tpu.dynamic_gather %get3A_197[%gather3A_421] in [0] : vector<16xf32>, vector<16xi32> -> vector<16xf32>
        %mul3A_423 = arith.constant 16 : i32
        %mul3A_424 = arith.muli %scan3A_190, %mul3A_423 : i32
        %add3A_425 = arith.constant 4 : i32
        %add3A_426 = arith.addi %mul3A_424, %add3A_425 : i32
        %mul3A_427 = arith.constant 8 : i32
        %mul3A_428 = arith.muli %scan3A_190, %mul3A_427 : i32
        %add3A_429 = arith.constant 2 : i32
        %add3A_430 = arith.addi %mul3A_428, %add3A_429 : i32
        %get3A_431 = arith.index_cast %add3A_426 : i32 to index
        %get3A_432 = arith.constant 0 : index
        %get3A_433 = tpu.vector_load %arg10[%get3A_431, %get3A_432] {strides = array<i32>} : memref<256x64xf32, #tpu.memory_space<vmem>>, vector<16xf32>,
        %mul3A_434 = arith.constant 8.000000e+00 : f32
        %mul3A_435 = vector.broadcast %mul3A_434 : f32 to vector<16xf32>
        %mul3A_436 = arith.mulf %get3A_433, %mul3A_435 : vector<16xf32>
        %mul3A_437 = arith.mulf %gather3A_422, %mul3A_6 : vector<16xf32>
        %add3A_438 = arith.addf %mul3A_436, %mul3A_437 : vector<16xf32>
        %swap3A_439 = arith.index_cast %add3A_430 : i32 to index
        %swap3A_440 = arith.constant 0 : index
        %swap3A_441 = tpu.vector_load %arg12[%swap3A_439, %swap3A_440] {strides = array<i32>} : memref<128x128xf32, #tpu.memory_space<vmem>>, vector<16xf32>,
        tpu.vector_store %arg12[%swap3A_439, %swap3A_440], %add3A_438 {strides = array<i32>} : memref<128x128xf32, #tpu.memory_space<vmem>>, vector<16xf32>,
        %get3A_442 = arith.index_cast %add3A_426 : i32 to index
        %get3A_443 = arith.constant 16 : index
        %get3A_444 = tpu.vector_load %arg10[%get3A_442, %get3A_443] {strides = array<i32>} : memref<256x64xf32, #tpu.memory_space<vmem>>, vector<16xf32>,
        %mul3A_445 = arith.constant 8.000000e+00 : f32
        %mul3A_446 = vector.broadcast %mul3A_445 : f32 to vector<16xf32>
        %mul3A_447 = arith.mulf %get3A_444, %mul3A_446 : vector<16xf32>
        %mul3A_448 = arith.mulf %gather3A_422, %mul3A_11 : vector<16xf32>
        %add3A_449 = arith.addf %mul3A_447, %mul3A_448 : vector<16xf32>
        %swap3A_450 = arith.index_cast %add3A_430 : i32 to index
        %swap3A_451 = arith.constant 16 : index
        %swap3A_452 = tpu.vector_load %arg12[%swap3A_450, %swap3A_451] {strides = array<i32>} : memref<128x128xf32, #tpu.memory_space<vmem>>, vector<16xf32>,
        tpu.vector_store %arg12[%swap3A_450, %swap3A_451], %add3A_449 {strides = array<i32>} : memref<128x128xf32, #tpu.memory_space<vmem>>, vector<16xf32>,
        %get3A_453 = arith.index_cast %add3A_426 : i32 to index
        %get3A_454 = arith.constant 32 : index
        %get3A_455 = tpu.vector_load %arg10[%get3A_453, %get3A_454] {strides = array<i32>} : memref<256x64xf32, #tpu.memory_space<vmem>>, vector<16xf32>,
        %mul3A_456 = arith.constant 8.000000e+00 : f32
        %mul3A_457 = vector.broadcast %mul3A_456 : f32 to vector<16xf32>
        %mul3A_458 = arith.mulf %get3A_455, %mul3A_457 : vector<16xf32>
        %mul3A_459 = arith.mulf %gather3A_422, %mul3A_16 : vector<16xf32>
        %add3A_460 = arith.addf %mul3A_458, %mul3A_459 : vector<16xf32>
        %swap3A_461 = arith.index_cast %add3A_430 : i32 to index
        %swap3A_462 = arith.constant 32 : index
        %swap3A_463 = tpu.vector_load %arg12[%swap3A_461, %swap3A_462] {strides = array<i32>} : memref<128x128xf32, #tpu.memory_space<vmem>>, vector<16xf32>,
        tpu.vector_store %arg12[%swap3A_461, %swap3A_462], %add3A_460 {strides = array<i32>} : memref<128x128xf32, #tpu.memory_space<vmem>>, vector<16xf32>,
        %get3A_464 = arith.index_cast %add3A_426 : i32 to index
        %get3A_465 = arith.constant 48 : index
        %get3A_466 = tpu.vector_load %arg10[%get3A_464, %get3A_465] {strides = array<i32>} : memref<256x64xf32, #tpu.memory_space<vmem>>, vector<16xf32>,
        %mul3A_467 = arith.constant 8.000000e+00 : f32
        %mul3A_468 = vector.broadcast %mul3A_467 : f32 to vector<16xf32>
        %mul3A_469 = arith.mulf %get3A_466, %mul3A_468 : vector<16xf32>
        %mul3A_470 = arith.mulf %gather3A_422, %mul3A_21 : vector<16xf32>
        %add3A_471 = arith.addf %mul3A_469, %mul3A_470 : vector<16xf32>
        %swap3A_472 = arith.index_cast %add3A_430 : i32 to index
        %swap3A_473 = arith.constant 48 : index
        %swap3A_474 = tpu.vector_load %arg12[%swap3A_472, %swap3A_473] {strides = array<i32>} : memref<128x128xf32, #tpu.memory_space<vmem>>, vector<16xf32>,
        tpu.vector_store %arg12[%swap3A_472, %swap3A_473], %add3A_471 {strides = array<i32>} : memref<128x128xf32, #tpu.memory_space<vmem>>, vector<16xf32>,
        %broadcast_in_dim3A_475 = arith.constant 5 : i32
        %broadcast_in_dim3A_476 = vector.broadcast %broadcast_in_dim3A_475 : i32 to vector<16x1xi32>
        %gather3A_477 = vector.shape_cast %broadcast_in_dim3A_476 : vector<16x1xi32> to vector<16xi32>
        %gather3A_478 = tpu.dynamic_gather %get3A_197[%gather3A_477] in [0] : vector<16xf32>, vector<16xi32> -> vector<16xf32>
        %mul3A_479 = arith.constant 16 : i32
        %mul3A_480 = arith.muli %scan3A_190, %mul3A_479 : i32
        %add3A_481 = arith.constant 5 : i32
        %add3A_482 = arith.addi %mul3A_480, %add3A_481 : i32
        %mul3A_483 = arith.constant 8 : i32
        %mul3A_484 = arith.muli %scan3A_190, %mul3A_483 : i32
        %add3A_485 = arith.constant 2 : i32
        %add3A_486 = arith.addi %mul3A_484, %add3A_485 : i32
        %get3A_487 = arith.index_cast %add3A_482 : i32 to index
        %get3A_488 = arith.constant 0 : index
        %get3A_489 = tpu.vector_load %arg10[%get3A_487, %get3A_488] {strides = array<i32>} : memref<256x64xf32, #tpu.memory_space<vmem>>, vector<16xf32>,
        %mul3A_490 = arith.constant 8.000000e+00 : f32
        %mul3A_491 = vector.broadcast %mul3A_490 : f32 to vector<16xf32>
        %mul3A_492 = arith.mulf %get3A_489, %mul3A_491 : vector<16xf32>
        %mul3A_493 = arith.mulf %gather3A_478, %mul3A_6 : vector<16xf32>
        %add3A_494 = arith.addf %mul3A_492, %mul3A_493 : vector<16xf32>
        %swap3A_495 = arith.index_cast %add3A_486 : i32 to index
        %swap3A_496 = arith.constant 64 : index
        %swap3A_497 = tpu.vector_load %arg12[%swap3A_495, %swap3A_496] {strides = array<i32>} : memref<128x128xf32, #tpu.memory_space<vmem>>, vector<16xf32>,
        tpu.vector_store %arg12[%swap3A_495, %swap3A_496], %add3A_494 {strides = array<i32>} : memref<128x128xf32, #tpu.memory_space<vmem>>, vector<16xf32>,
        %get3A_498 = arith.index_cast %add3A_482 : i32 to index
        %get3A_499 = arith.constant 16 : index
        %get3A_500 = tpu.vector_load %arg10[%get3A_498, %get3A_499] {strides = array<i32>} : memref<256x64xf32, #tpu.memory_space<vmem>>, vector<16xf32>,
        %mul3A_501 = arith.constant 8.000000e+00 : f32
        %mul3A_502 = vector.broadcast %mul3A_501 : f32 to vector<16xf32>
        %mul3A_503 = arith.mulf %get3A_500, %mul3A_502 : vector<16xf32>
        %mul3A_504 = arith.mulf %gather3A_478, %mul3A_11 : vector<16xf32>
        %add3A_505 = arith.addf %mul3A_503, %mul3A_504 : vector<16xf32>
        %swap3A_506 = arith.index_cast %add3A_486 : i32 to index
        %swap3A_507 = arith.constant 80 : index
        %swap3A_508 = tpu.vector_load %arg12[%swap3A_506, %swap3A_507] {strides = array<i32>} : memref<128x128xf32, #tpu.memory_space<vmem>>, vector<16xf32>,
        tpu.vector_store %arg12[%swap3A_506, %swap3A_507], %add3A_505 {strides = array<i32>} : memref<128x128xf32, #tpu.memory_space<vmem>>, vector<16xf32>,
        %get3A_509 = arith.index_cast %add3A_482 : i32 to index
        %get3A_510 = arith.constant 32 : index
        %get3A_511 = tpu.vector_load %arg10[%get3A_509, %get3A_510] {strides = array<i32>} : memref<256x64xf32, #tpu.memory_space<vmem>>, vector<16xf32>,
        %mul3A_512 = arith.constant 8.000000e+00 : f32
        %mul3A_513 = vector.broadcast %mul3A_512 : f32 to vector<16xf32>
        %mul3A_514 = arith.mulf %get3A_511, %mul3A_513 : vector<16xf32>
        %mul3A_515 = arith.mulf %gather3A_478, %mul3A_16 : vector<16xf32>
        %add3A_516 = arith.addf %mul3A_514, %mul3A_515 : vector<16xf32>
        %swap3A_517 = arith.index_cast %add3A_486 : i32 to index
        %swap3A_518 = arith.constant 96 : index
        %swap3A_519 = tpu.vector_load %arg12[%swap3A_517, %swap3A_518] {strides = array<i32>} : memref<128x128xf32, #tpu.memory_space<vmem>>, vector<16xf32>,
        tpu.vector_store %arg12[%swap3A_517, %swap3A_518], %add3A_516 {strides = array<i32>} : memref<128x128xf32, #tpu.memory_space<vmem>>, vector<16xf32>,
        %get3A_520 = arith.index_cast %add3A_482 : i32 to index
        %get3A_521 = arith.constant 48 : index
        %get3A_522 = tpu.vector_load %arg10[%get3A_520, %get3A_521] {strides = array<i32>} : memref<256x64xf32, #tpu.memory_space<vmem>>, vector<16xf32>,
        %mul3A_523 = arith.constant 8.000000e+00 : f32
        %mul3A_524 = vector.broadcast %mul3A_523 : f32 to vector<16xf32>
        %mul3A_525 = arith.mulf %get3A_522, %mul3A_524 : vector<16xf32>
        %mul3A_526 = arith.mulf %gather3A_478, %mul3A_21 : vector<16xf32>
        %add3A_527 = arith.addf %mul3A_525, %mul3A_526 : vector<16xf32>
        %swap3A_528 = arith.index_cast %add3A_486 : i32 to index
        %swap3A_529 = arith.constant 112 : index
        %swap3A_530 = tpu.vector_load %arg12[%swap3A_528, %swap3A_529] {strides = array<i32>} : memref<128x128xf32, #tpu.memory_space<vmem>>, vector<16xf32>,
        tpu.vector_store %arg12[%swap3A_528, %swap3A_529], %add3A_527 {strides = array<i32>} : memref<128x128xf32, #tpu.memory_space<vmem>>, vector<16xf32>,
        %broadcast_in_dim3A_531 = arith.constant 6 : i32
        %broadcast_in_dim3A_532 = vector.broadcast %broadcast_in_dim3A_531 : i32 to vector<16x1xi32>
        %gather3A_533 = vector.shape_cast %broadcast_in_dim3A_532 : vector<16x1xi32> to vector<16xi32>
        %gather3A_534 = tpu.dynamic_gather %get3A_197[%gather3A_533] in [0] : vector<16xf32>, vector<16xi32> -> vector<16xf32>
        %mul3A_535 = arith.constant 16 : i32
        %mul3A_536 = arith.muli %scan3A_190, %mul3A_535 : i32
        %add3A_537 = arith.constant 6 : i32
        %add3A_538 = arith.addi %mul3A_536, %add3A_537 : i32
        %mul3A_539 = arith.constant 8 : i32
        %mul3A_540 = arith.muli %scan3A_190, %mul3A_539 : i32
        %add3A_541 = arith.constant 3 : i32
        %add3A_542 = arith.addi %mul3A_540, %add3A_541 : i32
        %get3A_543 = arith.index_cast %add3A_538 : i32 to index
        %get3A_544 = arith.constant 0 : index
        %get3A_545 = tpu.vector_load %arg10[%get3A_543, %get3A_544] {strides = array<i32>} : memref<256x64xf32, #tpu.memory_space<vmem>>, vector<16xf32>,
        %mul3A_546 = arith.constant 8.000000e+00 : f32
        %mul3A_547 = vector.broadcast %mul3A_546 : f32 to vector<16xf32>
        %mul3A_548 = arith.mulf %get3A_545, %mul3A_547 : vector<16xf32>
        %mul3A_549 = arith.mulf %gather3A_534, %mul3A_6 : vector<16xf32>
        %add3A_550 = arith.addf %mul3A_548, %mul3A_549 : vector<16xf32>
        %swap3A_551 = arith.index_cast %add3A_542 : i32 to index
        %swap3A_552 = arith.constant 0 : index
        %swap3A_553 = tpu.vector_load %arg12[%swap3A_551, %swap3A_552] {strides = array<i32>} : memref<128x128xf32, #tpu.memory_space<vmem>>, vector<16xf32>,
        tpu.vector_store %arg12[%swap3A_551, %swap3A_552], %add3A_550 {strides = array<i32>} : memref<128x128xf32, #tpu.memory_space<vmem>>, vector<16xf32>,
        %get3A_554 = arith.index_cast %add3A_538 : i32 to index
        %get3A_555 = arith.constant 16 : index
        %get3A_556 = tpu.vector_load %arg10[%get3A_554, %get3A_555] {strides = array<i32>} : memref<256x64xf32, #tpu.memory_space<vmem>>, vector<16xf32>,
        %mul3A_557 = arith.constant 8.000000e+00 : f32
        %mul3A_558 = vector.broadcast %mul3A_557 : f32 to vector<16xf32>
        %mul3A_559 = arith.mulf %get3A_556, %mul3A_558 : vector<16xf32>
        %mul3A_560 = arith.mulf %gather3A_534, %mul3A_11 : vector<16xf32>
        %add3A_561 = arith.addf %mul3A_559, %mul3A_560 : vector<16xf32>
        %swap3A_562 = arith.index_cast %add3A_542 : i32 to index
        %swap3A_563 = arith.constant 16 : index
        %swap3A_564 = tpu.vector_load %arg12[%swap3A_562, %swap3A_563] {strides = array<i32>} : memref<128x128xf32, #tpu.memory_space<vmem>>, vector<16xf32>,
        tpu.vector_store %arg12[%swap3A_562, %swap3A_563], %add3A_561 {strides = array<i32>} : memref<128x128xf32, #tpu.memory_space<vmem>>, vector<16xf32>,
        %get3A_565 = arith.index_cast %add3A_538 : i32 to index
        %get3A_566 = arith.constant 32 : index
        %get3A_567 = tpu.vector_load %arg10[%get3A_565, %get3A_566] {strides = array<i32>} : memref<256x64xf32, #tpu.memory_space<vmem>>, vector<16xf32>,
        %mul3A_568 = arith.constant 8.000000e+00 : f32
        %mul3A_569 = vector.broadcast %mul3A_568 : f32 to vector<16xf32>
        %mul3A_570 = arith.mulf %get3A_567, %mul3A_569 : vector<16xf32>
        %mul3A_571 = arith.mulf %gather3A_534, %mul3A_16 : vector<16xf32>
        %add3A_572 = arith.addf %mul3A_570, %mul3A_571 : vector<16xf32>
        %swap3A_573 = arith.index_cast %add3A_542 : i32 to index
        %swap3A_574 = arith.constant 32 : index
        %swap3A_575 = tpu.vector_load %arg12[%swap3A_573, %swap3A_574] {strides = array<i32>} : memref<128x128xf32, #tpu.memory_space<vmem>>, vector<16xf32>,
        tpu.vector_store %arg12[%swap3A_573, %swap3A_574], %add3A_572 {strides = array<i32>} : memref<128x128xf32, #tpu.memory_space<vmem>>, vector<16xf32>,
        %get3A_576 = arith.index_cast %add3A_538 : i32 to index
        %get3A_577 = arith.constant 48 : index
        %get3A_578 = tpu.vector_load %arg10[%get3A_576, %get3A_577] {strides = array<i32>} : memref<256x64xf32, #tpu.memory_space<vmem>>, vector<16xf32>,
        %mul3A_579 = arith.constant 8.000000e+00 : f32
        %mul3A_580 = vector.broadcast %mul3A_579 : f32 to vector<16xf32>
        %mul3A_581 = arith.mulf %get3A_578, %mul3A_580 : vector<16xf32>
        %mul3A_582 = arith.mulf %gather3A_534, %mul3A_21 : vector<16xf32>
        %add3A_583 = arith.addf %mul3A_581, %mul3A_582 : vector<16xf32>
        %swap3A_584 = arith.index_cast %add3A_542 : i32 to index
        %swap3A_585 = arith.constant 48 : index
        %swap3A_586 = tpu.vector_load %arg12[%swap3A_584, %swap3A_585] {strides = array<i32>} : memref<128x128xf32, #tpu.memory_space<vmem>>, vector<16xf32>,
        tpu.vector_store %arg12[%swap3A_584, %swap3A_585], %add3A_583 {strides = array<i32>} : memref<128x128xf32, #tpu.memory_space<vmem>>, vector<16xf32>,
        %broadcast_in_dim3A_587 = arith.constant 7 : i32
        %broadcast_in_dim3A_588 = vector.broadcast %broadcast_in_dim3A_587 : i32 to vector<16x1xi32>
        %gather3A_589 = vector.shape_cast %broadcast_in_dim3A_588 : vector<16x1xi32> to vector<16xi32>
        %gather3A_590 = tpu.dynamic_gather %get3A_197[%gather3A_589] in [0] : vector<16xf32>, vector<16xi32> -> vector<16xf32>
        %mul3A_591 = arith.constant 16 : i32
        %mul3A_592 = arith.muli %scan3A_190, %mul3A_591 : i32
        %add3A_593 = arith.constant 7 : i32
        %add3A_594 = arith.addi %mul3A_592, %add3A_593 : i32
        %mul3A_595 = arith.constant 8 : i32
        %mul3A_596 = arith.muli %scan3A_190, %mul3A_595 : i32
        %add3A_597 = arith.constant 3 : i32
        %add3A_598 = arith.addi %mul3A_596, %add3A_597 : i32
        %get3A_599 = arith.index_cast %add3A_594 : i32 to index
        %get3A_600 = arith.constant 0 : index
        %get3A_601 = tpu.vector_load %arg10[%get3A_599, %get3A_600] {strides = array<i32>} : memref<256x64xf32, #tpu.memory_space<vmem>>, vector<16xf32>,
        %mul3A_602 = arith.constant 8.000000e+00 : f32
        %mul3A_603 = vector.broadcast %mul3A_602 : f32 to vector<16xf32>
        %mul3A_604 = arith.mulf %get3A_601, %mul3A_603 : vector<16xf32>
        %mul3A_605 = arith.mulf %gather3A_590, %mul3A_6 : vector<16xf32>
        %add3A_606 = arith.addf %mul3A_604, %mul3A_605 : vector<16xf32>
        %swap3A_607 = arith.index_cast %add3A_598 : i32 to index
        %swap3A_608 = arith.constant 64 : index
        %swap3A_609 = tpu.vector_load %arg12[%swap3A_607, %swap3A_608] {strides = array<i32>} : memref<128x128xf32, #tpu.memory_space<vmem>>, vector<16xf32>,
        tpu.vector_store %arg12[%swap3A_607, %swap3A_608], %add3A_606 {strides = array<i32>} : memref<128x128xf32, #tpu.memory_space<vmem>>, vector<16xf32>,
        %get3A_610 = arith.index_cast %add3A_594 : i32 to index
        %get3A_611 = arith.constant 16 : index
        %get3A_612 = tpu.vector_load %arg10[%get3A_610, %get3A_611] {strides = array<i32>} : memref<256x64xf32, #tpu.memory_space<vmem>>, vector<16xf32>,
        %mul3A_613 = arith.constant 8.000000e+00 : f32
        %mul3A_614 = vector.broadcast %mul3A_613 : f32 to vector<16xf32>
        %mul3A_615 = arith.mulf %get3A_612, %mul3A_614 : vector<16xf32>
        %mul3A_616 = arith.mulf %gather3A_590, %mul3A_11 : vector<16xf32>
        %add3A_617 = arith.addf %mul3A_615, %mul3A_616 : vector<16xf32>
        %swap3A_618 = arith.index_cast %add3A_598 : i32 to index
        %swap3A_619 = arith.constant 80 : index
        %swap3A_620 = tpu.vector_load %arg12[%swap3A_618, %swap3A_619] {strides = array<i32>} : memref<128x128xf32, #tpu.memory_space<vmem>>, vector<16xf32>,
        tpu.vector_store %arg12[%swap3A_618, %swap3A_619], %add3A_617 {strides = array<i32>} : memref<128x128xf32, #tpu.memory_space<vmem>>, vector<16xf32>,
        %get3A_621 = arith.index_cast %add3A_594 : i32 to index
        %get3A_622 = arith.constant 32 : index
        %get3A_623 = tpu.vector_load %arg10[%get3A_621, %get3A_622] {strides = array<i32>} : memref<256x64xf32, #tpu.memory_space<vmem>>, vector<16xf32>,
        %mul3A_624 = arith.constant 8.000000e+00 : f32
        %mul3A_625 = vector.broadcast %mul3A_624 : f32 to vector<16xf32>
        %mul3A_626 = arith.mulf %get3A_623, %mul3A_625 : vector<16xf32>
        %mul3A_627 = arith.mulf %gather3A_590, %mul3A_16 : vector<16xf32>
        %add3A_628 = arith.addf %mul3A_626, %mul3A_627 : vector<16xf32>
        %swap3A_629 = arith.index_cast %add3A_598 : i32 to index
        %swap3A_630 = arith.constant 96 : index
        %swap3A_631 = tpu.vector_load %arg12[%swap3A_629, %swap3A_630] {strides = array<i32>} : memref<128x128xf32, #tpu.memory_space<vmem>>, vector<16xf32>,
        tpu.vector_store %arg12[%swap3A_629, %swap3A_630], %add3A_628 {strides = array<i32>} : memref<128x128xf32, #tpu.memory_space<vmem>>, vector<16xf32>,
        %get3A_632 = arith.index_cast %add3A_594 : i32 to index
        %get3A_633 = arith.constant 48 : index
        %get3A_634 = tpu.vector_load %arg10[%get3A_632, %get3A_633] {strides = array<i32>} : memref<256x64xf32, #tpu.memory_space<vmem>>, vector<16xf32>,
        %mul3A_635 = arith.constant 8.000000e+00 : f32
        %mul3A_636 = vector.broadcast %mul3A_635 : f32 to vector<16xf32>
        %mul3A_637 = arith.mulf %get3A_634, %mul3A_636 : vector<16xf32>
        %mul3A_638 = arith.mulf %gather3A_590, %mul3A_21 : vector<16xf32>
        %add3A_639 = arith.addf %mul3A_637, %mul3A_638 : vector<16xf32>
        %swap3A_640 = arith.index_cast %add3A_598 : i32 to index
        %swap3A_641 = arith.constant 112 : index
        %swap3A_642 = tpu.vector_load %arg12[%swap3A_640, %swap3A_641] {strides = array<i32>} : memref<128x128xf32, #tpu.memory_space<vmem>>, vector<16xf32>,
        tpu.vector_store %arg12[%swap3A_640, %swap3A_641], %add3A_639 {strides = array<i32>} : memref<128x128xf32, #tpu.memory_space<vmem>>, vector<16xf32>,
        %broadcast_in_dim3A_643 = arith.constant 8 : i32
        %broadcast_in_dim3A_644 = vector.broadcast %broadcast_in_dim3A_643 : i32 to vector<16x1xi32>
        %gather3A_645 = vector.shape_cast %broadcast_in_dim3A_644 : vector<16x1xi32> to vector<16xi32>
        %gather3A_646 = tpu.dynamic_gather %get3A_197[%gather3A_645] in [0] : vector<16xf32>, vector<16xi32> -> vector<16xf32>
        %mul3A_647 = arith.constant 16 : i32
        %mul3A_648 = arith.muli %scan3A_190, %mul3A_647 : i32
        %add3A_649 = arith.constant 8 : i32
        %add3A_650 = arith.addi %mul3A_648, %add3A_649 : i32
        %mul3A_651 = arith.constant 8 : i32
        %mul3A_652 = arith.muli %scan3A_190, %mul3A_651 : i32
        %add3A_653 = arith.constant 4 : i32
        %add3A_654 = arith.addi %mul3A_652, %add3A_653 : i32
        %get3A_655 = arith.index_cast %add3A_650 : i32 to index
        %get3A_656 = arith.constant 0 : index
        %get3A_657 = tpu.vector_load %arg10[%get3A_655, %get3A_656] {strides = array<i32>} : memref<256x64xf32, #tpu.memory_space<vmem>>, vector<16xf32>,
        %mul3A_658 = arith.constant 8.000000e+00 : f32
        %mul3A_659 = vector.broadcast %mul3A_658 : f32 to vector<16xf32>
        %mul3A_660 = arith.mulf %get3A_657, %mul3A_659 : vector<16xf32>
        %mul3A_661 = arith.mulf %gather3A_646, %mul3A_6 : vector<16xf32>
        %add3A_662 = arith.addf %mul3A_660, %mul3A_661 : vector<16xf32>
        %swap3A_663 = arith.index_cast %add3A_654 : i32 to index
        %swap3A_664 = arith.constant 0 : index
        %swap3A_665 = tpu.vector_load %arg12[%swap3A_663, %swap3A_664] {strides = array<i32>} : memref<128x128xf32, #tpu.memory_space<vmem>>, vector<16xf32>,
        tpu.vector_store %arg12[%swap3A_663, %swap3A_664], %add3A_662 {strides = array<i32>} : memref<128x128xf32, #tpu.memory_space<vmem>>, vector<16xf32>,
        %get3A_666 = arith.index_cast %add3A_650 : i32 to index
        %get3A_667 = arith.constant 16 : index
        %get3A_668 = tpu.vector_load %arg10[%get3A_666, %get3A_667] {strides = array<i32>} : memref<256x64xf32, #tpu.memory_space<vmem>>, vector<16xf32>,
        %mul3A_669 = arith.constant 8.000000e+00 : f32
        %mul3A_670 = vector.broadcast %mul3A_669 : f32 to vector<16xf32>
        %mul3A_671 = arith.mulf %get3A_668, %mul3A_670 : vector<16xf32>
        %mul3A_672 = arith.mulf %gather3A_646, %mul3A_11 : vector<16xf32>
        %add3A_673 = arith.addf %mul3A_671, %mul3A_672 : vector<16xf32>
        %swap3A_674 = arith.index_cast %add3A_654 : i32 to index
        %swap3A_675 = arith.constant 16 : index
        %swap3A_676 = tpu.vector_load %arg12[%swap3A_674, %swap3A_675] {strides = array<i32>} : memref<128x128xf32, #tpu.memory_space<vmem>>, vector<16xf32>,
        tpu.vector_store %arg12[%swap3A_674, %swap3A_675], %add3A_673 {strides = array<i32>} : memref<128x128xf32, #tpu.memory_space<vmem>>, vector<16xf32>,
        %get3A_677 = arith.index_cast %add3A_650 : i32 to index
        %get3A_678 = arith.constant 32 : index
        %get3A_679 = tpu.vector_load %arg10[%get3A_677, %get3A_678] {strides = array<i32>} : memref<256x64xf32, #tpu.memory_space<vmem>>, vector<16xf32>,
        %mul3A_680 = arith.constant 8.000000e+00 : f32
        %mul3A_681 = vector.broadcast %mul3A_680 : f32 to vector<16xf32>
        %mul3A_682 = arith.mulf %get3A_679, %mul3A_681 : vector<16xf32>
        %mul3A_683 = arith.mulf %gather3A_646, %mul3A_16 : vector<16xf32>
        %add3A_684 = arith.addf %mul3A_682, %mul3A_683 : vector<16xf32>
        %swap3A_685 = arith.index_cast %add3A_654 : i32 to index
        %swap3A_686 = arith.constant 32 : index
        %swap3A_687 = tpu.vector_load %arg12[%swap3A_685, %swap3A_686] {strides = array<i32>} : memref<128x128xf32, #tpu.memory_space<vmem>>, vector<16xf32>,
        tpu.vector_store %arg12[%swap3A_685, %swap3A_686], %add3A_684 {strides = array<i32>} : memref<128x128xf32, #tpu.memory_space<vmem>>, vector<16xf32>,
        %get3A_688 = arith.index_cast %add3A_650 : i32 to index
        %get3A_689 = arith.constant 48 : index
        %get3A_690 = tpu.vector_load %arg10[%get3A_688, %get3A_689] {strides = array<i32>} : memref<256x64xf32, #tpu.memory_space<vmem>>, vector<16xf32>,
        %mul3A_691 = arith.constant 8.000000e+00 : f32
        %mul3A_692 = vector.broadcast %mul3A_691 : f32 to vector<16xf32>
        %mul3A_693 = arith.mulf %get3A_690, %mul3A_692 : vector<16xf32>
        %mul3A_694 = arith.mulf %gather3A_646, %mul3A_21 : vector<16xf32>
        %add3A_695 = arith.addf %mul3A_693, %mul3A_694 : vector<16xf32>
        %swap3A_696 = arith.index_cast %add3A_654 : i32 to index
        %swap3A_697 = arith.constant 48 : index
        %swap3A_698 = tpu.vector_load %arg12[%swap3A_696, %swap3A_697] {strides = array<i32>} : memref<128x128xf32, #tpu.memory_space<vmem>>, vector<16xf32>,
        tpu.vector_store %arg12[%swap3A_696, %swap3A_697], %add3A_695 {strides = array<i32>} : memref<128x128xf32, #tpu.memory_space<vmem>>, vector<16xf32>,
        %broadcast_in_dim3A_699 = arith.constant 9 : i32
        %broadcast_in_dim3A_700 = vector.broadcast %broadcast_in_dim3A_699 : i32 to vector<16x1xi32>
        %gather3A_701 = vector.shape_cast %broadcast_in_dim3A_700 : vector<16x1xi32> to vector<16xi32>
        %gather3A_702 = tpu.dynamic_gather %get3A_197[%gather3A_701] in [0] : vector<16xf32>, vector<16xi32> -> vector<16xf32>
        %mul3A_703 = arith.constant 16 : i32
        %mul3A_704 = arith.muli %scan3A_190, %mul3A_703 : i32
        %add3A_705 = arith.constant 9 : i32
        %add3A_706 = arith.addi %mul3A_704, %add3A_705 : i32
        %mul3A_707 = arith.constant 8 : i32
        %mul3A_708 = arith.muli %scan3A_190, %mul3A_707 : i32
        %add3A_709 = arith.constant 4 : i32
        %add3A_710 = arith.addi %mul3A_708, %add3A_709 : i32
        %get3A_711 = arith.index_cast %add3A_706 : i32 to index
        %get3A_712 = arith.constant 0 : index
        %get3A_713 = tpu.vector_load %arg10[%get3A_711, %get3A_712] {strides = array<i32>} : memref<256x64xf32, #tpu.memory_space<vmem>>, vector<16xf32>,
        %mul3A_714 = arith.constant 8.000000e+00 : f32
        %mul3A_715 = vector.broadcast %mul3A_714 : f32 to vector<16xf32>
        %mul3A_716 = arith.mulf %get3A_713, %mul3A_715 : vector<16xf32>
        %mul3A_717 = arith.mulf %gather3A_702, %mul3A_6 : vector<16xf32>
        %add3A_718 = arith.addf %mul3A_716, %mul3A_717 : vector<16xf32>
        %swap3A_719 = arith.index_cast %add3A_710 : i32 to index
        %swap3A_720 = arith.constant 64 : index
        %swap3A_721 = tpu.vector_load %arg12[%swap3A_719, %swap3A_720] {strides = array<i32>} : memref<128x128xf32, #tpu.memory_space<vmem>>, vector<16xf32>,
        tpu.vector_store %arg12[%swap3A_719, %swap3A_720], %add3A_718 {strides = array<i32>} : memref<128x128xf32, #tpu.memory_space<vmem>>, vector<16xf32>,
        %get3A_722 = arith.index_cast %add3A_706 : i32 to index
        %get3A_723 = arith.constant 16 : index
        %get3A_724 = tpu.vector_load %arg10[%get3A_722, %get3A_723] {strides = array<i32>} : memref<256x64xf32, #tpu.memory_space<vmem>>, vector<16xf32>,
        %mul3A_725 = arith.constant 8.000000e+00 : f32
        %mul3A_726 = vector.broadcast %mul3A_725 : f32 to vector<16xf32>
        %mul3A_727 = arith.mulf %get3A_724, %mul3A_726 : vector<16xf32>
        %mul3A_728 = arith.mulf %gather3A_702, %mul3A_11 : vector<16xf32>
        %add3A_729 = arith.addf %mul3A_727, %mul3A_728 : vector<16xf32>
        %swap3A_730 = arith.index_cast %add3A_710 : i32 to index
        %swap3A_731 = arith.constant 80 : index
        %swap3A_732 = tpu.vector_load %arg12[%swap3A_730, %swap3A_731] {strides = array<i32>} : memref<128x128xf32, #tpu.memory_space<vmem>>, vector<16xf32>,
        tpu.vector_store %arg12[%swap3A_730, %swap3A_731], %add3A_729 {strides = array<i32>} : memref<128x128xf32, #tpu.memory_space<vmem>>, vector<16xf32>,
        %get3A_733 = arith.index_cast %add3A_706 : i32 to index
        %get3A_734 = arith.constant 32 : index
        %get3A_735 = tpu.vector_load %arg10[%get3A_733, %get3A_734] {strides = array<i32>} : memref<256x64xf32, #tpu.memory_space<vmem>>, vector<16xf32>,
        %mul3A_736 = arith.constant 8.000000e+00 : f32
        %mul3A_737 = vector.broadcast %mul3A_736 : f32 to vector<16xf32>
        %mul3A_738 = arith.mulf %get3A_735, %mul3A_737 : vector<16xf32>
        %mul3A_739 = arith.mulf %gather3A_702, %mul3A_16 : vector<16xf32>
        %add3A_740 = arith.addf %mul3A_738, %mul3A_739 : vector<16xf32>
        %swap3A_741 = arith.index_cast %add3A_710 : i32 to index
        %swap3A_742 = arith.constant 96 : index
        %swap3A_743 = tpu.vector_load %arg12[%swap3A_741, %swap3A_742] {strides = array<i32>} : memref<128x128xf32, #tpu.memory_space<vmem>>, vector<16xf32>,
        tpu.vector_store %arg12[%swap3A_741, %swap3A_742], %add3A_740 {strides = array<i32>} : memref<128x128xf32, #tpu.memory_space<vmem>>, vector<16xf32>,
        %get3A_744 = arith.index_cast %add3A_706 : i32 to index
        %get3A_745 = arith.constant 48 : index
        %get3A_746 = tpu.vector_load %arg10[%get3A_744, %get3A_745] {strides = array<i32>} : memref<256x64xf32, #tpu.memory_space<vmem>>, vector<16xf32>,
        %mul3A_747 = arith.constant 8.000000e+00 : f32
        %mul3A_748 = vector.broadcast %mul3A_747 : f32 to vector<16xf32>
        %mul3A_749 = arith.mulf %get3A_746, %mul3A_748 : vector<16xf32>
        %mul3A_750 = arith.mulf %gather3A_702, %mul3A_21 : vector<16xf32>
        %add3A_751 = arith.addf %mul3A_749, %mul3A_750 : vector<16xf32>
        %swap3A_752 = arith.index_cast %add3A_710 : i32 to index
        %swap3A_753 = arith.constant 112 : index
        %swap3A_754 = tpu.vector_load %arg12[%swap3A_752, %swap3A_753] {strides = array<i32>} : memref<128x128xf32, #tpu.memory_space<vmem>>, vector<16xf32>,
        tpu.vector_store %arg12[%swap3A_752, %swap3A_753], %add3A_751 {strides = array<i32>} : memref<128x128xf32, #tpu.memory_space<vmem>>, vector<16xf32>,
        %broadcast_in_dim3A_755 = arith.constant 10 : i32
        %broadcast_in_dim3A_756 = vector.broadcast %broadcast_in_dim3A_755 : i32 to vector<16x1xi32>
        %gather3A_757 = vector.shape_cast %broadcast_in_dim3A_756 : vector<16x1xi32> to vector<16xi32>
        %gather3A_758 = tpu.dynamic_gather %get3A_197[%gather3A_757] in [0] : vector<16xf32>, vector<16xi32> -> vector<16xf32>
        %mul3A_759 = arith.constant 16 : i32
        %mul3A_760 = arith.muli %scan3A_190, %mul3A_759 : i32
        %add3A_761 = arith.constant 10 : i32
        %add3A_762 = arith.addi %mul3A_760, %add3A_761 : i32
        %mul3A_763 = arith.constant 8 : i32
        %mul3A_764 = arith.muli %scan3A_190, %mul3A_763 : i32
        %add3A_765 = arith.constant 5 : i32
        %add3A_766 = arith.addi %mul3A_764, %add3A_765 : i32
        %get3A_767 = arith.index_cast %add3A_762 : i32 to index
        %get3A_768 = arith.constant 0 : index
        %get3A_769 = tpu.vector_load %arg10[%get3A_767, %get3A_768] {strides = array<i32>} : memref<256x64xf32, #tpu.memory_space<vmem>>, vector<16xf32>,
        %mul3A_770 = arith.constant 8.000000e+00 : f32
        %mul3A_771 = vector.broadcast %mul3A_770 : f32 to vector<16xf32>
        %mul3A_772 = arith.mulf %get3A_769, %mul3A_771 : vector<16xf32>
        %mul3A_773 = arith.mulf %gather3A_758, %mul3A_6 : vector<16xf32>
        %add3A_774 = arith.addf %mul3A_772, %mul3A_773 : vector<16xf32>
        %swap3A_775 = arith.index_cast %add3A_766 : i32 to index
        %swap3A_776 = arith.constant 0 : index
        %swap3A_777 = tpu.vector_load %arg12[%swap3A_775, %swap3A_776] {strides = array<i32>} : memref<128x128xf32, #tpu.memory_space<vmem>>, vector<16xf32>,
        tpu.vector_store %arg12[%swap3A_775, %swap3A_776], %add3A_774 {strides = array<i32>} : memref<128x128xf32, #tpu.memory_space<vmem>>, vector<16xf32>,
        %get3A_778 = arith.index_cast %add3A_762 : i32 to index
        %get3A_779 = arith.constant 16 : index
        %get3A_780 = tpu.vector_load %arg10[%get3A_778, %get3A_779] {strides = array<i32>} : memref<256x64xf32, #tpu.memory_space<vmem>>, vector<16xf32>,
        %mul3A_781 = arith.constant 8.000000e+00 : f32
        %mul3A_782 = vector.broadcast %mul3A_781 : f32 to vector<16xf32>
        %mul3A_783 = arith.mulf %get3A_780, %mul3A_782 : vector<16xf32>
        %mul3A_784 = arith.mulf %gather3A_758, %mul3A_11 : vector<16xf32>
        %add3A_785 = arith.addf %mul3A_783, %mul3A_784 : vector<16xf32>
        %swap3A_786 = arith.index_cast %add3A_766 : i32 to index
        %swap3A_787 = arith.constant 16 : index
        %swap3A_788 = tpu.vector_load %arg12[%swap3A_786, %swap3A_787] {strides = array<i32>} : memref<128x128xf32, #tpu.memory_space<vmem>>, vector<16xf32>,
        tpu.vector_store %arg12[%swap3A_786, %swap3A_787], %add3A_785 {strides = array<i32>} : memref<128x128xf32, #tpu.memory_space<vmem>>, vector<16xf32>,
        %get3A_789 = arith.index_cast %add3A_762 : i32 to index
        %get3A_790 = arith.constant 32 : index
        %get3A_791 = tpu.vector_load %arg10[%get3A_789, %get3A_790] {strides = array<i32>} : memref<256x64xf32, #tpu.memory_space<vmem>>, vector<16xf32>,
        %mul3A_792 = arith.constant 8.000000e+00 : f32
        %mul3A_793 = vector.broadcast %mul3A_792 : f32 to vector<16xf32>
        %mul3A_794 = arith.mulf %get3A_791, %mul3A_793 : vector<16xf32>
        %mul3A_795 = arith.mulf %gather3A_758, %mul3A_16 : vector<16xf32>
        %add3A_796 = arith.addf %mul3A_794, %mul3A_795 : vector<16xf32>
        %swap3A_797 = arith.index_cast %add3A_766 : i32 to index
        %swap3A_798 = arith.constant 32 : index
        %swap3A_799 = tpu.vector_load %arg12[%swap3A_797, %swap3A_798] {strides = array<i32>} : memref<128x128xf32, #tpu.memory_space<vmem>>, vector<16xf32>,
        tpu.vector_store %arg12[%swap3A_797, %swap3A_798], %add3A_796 {strides = array<i32>} : memref<128x128xf32, #tpu.memory_space<vmem>>, vector<16xf32>,
        %get3A_800 = arith.index_cast %add3A_762 : i32 to index
        %get3A_801 = arith.constant 48 : index
        %get3A_802 = tpu.vector_load %arg10[%get3A_800, %get3A_801] {strides = array<i32>} : memref<256x64xf32, #tpu.memory_space<vmem>>, vector<16xf32>,
        %mul3A_803 = arith.constant 8.000000e+00 : f32
        %mul3A_804 = vector.broadcast %mul3A_803 : f32 to vector<16xf32>
        %mul3A_805 = arith.mulf %get3A_802, %mul3A_804 : vector<16xf32>
        %mul3A_806 = arith.mulf %gather3A_758, %mul3A_21 : vector<16xf32>
        %add3A_807 = arith.addf %mul3A_805, %mul3A_806 : vector<16xf32>
        %swap3A_808 = arith.index_cast %add3A_766 : i32 to index
        %swap3A_809 = arith.constant 48 : index
        %swap3A_810 = tpu.vector_load %arg12[%swap3A_808, %swap3A_809] {strides = array<i32>} : memref<128x128xf32, #tpu.memory_space<vmem>>, vector<16xf32>,
        tpu.vector_store %arg12[%swap3A_808, %swap3A_809], %add3A_807 {strides = array<i32>} : memref<128x128xf32, #tpu.memory_space<vmem>>, vector<16xf32>,
        %broadcast_in_dim3A_811 = arith.constant 11 : i32
        %broadcast_in_dim3A_812 = vector.broadcast %broadcast_in_dim3A_811 : i32 to vector<16x1xi32>
        %gather3A_813 = vector.shape_cast %broadcast_in_dim3A_812 : vector<16x1xi32> to vector<16xi32>
        %gather3A_814 = tpu.dynamic_gather %get3A_197[%gather3A_813] in [0] : vector<16xf32>, vector<16xi32> -> vector<16xf32>
        %mul3A_815 = arith.constant 16 : i32
        %mul3A_816 = arith.muli %scan3A_190, %mul3A_815 : i32
        %add3A_817 = arith.constant 11 : i32
        %add3A_818 = arith.addi %mul3A_816, %add3A_817 : i32
        %mul3A_819 = arith.constant 8 : i32
        %mul3A_820 = arith.muli %scan3A_190, %mul3A_819 : i32
        %add3A_821 = arith.constant 5 : i32
        %add3A_822 = arith.addi %mul3A_820, %add3A_821 : i32
        %get3A_823 = arith.index_cast %add3A_818 : i32 to index
        %get3A_824 = arith.constant 0 : index
        %get3A_825 = tpu.vector_load %arg10[%get3A_823, %get3A_824] {strides = array<i32>} : memref<256x64xf32, #tpu.memory_space<vmem>>, vector<16xf32>,
        %mul3A_826 = arith.constant 8.000000e+00 : f32
        %mul3A_827 = vector.broadcast %mul3A_826 : f32 to vector<16xf32>
        %mul3A_828 = arith.mulf %get3A_825, %mul3A_827 : vector<16xf32>
        %mul3A_829 = arith.mulf %gather3A_814, %mul3A_6 : vector<16xf32>
        %add3A_830 = arith.addf %mul3A_828, %mul3A_829 : vector<16xf32>
        %swap3A_831 = arith.index_cast %add3A_822 : i32 to index
        %swap3A_832 = arith.constant 64 : index
        %swap3A_833 = tpu.vector_load %arg12[%swap3A_831, %swap3A_832] {strides = array<i32>} : memref<128x128xf32, #tpu.memory_space<vmem>>, vector<16xf32>,
        tpu.vector_store %arg12[%swap3A_831, %swap3A_832], %add3A_830 {strides = array<i32>} : memref<128x128xf32, #tpu.memory_space<vmem>>, vector<16xf32>,
        %get3A_834 = arith.index_cast %add3A_818 : i32 to index
        %get3A_835 = arith.constant 16 : index
        %get3A_836 = tpu.vector_load %arg10[%get3A_834, %get3A_835] {strides = array<i32>} : memref<256x64xf32, #tpu.memory_space<vmem>>, vector<16xf32>,
        %mul3A_837 = arith.constant 8.000000e+00 : f32
        %mul3A_838 = vector.broadcast %mul3A_837 : f32 to vector<16xf32>
        %mul3A_839 = arith.mulf %get3A_836, %mul3A_838 : vector<16xf32>
        %mul3A_840 = arith.mulf %gather3A_814, %mul3A_11 : vector<16xf32>
        %add3A_841 = arith.addf %mul3A_839, %mul3A_840 : vector<16xf32>
        %swap3A_842 = arith.index_cast %add3A_822 : i32 to index
        %swap3A_843 = arith.constant 80 : index
        %swap3A_844 = tpu.vector_load %arg12[%swap3A_842, %swap3A_843] {strides = array<i32>} : memref<128x128xf32, #tpu.memory_space<vmem>>, vector<16xf32>,
        tpu.vector_store %arg12[%swap3A_842, %swap3A_843], %add3A_841 {strides = array<i32>} : memref<128x128xf32, #tpu.memory_space<vmem>>, vector<16xf32>,
        %get3A_845 = arith.index_cast %add3A_818 : i32 to index
        %get3A_846 = arith.constant 32 : index
        %get3A_847 = tpu.vector_load %arg10[%get3A_845, %get3A_846] {strides = array<i32>} : memref<256x64xf32, #tpu.memory_space<vmem>>, vector<16xf32>,
        %mul3A_848 = arith.constant 8.000000e+00 : f32
        %mul3A_849 = vector.broadcast %mul3A_848 : f32 to vector<16xf32>
        %mul3A_850 = arith.mulf %get3A_847, %mul3A_849 : vector<16xf32>
        %mul3A_851 = arith.mulf %gather3A_814, %mul3A_16 : vector<16xf32>
        %add3A_852 = arith.addf %mul3A_850, %mul3A_851 : vector<16xf32>
        %swap3A_853 = arith.index_cast %add3A_822 : i32 to index
        %swap3A_854 = arith.constant 96 : index
        %swap3A_855 = tpu.vector_load %arg12[%swap3A_853, %swap3A_854] {strides = array<i32>} : memref<128x128xf32, #tpu.memory_space<vmem>>, vector<16xf32>,
        tpu.vector_store %arg12[%swap3A_853, %swap3A_854], %add3A_852 {strides = array<i32>} : memref<128x128xf32, #tpu.memory_space<vmem>>, vector<16xf32>,
        %get3A_856 = arith.index_cast %add3A_818 : i32 to index
        %get3A_857 = arith.constant 48 : index
        %get3A_858 = tpu.vector_load %arg10[%get3A_856, %get3A_857] {strides = array<i32>} : memref<256x64xf32, #tpu.memory_space<vmem>>, vector<16xf32>,
        %mul3A_859 = arith.constant 8.000000e+00 : f32
        %mul3A_860 = vector.broadcast %mul3A_859 : f32 to vector<16xf32>
        %mul3A_861 = arith.mulf %get3A_858, %mul3A_860 : vector<16xf32>
        %mul3A_862 = arith.mulf %gather3A_814, %mul3A_21 : vector<16xf32>
        %add3A_863 = arith.addf %mul3A_861, %mul3A_862 : vector<16xf32>
        %swap3A_864 = arith.index_cast %add3A_822 : i32 to index
        %swap3A_865 = arith.constant 112 : index
        %swap3A_866 = tpu.vector_load %arg12[%swap3A_864, %swap3A_865] {strides = array<i32>} : memref<128x128xf32, #tpu.memory_space<vmem>>, vector<16xf32>,
        tpu.vector_store %arg12[%swap3A_864, %swap3A_865], %add3A_863 {strides = array<i32>} : memref<128x128xf32, #tpu.memory_space<vmem>>, vector<16xf32>,
        %broadcast_in_dim3A_867 = arith.constant 12 : i32
        %broadcast_in_dim3A_868 = vector.broadcast %broadcast_in_dim3A_867 : i32 to vector<16x1xi32>
        %gather3A_869 = vector.shape_cast %broadcast_in_dim3A_868 : vector<16x1xi32> to vector<16xi32>
        %gather3A_870 = tpu.dynamic_gather %get3A_197[%gather3A_869] in [0] : vector<16xf32>, vector<16xi32> -> vector<16xf32>
        %mul3A_871 = arith.constant 16 : i32
        %mul3A_872 = arith.muli %scan3A_190, %mul3A_871 : i32
        %add3A_873 = arith.constant 12 : i32
        %add3A_874 = arith.addi %mul3A_872, %add3A_873 : i32
        %mul3A_875 = arith.constant 8 : i32
        %mul3A_876 = arith.muli %scan3A_190, %mul3A_875 : i32
        %add3A_877 = arith.constant 6 : i32
        %add3A_878 = arith.addi %mul3A_876, %add3A_877 : i32
        %get3A_879 = arith.index_cast %add3A_874 : i32 to index
        %get3A_880 = arith.constant 0 : index
        %get3A_881 = tpu.vector_load %arg10[%get3A_879, %get3A_880] {strides = array<i32>} : memref<256x64xf32, #tpu.memory_space<vmem>>, vector<16xf32>,
        %mul3A_882 = arith.constant 8.000000e+00 : f32
        %mul3A_883 = vector.broadcast %mul3A_882 : f32 to vector<16xf32>
        %mul3A_884 = arith.mulf %get3A_881, %mul3A_883 : vector<16xf32>
        %mul3A_885 = arith.mulf %gather3A_870, %mul3A_6 : vector<16xf32>
        %add3A_886 = arith.addf %mul3A_884, %mul3A_885 : vector<16xf32>
        %swap3A_887 = arith.index_cast %add3A_878 : i32 to index
        %swap3A_888 = arith.constant 0 : index
        %swap3A_889 = tpu.vector_load %arg12[%swap3A_887, %swap3A_888] {strides = array<i32>} : memref<128x128xf32, #tpu.memory_space<vmem>>, vector<16xf32>,
        tpu.vector_store %arg12[%swap3A_887, %swap3A_888], %add3A_886 {strides = array<i32>} : memref<128x128xf32, #tpu.memory_space<vmem>>, vector<16xf32>,
        %get3A_890 = arith.index_cast %add3A_874 : i32 to index
        %get3A_891 = arith.constant 16 : index
        %get3A_892 = tpu.vector_load %arg10[%get3A_890, %get3A_891] {strides = array<i32>} : memref<256x64xf32, #tpu.memory_space<vmem>>, vector<16xf32>,
        %mul3A_893 = arith.constant 8.000000e+00 : f32
        %mul3A_894 = vector.broadcast %mul3A_893 : f32 to vector<16xf32>
        %mul3A_895 = arith.mulf %get3A_892, %mul3A_894 : vector<16xf32>
        %mul3A_896 = arith.mulf %gather3A_870, %mul3A_11 : vector<16xf32>
        %add3A_897 = arith.addf %mul3A_895, %mul3A_896 : vector<16xf32>
        %swap3A_898 = arith.index_cast %add3A_878 : i32 to index
        %swap3A_899 = arith.constant 16 : index
        %swap3A_900 = tpu.vector_load %arg12[%swap3A_898, %swap3A_899] {strides = array<i32>} : memref<128x128xf32, #tpu.memory_space<vmem>>, vector<16xf32>,
        tpu.vector_store %arg12[%swap3A_898, %swap3A_899], %add3A_897 {strides = array<i32>} : memref<128x128xf32, #tpu.memory_space<vmem>>, vector<16xf32>,
        %get3A_901 = arith.index_cast %add3A_874 : i32 to index
        %get3A_902 = arith.constant 32 : index
        %get3A_903 = tpu.vector_load %arg10[%get3A_901, %get3A_902] {strides = array<i32>} : memref<256x64xf32, #tpu.memory_space<vmem>>, vector<16xf32>,
        %mul3A_904 = arith.constant 8.000000e+00 : f32
        %mul3A_905 = vector.broadcast %mul3A_904 : f32 to vector<16xf32>
        %mul3A_906 = arith.mulf %get3A_903, %mul3A_905 : vector<16xf32>
        %mul3A_907 = arith.mulf %gather3A_870, %mul3A_16 : vector<16xf32>
        %add3A_908 = arith.addf %mul3A_906, %mul3A_907 : vector<16xf32>
        %swap3A_909 = arith.index_cast %add3A_878 : i32 to index
        %swap3A_910 = arith.constant 32 : index
        %swap3A_911 = tpu.vector_load %arg12[%swap3A_909, %swap3A_910] {strides = array<i32>} : memref<128x128xf32, #tpu.memory_space<vmem>>, vector<16xf32>,
        tpu.vector_store %arg12[%swap3A_909, %swap3A_910], %add3A_908 {strides = array<i32>} : memref<128x128xf32, #tpu.memory_space<vmem>>, vector<16xf32>,
        %get3A_912 = arith.index_cast %add3A_874 : i32 to index
        %get3A_913 = arith.constant 48 : index
        %get3A_914 = tpu.vector_load %arg10[%get3A_912, %get3A_913] {strides = array<i32>} : memref<256x64xf32, #tpu.memory_space<vmem>>, vector<16xf32>,
        %mul3A_915 = arith.constant 8.000000e+00 : f32
        %mul3A_916 = vector.broadcast %mul3A_915 : f32 to vector<16xf32>
        %mul3A_917 = arith.mulf %get3A_914, %mul3A_916 : vector<16xf32>
        %mul3A_918 = arith.mulf %gather3A_870, %mul3A_21 : vector<16xf32>
        %add3A_919 = arith.addf %mul3A_917, %mul3A_918 : vector<16xf32>
        %swap3A_920 = arith.index_cast %add3A_878 : i32 to index
        %swap3A_921 = arith.constant 48 : index
        %swap3A_922 = tpu.vector_load %arg12[%swap3A_920, %swap3A_921] {strides = array<i32>} : memref<128x128xf32, #tpu.memory_space<vmem>>, vector<16xf32>,
        tpu.vector_store %arg12[%swap3A_920, %swap3A_921], %add3A_919 {strides = array<i32>} : memref<128x128xf32, #tpu.memory_space<vmem>>, vector<16xf32>,
        %broadcast_in_dim3A_923 = arith.constant 13 : i32
        %broadcast_in_dim3A_924 = vector.broadcast %broadcast_in_dim3A_923 : i32 to vector<16x1xi32>
        %gather3A_925 = vector.shape_cast %broadcast_in_dim3A_924 : vector<16x1xi32> to vector<16xi32>
        %gather3A_926 = tpu.dynamic_gather %get3A_197[%gather3A_925] in [0] : vector<16xf32>, vector<16xi32> -> vector<16xf32>
        %mul3A_927 = arith.constant 16 : i32
        %mul3A_928 = arith.muli %scan3A_190, %mul3A_927 : i32
        %add3A_929 = arith.constant 13 : i32
        %add3A_930 = arith.addi %mul3A_928, %add3A_929 : i32
        %mul3A_931 = arith.constant 8 : i32
        %mul3A_932 = arith.muli %scan3A_190, %mul3A_931 : i32
        %add3A_933 = arith.constant 6 : i32
        %add3A_934 = arith.addi %mul3A_932, %add3A_933 : i32
        %get3A_935 = arith.index_cast %add3A_930 : i32 to index
        %get3A_936 = arith.constant 0 : index
        %get3A_937 = tpu.vector_load %arg10[%get3A_935, %get3A_936] {strides = array<i32>} : memref<256x64xf32, #tpu.memory_space<vmem>>, vector<16xf32>,
        %mul3A_938 = arith.constant 8.000000e+00 : f32
        %mul3A_939 = vector.broadcast %mul3A_938 : f32 to vector<16xf32>
        %mul3A_940 = arith.mulf %get3A_937, %mul3A_939 : vector<16xf32>
        %mul3A_941 = arith.mulf %gather3A_926, %mul3A_6 : vector<16xf32>
        %add3A_942 = arith.addf %mul3A_940, %mul3A_941 : vector<16xf32>
        %swap3A_943 = arith.index_cast %add3A_934 : i32 to index
        %swap3A_944 = arith.constant 64 : index
        %swap3A_945 = tpu.vector_load %arg12[%swap3A_943, %swap3A_944] {strides = array<i32>} : memref<128x128xf32, #tpu.memory_space<vmem>>, vector<16xf32>,
        tpu.vector_store %arg12[%swap3A_943, %swap3A_944], %add3A_942 {strides = array<i32>} : memref<128x128xf32, #tpu.memory_space<vmem>>, vector<16xf32>,
        %get3A_946 = arith.index_cast %add3A_930 : i32 to index
        %get3A_947 = arith.constant 16 : index
        %get3A_948 = tpu.vector_load %arg10[%get3A_946, %get3A_947] {strides = array<i32>} : memref<256x64xf32, #tpu.memory_space<vmem>>, vector<16xf32>,
        %mul3A_949 = arith.constant 8.000000e+00 : f32
        %mul3A_950 = vector.broadcast %mul3A_949 : f32 to vector<16xf32>
        %mul3A_951 = arith.mulf %get3A_948, %mul3A_950 : vector<16xf32>
        %mul3A_952 = arith.mulf %gather3A_926, %mul3A_11 : vector<16xf32>
        %add3A_953 = arith.addf %mul3A_951, %mul3A_952 : vector<16xf32>
        %swap3A_954 = arith.index_cast %add3A_934 : i32 to index
        %swap3A_955 = arith.constant 80 : index
        %swap3A_956 = tpu.vector_load %arg12[%swap3A_954, %swap3A_955] {strides = array<i32>} : memref<128x128xf32, #tpu.memory_space<vmem>>, vector<16xf32>,
        tpu.vector_store %arg12[%swap3A_954, %swap3A_955], %add3A_953 {strides = array<i32>} : memref<128x128xf32, #tpu.memory_space<vmem>>, vector<16xf32>,
        %get3A_957 = arith.index_cast %add3A_930 : i32 to index
        %get3A_958 = arith.constant 32 : index
        %get3A_959 = tpu.vector_load %arg10[%get3A_957, %get3A_958] {strides = array<i32>} : memref<256x64xf32, #tpu.memory_space<vmem>>, vector<16xf32>,
        %mul3A_960 = arith.constant 8.000000e+00 : f32
        %mul3A_961 = vector.broadcast %mul3A_960 : f32 to vector<16xf32>
        %mul3A_962 = arith.mulf %get3A_959, %mul3A_961 : vector<16xf32>
        %mul3A_963 = arith.mulf %gather3A_926, %mul3A_16 : vector<16xf32>
        %add3A_964 = arith.addf %mul3A_962, %mul3A_963 : vector<16xf32>
        %swap3A_965 = arith.index_cast %add3A_934 : i32 to index
        %swap3A_966 = arith.constant 96 : index
        %swap3A_967 = tpu.vector_load %arg12[%swap3A_965, %swap3A_966] {strides = array<i32>} : memref<128x128xf32, #tpu.memory_space<vmem>>, vector<16xf32>,
        tpu.vector_store %arg12[%swap3A_965, %swap3A_966], %add3A_964 {strides = array<i32>} : memref<128x128xf32, #tpu.memory_space<vmem>>, vector<16xf32>,
        %get3A_968 = arith.index_cast %add3A_930 : i32 to index
        %get3A_969 = arith.constant 48 : index
        %get3A_970 = tpu.vector_load %arg10[%get3A_968, %get3A_969] {strides = array<i32>} : memref<256x64xf32, #tpu.memory_space<vmem>>, vector<16xf32>,
        %mul3A_971 = arith.constant 8.000000e+00 : f32
        %mul3A_972 = vector.broadcast %mul3A_971 : f32 to vector<16xf32>
        %mul3A_973 = arith.mulf %get3A_970, %mul3A_972 : vector<16xf32>
        %mul3A_974 = arith.mulf %gather3A_926, %mul3A_21 : vector<16xf32>
        %add3A_975 = arith.addf %mul3A_973, %mul3A_974 : vector<16xf32>
        %swap3A_976 = arith.index_cast %add3A_934 : i32 to index
        %swap3A_977 = arith.constant 112 : index
        %swap3A_978 = tpu.vector_load %arg12[%swap3A_976, %swap3A_977] {strides = array<i32>} : memref<128x128xf32, #tpu.memory_space<vmem>>, vector<16xf32>,
        tpu.vector_store %arg12[%swap3A_976, %swap3A_977], %add3A_975 {strides = array<i32>} : memref<128x128xf32, #tpu.memory_space<vmem>>, vector<16xf32>,
        %broadcast_in_dim3A_979 = arith.constant 14 : i32
        %broadcast_in_dim3A_980 = vector.broadcast %broadcast_in_dim3A_979 : i32 to vector<16x1xi32>
        %gather3A_981 = vector.shape_cast %broadcast_in_dim3A_980 : vector<16x1xi32> to vector<16xi32>
        %gather3A_982 = tpu.dynamic_gather %get3A_197[%gather3A_981] in [0] : vector<16xf32>, vector<16xi32> -> vector<16xf32>
        %mul3A_983 = arith.constant 16 : i32
        %mul3A_984 = arith.muli %scan3A_190, %mul3A_983 : i32
        %add3A_985 = arith.constant 14 : i32
        %add3A_986 = arith.addi %mul3A_984, %add3A_985 : i32
        %mul3A_987 = arith.constant 8 : i32
        %mul3A_988 = arith.muli %scan3A_190, %mul3A_987 : i32
        %add3A_989 = arith.constant 7 : i32
        %add3A_990 = arith.addi %mul3A_988, %add3A_989 : i32
        %get3A_991 = arith.index_cast %add3A_986 : i32 to index
        %get3A_992 = arith.constant 0 : index
        %get3A_993 = tpu.vector_load %arg10[%get3A_991, %get3A_992] {strides = array<i32>} : memref<256x64xf32, #tpu.memory_space<vmem>>, vector<16xf32>,
        %mul3A_994 = arith.constant 8.000000e+00 : f32
        %mul3A_995 = vector.broadcast %mul3A_994 : f32 to vector<16xf32>
        %mul3A_996 = arith.mulf %get3A_993, %mul3A_995 : vector<16xf32>
        %mul3A_997 = arith.mulf %gather3A_982, %mul3A_6 : vector<16xf32>
        %add3A_998 = arith.addf %mul3A_996, %mul3A_997 : vector<16xf32>
        %swap3A_999 = arith.index_cast %add3A_990 : i32 to index
        %swap3A_1000 = arith.constant 0 : index
        %swap3A_1001 = tpu.vector_load %arg12[%swap3A_999, %swap3A_1000] {strides = array<i32>} : memref<128x128xf32, #tpu.memory_space<vmem>>, vector<16xf32>,
        tpu.vector_store %arg12[%swap3A_999, %swap3A_1000], %add3A_998 {strides = array<i32>} : memref<128x128xf32, #tpu.memory_space<vmem>>, vector<16xf32>,
        %get3A_1002 = arith.index_cast %add3A_986 : i32 to index
        %get3A_1003 = arith.constant 16 : index
        %get3A_1004 = tpu.vector_load %arg10[%get3A_1002, %get3A_1003] {strides = array<i32>} : memref<256x64xf32, #tpu.memory_space<vmem>>, vector<16xf32>,
        %mul3A_1005 = arith.constant 8.000000e+00 : f32
        %mul3A_1006 = vector.broadcast %mul3A_1005 : f32 to vector<16xf32>
        %mul3A_1007 = arith.mulf %get3A_1004, %mul3A_1006 : vector<16xf32>
        %mul3A_1008 = arith.mulf %gather3A_982, %mul3A_11 : vector<16xf32>
        %add3A_1009 = arith.addf %mul3A_1007, %mul3A_1008 : vector<16xf32>
        %swap3A_1010 = arith.index_cast %add3A_990 : i32 to index
        %swap3A_1011 = arith.constant 16 : index
        %swap3A_1012 = tpu.vector_load %arg12[%swap3A_1010, %swap3A_1011] {strides = array<i32>} : memref<128x128xf32, #tpu.memory_space<vmem>>, vector<16xf32>,
        tpu.vector_store %arg12[%swap3A_1010, %swap3A_1011], %add3A_1009 {strides = array<i32>} : memref<128x128xf32, #tpu.memory_space<vmem>>, vector<16xf32>,
        %get3A_1013 = arith.index_cast %add3A_986 : i32 to index
        %get3A_1014 = arith.constant 32 : index
        %get3A_1015 = tpu.vector_load %arg10[%get3A_1013, %get3A_1014] {strides = array<i32>} : memref<256x64xf32, #tpu.memory_space<vmem>>, vector<16xf32>,
        %mul3A_1016 = arith.constant 8.000000e+00 : f32
        %mul3A_1017 = vector.broadcast %mul3A_1016 : f32 to vector<16xf32>
        %mul3A_1018 = arith.mulf %get3A_1015, %mul3A_1017 : vector<16xf32>
        %mul3A_1019 = arith.mulf %gather3A_982, %mul3A_16 : vector<16xf32>
        %add3A_1020 = arith.addf %mul3A_1018, %mul3A_1019 : vector<16xf32>
        %swap3A_1021 = arith.index_cast %add3A_990 : i32 to index
        %swap3A_1022 = arith.constant 32 : index
        %swap3A_1023 = tpu.vector_load %arg12[%swap3A_1021, %swap3A_1022] {strides = array<i32>} : memref<128x128xf32, #tpu.memory_space<vmem>>, vector<16xf32>,
        tpu.vector_store %arg12[%swap3A_1021, %swap3A_1022], %add3A_1020 {strides = array<i32>} : memref<128x128xf32, #tpu.memory_space<vmem>>, vector<16xf32>,
        %get3A_1024 = arith.index_cast %add3A_986 : i32 to index
        %get3A_1025 = arith.constant 48 : index
        %get3A_1026 = tpu.vector_load %arg10[%get3A_1024, %get3A_1025] {strides = array<i32>} : memref<256x64xf32, #tpu.memory_space<vmem>>, vector<16xf32>,
        %mul3A_1027 = arith.constant 8.000000e+00 : f32
        %mul3A_1028 = vector.broadcast %mul3A_1027 : f32 to vector<16xf32>
        %mul3A_1029 = arith.mulf %get3A_1026, %mul3A_1028 : vector<16xf32>
        %mul3A_1030 = arith.mulf %gather3A_982, %mul3A_21 : vector<16xf32>
        %add3A_1031 = arith.addf %mul3A_1029, %mul3A_1030 : vector<16xf32>
        %swap3A_1032 = arith.index_cast %add3A_990 : i32 to index
        %swap3A_1033 = arith.constant 48 : index
        %swap3A_1034 = tpu.vector_load %arg12[%swap3A_1032, %swap3A_1033] {strides = array<i32>} : memref<128x128xf32, #tpu.memory_space<vmem>>, vector<16xf32>,
        tpu.vector_store %arg12[%swap3A_1032, %swap3A_1033], %add3A_1031 {strides = array<i32>} : memref<128x128xf32, #tpu.memory_space<vmem>>, vector<16xf32>,
        %broadcast_in_dim3A_1035 = arith.constant 15 : i32
        %broadcast_in_dim3A_1036 = vector.broadcast %broadcast_in_dim3A_1035 : i32 to vector<16x1xi32>
        %gather3A_1037 = vector.shape_cast %broadcast_in_dim3A_1036 : vector<16x1xi32> to vector<16xi32>
        %gather3A_1038 = tpu.dynamic_gather %get3A_197[%gather3A_1037] in [0] : vector<16xf32>, vector<16xi32> -> vector<16xf32>
        %mul3A_1039 = arith.constant 16 : i32
        %mul3A_1040 = arith.muli %scan3A_190, %mul3A_1039 : i32
        %add3A_1041 = arith.constant 15 : i32
        %add3A_1042 = arith.addi %mul3A_1040, %add3A_1041 : i32
        %mul3A_1043 = arith.constant 8 : i32
        %mul3A_1044 = arith.muli %scan3A_190, %mul3A_1043 : i32
        %add3A_1045 = arith.constant 7 : i32
        %add3A_1046 = arith.addi %mul3A_1044, %add3A_1045 : i32
        %get3A_1047 = arith.index_cast %add3A_1042 : i32 to index
        %get3A_1048 = arith.constant 0 : index
        %get3A_1049 = tpu.vector_load %arg10[%get3A_1047, %get3A_1048] {strides = array<i32>} : memref<256x64xf32, #tpu.memory_space<vmem>>, vector<16xf32>,
        %mul3A_1050 = arith.constant 8.000000e+00 : f32
        %mul3A_1051 = vector.broadcast %mul3A_1050 : f32 to vector<16xf32>
        %mul3A_1052 = arith.mulf %get3A_1049, %mul3A_1051 : vector<16xf32>
        %mul3A_1053 = arith.mulf %gather3A_1038, %mul3A_6 : vector<16xf32>
        %add3A_1054 = arith.addf %mul3A_1052, %mul3A_1053 : vector<16xf32>
        %swap3A_1055 = arith.index_cast %add3A_1046 : i32 to index
        %swap3A_1056 = arith.constant 64 : index
        %swap3A_1057 = tpu.vector_load %arg12[%swap3A_1055, %swap3A_1056] {strides = array<i32>} : memref<128x128xf32, #tpu.memory_space<vmem>>, vector<16xf32>,
        tpu.vector_store %arg12[%swap3A_1055, %swap3A_1056], %add3A_1054 {strides = array<i32>} : memref<128x128xf32, #tpu.memory_space<vmem>>, vector<16xf32>,
        %get3A_1058 = arith.index_cast %add3A_1042 : i32 to index
        %get3A_1059 = arith.constant 16 : index
        %get3A_1060 = tpu.vector_load %arg10[%get3A_1058, %get3A_1059] {strides = array<i32>} : memref<256x64xf32, #tpu.memory_space<vmem>>, vector<16xf32>,
        %mul3A_1061 = arith.constant 8.000000e+00 : f32
        %mul3A_1062 = vector.broadcast %mul3A_1061 : f32 to vector<16xf32>
        %mul3A_1063 = arith.mulf %get3A_1060, %mul3A_1062 : vector<16xf32>
        %mul3A_1064 = arith.mulf %gather3A_1038, %mul3A_11 : vector<16xf32>
        %add3A_1065 = arith.addf %mul3A_1063, %mul3A_1064 : vector<16xf32>
        %swap3A_1066 = arith.index_cast %add3A_1046 : i32 to index
        %swap3A_1067 = arith.constant 80 : index
        %swap3A_1068 = tpu.vector_load %arg12[%swap3A_1066, %swap3A_1067] {strides = array<i32>} : memref<128x128xf32, #tpu.memory_space<vmem>>, vector<16xf32>,
        tpu.vector_store %arg12[%swap3A_1066, %swap3A_1067], %add3A_1065 {strides = array<i32>} : memref<128x128xf32, #tpu.memory_space<vmem>>, vector<16xf32>,
        %get3A_1069 = arith.index_cast %add3A_1042 : i32 to index
        %get3A_1070 = arith.constant 32 : index
        %get3A_1071 = tpu.vector_load %arg10[%get3A_1069, %get3A_1070] {strides = array<i32>} : memref<256x64xf32, #tpu.memory_space<vmem>>, vector<16xf32>,
        %mul3A_1072 = arith.constant 8.000000e+00 : f32
        %mul3A_1073 = vector.broadcast %mul3A_1072 : f32 to vector<16xf32>
        %mul3A_1074 = arith.mulf %get3A_1071, %mul3A_1073 : vector<16xf32>
        %mul3A_1075 = arith.mulf %gather3A_1038, %mul3A_16 : vector<16xf32>
        %add3A_1076 = arith.addf %mul3A_1074, %mul3A_1075 : vector<16xf32>
        %swap3A_1077 = arith.index_cast %add3A_1046 : i32 to index
        %swap3A_1078 = arith.constant 96 : index
        %swap3A_1079 = tpu.vector_load %arg12[%swap3A_1077, %swap3A_1078] {strides = array<i32>} : memref<128x128xf32, #tpu.memory_space<vmem>>, vector<16xf32>,
        tpu.vector_store %arg12[%swap3A_1077, %swap3A_1078], %add3A_1076 {strides = array<i32>} : memref<128x128xf32, #tpu.memory_space<vmem>>, vector<16xf32>,
        %get3A_1080 = arith.index_cast %add3A_1042 : i32 to index
        %get3A_1081 = arith.constant 48 : index
        %get3A_1082 = tpu.vector_load %arg10[%get3A_1080, %get3A_1081] {strides = array<i32>} : memref<256x64xf32, #tpu.memory_space<vmem>>, vector<16xf32>,
        %mul3A_1083 = arith.constant 8.000000e+00 : f32
        %mul3A_1084 = vector.broadcast %mul3A_1083 : f32 to vector<16xf32>
        %mul3A_1085 = arith.mulf %get3A_1082, %mul3A_1084 : vector<16xf32>
        %mul3A_1086 = arith.mulf %gather3A_1038, %mul3A_21 : vector<16xf32>
        %add3A_1087 = arith.addf %mul3A_1085, %mul3A_1086 : vector<16xf32>
        %swap3A_1088 = arith.index_cast %add3A_1046 : i32 to index
        %swap3A_1089 = arith.constant 112 : index
        %swap3A_1090 = tpu.vector_load %arg12[%swap3A_1088, %swap3A_1089] {strides = array<i32>} : memref<128x128xf32, #tpu.memory_space<vmem>>, vector<16xf32>,
        tpu.vector_store %arg12[%swap3A_1088, %swap3A_1089], %add3A_1087 {strides = array<i32>} : memref<128x128xf32, #tpu.memory_space<vmem>>, vector<16xf32>,
      }
      %scan3A_151 = arith.constant 16 : i32
      %mul3A_152 = arith.constant 256 : i32
      %mul3A_153 = arith.muli %add3A_134, %mul3A_152 : i32
      %add3A_154 = arith.addi %mul3A_2, %mul3A_153 : i32
      %jit3A_155 = arith.constant 2 : i32
      %div3A_156 = arith.divsi %add3A_154, %jit3A_155 : i32
      %sign3A_157 = arith.constant 0 : i32
      %sign3A_158 = arith.cmpi sgt, %add3A_154, %sign3A_157 : i32
      %sign3A_159 = arith.extui %sign3A_158 : i1 to i32
      %sign3A_160 = arith.constant 0 : i32
      %sign3A_161 = arith.cmpi slt, %add3A_154, %sign3A_160 : i32
      %sign3A_162 = arith.extui %sign3A_161 : i1 to i32
      %sign3A_163 = arith.subi %sign3A_159, %sign3A_162 : i32
      %sign3A_164 = arith.constant 0 : i32
      %sign3A_165 = arith.cmpi sgt, %jit3A_155, %sign3A_164 : i32
      %sign3A_166 = arith.extui %sign3A_165 : i1 to i32
      %sign3A_167 = arith.constant 0 : i32
      %sign3A_168 = arith.cmpi slt, %jit3A_155, %sign3A_167 : i32
      %sign3A_169 = arith.extui %sign3A_168 : i1 to i32
      %sign3A_170 = arith.subi %sign3A_166, %sign3A_169 : i32
      %ne3A_171 = arith.cmpi ne, %sign3A_163, %sign3A_170 : i32
      %rem3A_172 = arith.remsi %add3A_154, %jit3A_155 : i32
      %ne3A_173 = arith.constant 0 : i32
      %ne3A_174 = arith.cmpi ne, %rem3A_172, %ne3A_173 : i32
      %and3A_175 = arith.andi %ne3A_171, %ne3A_174 : i1
      %sub3A_176 = arith.constant 1 : i32
      %sub3A_177 = arith.subi %div3A_156, %sub3A_176 : i32
      %select_n3A_178 = arith.select %and3A_175, %sub3A_177, %div3A_156 : i32
      %dma_start3A_179 = arith.constant 0 : i32
      %dma_start3A_180 = tpu.memref_slice %arg6[%select_n3A_178, %dma_start3A_179] : memref<409600x128xf32, #tpu.memory_space<hbm>> -> memref<128x128xf32, #tpu.memory_space<hbm>>
      %dma_start3A_181 = arith.constant 0 : i32
      %dma_start3A_182 = tpu.memref_slice %arg6[%select_n3A_178, %dma_start3A_181] : memref<409600x128xf32, #tpu.memory_space<hbm>> -> memref<128x128xf32, #tpu.memory_space<hbm>>
      tpu.enqueue_dma source(%arg12 : memref<128x128xf32, #tpu.memory_space<vmem>>) target(%dma_start3A_182 : memref<128x128xf32, #tpu.memory_space<hbm>>) target_semaphore(%arg17 : memref<!tpu.dma_semaphore, #tpu.memory_space<semaphore_mem>>)
      %add3A_183 = arith.constant 2 : i32
      %add3A_184 = arith.addi %add3A_134, %add3A_183 : i32
      %lt3A_185 = arith.constant 100 : i32
      %lt3A_186 = arith.cmpi slt, %add3A_184, %lt3A_185 : i32
      %convert_element_type3A_187 = arith.extui %lt3A_186 : i1 to i32
      %cond3A_188 = arith.constant 0 : i32
      %cond3A_189 = arith.cmpi ne, %convert_element_type3A_187, %cond3A_188 : i32
      scf.if %cond3A_189 {
        %add3A_190 = arith.constant 2 : i32
        %add3A_191 = arith.addi %add3A_134, %add3A_190 : i32
        %mul3A_192 = arith.constant 2 : i32
        %mul3A_193 = arith.muli %add3A_191, %mul3A_192 : i32
        %add3A_194 = arith.constant 0 : i32
        %add3A_195 = arith.addi %mul3A_193, %add3A_194 : i32
        %dma_start3A_196 = arith.constant 0 : i32
        %dma_start3A_197 = arith.constant 0 : i32
        %dma_start3A_198 = tpu.memref_slice %arg10[%dma_start3A_196, %dma_start3A_197] : memref<256x64xf32, #tpu.memory_space<vmem>> -> memref<128x64xf32, #tpu.memory_space<vmem>>
        %dma_start3A_199 = arith.constant 0 : i32
        %dma_start3A_200 = tpu.memref_slice %arg7[%add3A_195, %dma_start3A_199] : memref<200x128xi32, #tpu.memory_space<vmem>> -> memref<1x128xi32, #tpu.memory_space<vmem>>
        %dma_start3A_201 = tpu.memref_squeeze %dma_start3A_200 : memref<1x128xi32, #tpu.memory_space<vmem>> -> memref<128xi32, #tpu.memory_space<vmem>>
        %dma_start3A_202 = arith.constant 0 : i32
        %dma_start3A_203 = arith.constant 0 : i32
        %dma_start3A_204 = tpu.memref_slice %arg4[%dma_start3A_202, %dma_start3A_203] : memref<1015808x64xf32, #tpu.memory_space<hbm>> -> memref<1015808x64xf32, #tpu.memory_space<hbm>>
        tpu.enqueue_indirect_dma source(%dma_start3A_204 : memref<1015808x64xf32, #tpu.memory_space<hbm>>) target(%dma_start3A_198 : memref<128x64xf32, #tpu.memory_space<vmem>>) offsets(%dma_start3A_201 : memref<128xi32, #tpu.memory_space<vmem>>) semaphore(%arg15 : memref<!tpu.dma_semaphore, #tpu.memory_space<semaphore_mem>>)
        %mul3A_205 = arith.constant 2 : i32
        %mul3A_206 = arith.muli %add3A_191, %mul3A_205 : i32
        %add3A_207 = arith.constant 1 : i32
        %add3A_208 = arith.addi %mul3A_206, %add3A_207 : i32
        %dma_start3A_209 = arith.constant 128 : i32
        %dma_start3A_210 = arith.constant 0 : i32
        %dma_start3A_211 = tpu.memref_slice %arg10[%dma_start3A_209, %dma_start3A_210] : memref<256x64xf32, #tpu.memory_space<vmem>> -> memref<128x64xf32, #tpu.memory_space<vmem>>
        %dma_start3A_212 = arith.constant 0 : i32
        %dma_start3A_213 = tpu.memref_slice %arg7[%add3A_208, %dma_start3A_212] : memref<200x128xi32, #tpu.memory_space<vmem>> -> memref<1x128xi32, #tpu.memory_space<vmem>>
        %dma_start3A_214 = tpu.memref_squeeze %dma_start3A_213 : memref<1x128xi32, #tpu.memory_space<vmem>> -> memref<128xi32, #tpu.memory_space<vmem>>
        %dma_start3A_215 = arith.constant 0 : i32
        %dma_start3A_216 = arith.constant 0 : i32
        %dma_start3A_217 = tpu.memref_slice %arg4[%dma_start3A_215, %dma_start3A_216] : memref<1015808x64xf32, #tpu.memory_space<hbm>> -> memref<1015808x64xf32, #tpu.memory_space<hbm>>
        tpu.enqueue_indirect_dma source(%dma_start3A_217 : memref<1015808x64xf32, #tpu.memory_space<hbm>>) target(%dma_start3A_211 : memref<128x64xf32, #tpu.memory_space<vmem>>) offsets(%dma_start3A_214 : memref<128xi32, #tpu.memory_space<vmem>>) semaphore(%arg15 : memref<!tpu.dma_semaphore, #tpu.memory_space<semaphore_mem>>)
      } else {
      }
    }
    %scan3A_73 = arith.constant 50 : i32
    %dma_wait3A = arith.constant 0 : i32
    %dma_wait3A_74 = arith.constant 0 : i32
    %dma_wait3A_75 = tpu.memref_slice %arg6[%dma_wait3A, %dma_wait3A_74] : memref<409600x128xf32, #tpu.memory_space<hbm>> -> memref<128x128xf32, #tpu.memory_space<hbm>>
    %dma_wait3A_76 = arith.constant 0 : i32
    %dma_wait3A_77 = arith.constant 0 : i32
    %dma_wait3A_78 = tpu.memref_slice %arg6[%dma_wait3A_76, %dma_wait3A_77] : memref<409600x128xf32, #tpu.memory_space<hbm>> -> memref<128x128xf32, #tpu.memory_space<hbm>>
    tpu.wait_dma2 semaphore(%arg16 : memref<!tpu.dma_semaphore, #tpu.memory_space<semaphore_mem>>) src(%dma_wait3A_78 : memref<128x128xf32, #tpu.memory_space<hbm>>) dst(%arg11 : memref<128x128xf32, #tpu.memory_space<vmem>>)
    %dma_wait3A_79 = arith.constant 0 : i32
    %dma_wait3A_80 = arith.constant 0 : i32
    %dma_wait3A_81 = tpu.memref_slice %arg6[%dma_wait3A_79, %dma_wait3A_80] : memref<409600x128xf32, #tpu.memory_space<hbm>> -> memref<128x128xf32, #tpu.memory_space<hbm>>
    %dma_wait3A_82 = arith.constant 0 : i32
    %dma_wait3A_83 = arith.constant 0 : i32
    %dma_wait3A_84 = tpu.memref_slice %arg6[%dma_wait3A_82, %dma_wait3A_83] : memref<409600x128xf32, #tpu.memory_space<hbm>> -> memref<128x128xf32, #tpu.memory_space<hbm>>
    tpu.wait_dma2 semaphore(%arg17 : memref<!tpu.dma_semaphore, #tpu.memory_space<semaphore_mem>>) src(%dma_wait3A_84 : memref<128x128xf32, #tpu.memory_space<hbm>>) dst(%arg12 : memref<128x128xf32, #tpu.memory_space<vmem>>)
    return
  }
}

</mosaic_0001>

<sc_bundles>
// kernel: _embed.3.cloned.1.call-start
scs
__scs_entry_jumppad:
0x0: {  	(pc) =	sbr.rel $0x88, $3  }
0x1: {  	(tag) =	ssettag $0x0;
	lr =	simm.s32 $0x1  }
0x2: {  	[smem:$0x3F9D] =	sst lr;
	_ =	strace $0xD0000000  }
0x3: {  	_ = 	snop  }
0x4: {  	_ = 	snop  }
0x5: {  	_ = 	snop  }
0x6: {  	_ = 	snop  }
0x7: {  	_ = 	snop  }
__scs_overlays_trampoline_lowered:
0x8: {  	[smem:$0x3FAC] =	sst s0  }
0x9: {  	[smem:$0x3FAD] =	sst s1  }
0xa: {  	[smem:$0x3FAE] =	sst s2  }
0xb: {  	[smem:$0x3FAF] =	sst s3  }
0xc: {  	[smem:$0x3FB0] =	sst s4  }
0xd: {  	[smem:$0x3FB1] =	sst s5  }
0xe: {  	[smem:$0x3FB2] =	sst s6  }
0xf: {  	[smem:$0x3FB3] =	sst s7  }
0x10: {  	[smem:$0x3FB4] =	sst s8  }
0x11: {  	[smem:$0x3FB5] =	sst s9;
	s0 =	simm.s32 @!p0 $0x0  }
0x12: {  	s1 =	sld [smem:$0x3F9B];
	s0 =	simm.s32 @p0 $0x1  }
0x13: {  	[smem:$0x3FB6] =	sst s0;
	s0 =	simm.s32 @!p1 $0x0  }
0x14: {  	s2 =	sld [smem:$0x3F9A];
	s0 =	simm.s32 @p1 $0x1  }
0x15: {  	[smem:$0x3FB7] =	sst s0;
	s0 =	simm.s32 @!p2 $0x0  }
0x16: {  	s3 =	sld [smem:$0x3FDB];
	s0 =	simm.s32 @p2 $0x1  }
0x17: {  	s4 =	simm.s32 $0x1BF5;
	[smem:$0x3FB9] =	sst s0  }
0x18: {  	s0 =	sld [smem:$0x3F9C];
	_ =	swait.ge [sflag:s4], $0x0  }
0x19: {  	s7 =	sld [smem:$0x3F9D]  }
0x1a: {  	s8 =	sadd.s32 $0xFFFFE003, lr  }
0x1b: {  	s9 =	sadd.s32 $0xFFFFFEF7, lr;
	s5 =	simm.s32 $0xFFFFFFFF;
	p2 =	slt.u32 s8, $0xFFFFF086  }
0x1c: {  	p1 =	slt.u32 s9, $0xF7A;
	s5 =	simm.s32 @!p2 $0x0  }
0x1d: {  	s5 =	simm.s32 @p1 $0x1;
	p0 =	seq.s32 s7, s2  }
0x1e: {  	s7 =	smul.u32 @!p0 $0xF7A, s2;
	p2 =	seq.s32 @!p0 s5, $0x0  }
0x1f: {  	s9 =	smul.u32 $0xF7A, s1;
	s8 =	simm.s32 @!p0 $0x1BF5;
	p2 =	por !p2, p0  }
0x20: {  	[sflag:s8] =	ssyncset.s32 @!p0 $0xFFFFF086;
	s6 =	sadd.s32 @!p0 s3, s7;
	s7 =	simm.s32 @!p0 $0x108  }
0x21: {  	s3 =	sadd.s32 s3, s9;
	s6 =	sadd.s32 @!p0 $0x88, s6;
	s7 =	simm.s32 @p2 $0x1082  }
0x22: {  	[simem:s7], [sflag:s8] =	dma.local @!p0 [hbm:s6], $0xF7A  }
0x23: {  	s9 =	sor.u32 $0xD0000000, s2;
	s6 =	simm.s32 $0x108;
	_ =	swait.ge @!p0 [sflag:s8], $0x0  }
0x24: {  	s3 =	sadd.s32 $0x88, s3;
	s6 =	simm.s32 @!p1 $0x1082;
	[sflag:s4] =	ssyncset.s32 $0xFFFFF086  }
0x25: {  	[simem:s6], [sflag:s4] =	dma.local [hbm:s3], $0xF7A  }
0x26: {  	[smem:$0x3F9D] =	sst s1;
	(tag) =	ssettag s2;
	_ =	strace s9  }
0x27: {  	s1 =	sld [smem:$0x3FAD]  }
0x28: {  	s2 =	sld [smem:$0x3FAE]  }
0x29: {  	s4 =	sld [smem:$0x3FB0]  }
0x2a: {  	p0 =	seq.s32 s5, $0x0;
	s5 =	sld [smem:$0x3FB1]  }
0x2b: {  	s6 =	sld [smem:$0x3FB2]  }
0x2c: {  	s7 =	sld [smem:$0x3FB3]  }
0x2d: {  	s3 =	simm.s32 $0x108;
	s8 =	sld [smem:$0x3FB4]  }
0x2e: {  	s3 =	simm.s32 @!p0 $0x1082;
	s9 =	sld [smem:$0x3FB5]  }
0x2f: {  	lr =	sadd.s32 s0, s3;
	s0 =	sld [smem:$0x3FAC]  }
0x30: {  	s3 =	sld [smem:$0x3FAF]  }
0x31: {  	[smem:$0x3FB8] =	sst s10  }
0x32: {  	s10 =	sld [smem:$0x3FB6];
	_ =	sdelay $0x3  }
0x33: {  	p0 =	seq.s32 s10, $0x1;
	s10 =	sld [smem:$0x3FB8];
	_ =	sdelay $0x3  }
0x34: {  	[smem:$0x3FB8] =	sst s10  }
0x35: {  	s10 =	sld [smem:$0x3FB7];
	_ =	sdelay $0x3  }
0x36: {  	p1 =	seq.s32 s10, $0x1;
	s10 =	sld [smem:$0x3FB8];
	_ =	sdelay $0x3  }
0x37: {  	[smem:$0x3FB8] =	sst s10  }
0x38: {  	s10 =	sld [smem:$0x3FB9]  }
0x39: {  	_ = 	snop;
	(pc) =	sbr.ind lr, $3  }
0x3a: {  	_ = 	snop  }
0x3b: {  	_ = 	snop  }
0x3c: {  	p2 =	seq.s32 s10, $0x1;
	s10 =	sld [smem:$0x3FB8]  }
0x3d: {  	_ =	shalt  }
0x3e: {  	_ =	shalt  }
0x3f: {  	_ =	shalt  }
0x40: {  	_ =	shalt  }
0x41: {  	_ =	shalt  }
0x42: {  	_ =	shalt  }
0x43: {  	_ =	shalt  }
0x44: {  	_ =	shalt  }
0x45: {  	_ =	shalt  }
0x46: {  	_ =	shalt  }
0x47: {  	_ =	shalt  }
0x48: {  	_ =	shalt  }
0x49: {  	_ =	shalt  }
0x4a: {  	_ =	shalt  }
0x4b: {  	_ =	shalt  }
0x4c: {  	_ =	shalt  }
0x4d: {  	_ =	shalt  }
0x4e: {  	_ =	shalt  }
0x4f: {  	_ =	shalt  }
0x50: {  	_ =	shalt  }
0x51: {  	_ =	shalt  }
0x52: {  	_ =	shalt  }
0x53: {  	_ =	shalt  }
0x54: {  	_ =	shalt  }
0x55: {  	_ =	shalt  }
0x56: {  	_ =	shalt  }
0x57: {  	_ =	shalt  }
0x58: {  	_ =	shalt  }
0x59: {  	_ =	shalt  }
0x5a: {  	_ =	shalt  }
0x5b: {  	_ =	shalt  }
0x5c: {  	_ =	shalt  }
0x5d: {  	_ =	shalt  }
0x5e: {  	_ =	shalt  }
0x5f: {  	_ =	shalt  }
0x60: {  	_ =	shalt  }
0x61: {  	_ =	shalt  }
0x62: {  	_ =	shalt  }
0x63: {  	_ =	shalt  }
0x64: {  	_ =	shalt  }
0x65: {  	_ =	shalt  }
0x66: {  	_ =	shalt  }
0x67: {  	_ =	shalt  }
0x68: {  	_ =	shalt  }
0x69: {  	_ =	shalt  }
0x6a: {  	_ =	shalt  }
0x6b: {  	_ =	shalt  }
0x6c: {  	_ =	shalt  }
0x6d: {  	_ =	shalt  }
0x6e: {  	_ =	shalt  }
0x6f: {  	_ =	shalt  }
0x70: {  	_ =	shalt  }
0x71: {  	_ =	shalt  }
0x72: {  	_ =	shalt  }
0x73: {  	_ =	shalt  }
0x74: {  	_ =	shalt  }
0x75: {  	_ =	shalt  }
0x76: {  	_ =	shalt  }
0x77: {  	_ =	shalt  }
0x78: {  	_ =	shalt  }
0x79: {  	_ =	shalt  }
0x7a: {  	_ =	shalt  }
0x7b: {  	_ =	shalt  }
0x7c: {  	_ =	shalt  }
0x7d: {  	_ =	shalt  }
0x7e: {  	_ =	shalt  }
0x7f: {  	_ =	shalt  }
0x80: {  	_ =	shalt  }
0x81: {  	_ =	shalt  }
0x82: {  	_ =	shalt  }
0x83: {  	_ =	shalt  }
0x84: {  	_ =	shalt  }
0x85: {  	_ =	shalt  }
0x86: {  	_ =	shalt  }
0x87: {  	_ =	shalt  }
.Lfunc_end0:
.L_simem_size_0:
called_computation_lowered:
.L_overlay_start_0:
0x88: {  	s2 =	sld [smem:$0x3FD9]  }
0x89: {  	s3 =	sld [smem:$0x3FFE];
	_ =	sdelay $0x1  }
0x8a: {  	s1 =	srdreg.scid  }
0x8b: {  	s0 =	sand.u32 $0x1, s1  }
0x8c: {  	s17 =	sshll.u32 s0, $0xA;
	s2 =	sadd.s32 s3, s2  }
0x8d: {  	s2 =	sadd.s32 s2, s17  }
0x8e: {  	[smem:$0x3FC4] =	sst s2  }
0x8f: {  	_ = 	snop  }
0x90: {  	s2 =	sld [smem:$0x3FC9]  }
0x91: {  	s18 =	sld [smem:$0x3FC8]  }
0x92: {  	s4 =	sld [smem:$0x3FC6]  }
0x93: {  	s5 =	sld [smem:$0x3FD0];
	(tm) =	ssettm $0x1  }
0x94: {  	s6 =	sld [smem:$0x3FFB];
	_ =	sdelay $0x3  }
0x95: {  	_ =	strace s6  }
0x96: {  	s6 =	sld [smem:$0x3FFC];
	_ =	sdelay $0x3  }
0x97: {  	_ =	strace s6  }
0x98: {  	s6 =	sld [smem:$0x3FFD];
	_ =	sdelay $0x3  }
0x99: {  	_ =	strace s6  }
0x9a: {  	_ =	strace $0x8FFFFFFF  }
0x9b: {  	s19 =	sld [smem:$0x3FDB];
	_ =	sdelay $0x1  }
0x9c: {  	s7 =	simm.s32 $_scs_section_size  }
0x9d: {  	s8 =	simm.s32 $_size__tile_overlayer_lowered;
	s9 =	simm.s32 $_tile_overlayer_lowered  }
0x9e: {  	s22 =	simm.s32 $0x1BFF;
	s21 =	sshll.u32 s9, $0x1;
	s6 =	sadd.s32 s7, s19  }
0x9f: {  	s10 =	simm.s32 $0x0;
	s20 =	sshll.u32 s8, $0x1;
	s8 =	sadd.s32 s21, s6  }
0xa0: {  	[timem:s10], [sflag:s22] =	dma.local [hbm:s8], s20  }
0xa1: {  	_ =	swait.ge [sflag:s22], s20  }
0xa2: {  	s7 =	ssub.s32 $0x0, s20;
	[sflag:s22] =	ssyncset.done $0x0  }
0xa3: {  	[sflag:s22] =	ssyncadd.s32 s7;
	_ =	sdelay $0x1  }
0xa4: {  	s23 =	simm.s32 $0x1B8B  }
0xa5: {  	_ =	swait.ge [sflag:s23], $0x1  }
0xa6: {  	[sflag:s23] =	ssyncset.done $0x0  }
0xa7: {  	s25 =	simm.s32 $0x1B8E;
	s24 =	sld [smem:$0x3FFE];
	[sflag:s23] =	ssyncadd.s32 $0xFFFFFFFF  }
0xa8: {  	s26 =	simm.s32 $execute0_lowered;
	[smem:$0x3FD2] =	sst s25  }
0xa9: {  	s8 =	sshll.u32 s26, $0x1;
	_ =	strace $0x80000046;
	[dreg:$0x1] =	wrdreg $0xFFFFFFFF  }
0xaa: {  	s28 =	simm.s32 $_size_execute0_lowered;
	s6 =	sadd.s32 s6, s8;
	[dreg:$0x0] =	wrdreg $0x0  }
0xab: {  	s8 =	sshll.u32 s28, $0x1;
	[dreg:$0x2] =	wrdreg s6  }
0xac: {  	[dreg:$0x3] =	wrdreg s8  }
0xad: {  	[dreg:$0x4] =	wrdreg $0xC0  }
0xae: {  	_ =	task [dreg:s10], $0x5FFFF  }
0xaf: {  	[dreg:$0x1] =	wrdreg $0xFFFFFFFF  }
0xb0: {  	[dreg:$0x0] =	wrdreg $0x60  }
0xb1: {  	[dreg:$0x2] =	wrdreg s2  }
0xb2: {  	[dreg:$0x3] =	wrdreg s18  }
0xb3: {  	[dreg:$0x4] =	wrdreg s24  }
0xb4: {  	[dreg:$0x5] =	wrdreg s4  }
0xb5: {  	[dreg:$0x6] =	wrdreg s5  }
0xb6: {  	[dreg:$0x7] =	wrdreg $0x9  }
0xb7: {  	_ =	task.clear_ibuf [dreg:s10], $0x8FFFF;
	_ =	strace $0x90000046  }
0xb8: {  	s29 =	simm.s32 $0x9;
	_ =	strace $0x80000048  }
0xb9: {  	_ =	swait.ge [sflag:s29], $0x1  }
0xba: {  	[sflag:s29] =	ssyncadd.s32 $0xFFFFFFFF  }
0xbb: {  	_ =	strace $0x90000048  }
0xbc: {  	_ =	sfence  }
0xbd: {  	s30 =	sld [smem:$0x0];
	_ =	sdelay $0x2  }
0xbe: {  	s31 =	sshll.u32 s1, $0xD;
	s1 =	sshrl.u32 s1, $0x2  }
0xbf: {  	s3 =	sand.u32 $0x4000, s31;
	s1 =	sadd.s32 s1, s30  }
0xc0: {  	s0 =	sor.u32 s3, s0;
	s1 =	sshll.u32 s1, $0x11  }
0xc1: {  	s0 =	sor.u32 s1, s0  }
0xc2: {  	s0 =	sadd.s32 $0x8F2B, s0  }
0xc3: {  	[sflag:s0] =	ssyncadd.remote.s32 $0x1  }
0xc4: {  	_ =	sfence.sel $0xFFFF  }
0xc5: {  	[dreg:$0x0] =	wrdreg $0xFFFFFFFF;
	(pc) =	sbr.abs _section_cstart, $3  }
0xc6: {  	[dreg:$0x1] =	wrdreg $0xFFFFFFFF  }
0xc7: {  	_ =	task.clear_ibuf [dreg:s10], $0x2FFFF;
	_ =	strace $0x9FFFFFFF  }
0xc8: {  	(tm) =	ssettm $0x7FFFFFFF  }
0xc9: {  	_ =	shalt  }
tec
execute0_lowered:
.L_overlay_start_1:
0x0: {  	(tag) =	ssettag $0x1  }
0x1: {  	s0 =	rddreg [dreg:$0x0]  }
0x2: {  	s1 =	rddreg [dreg:$0x1]  }
0x3: {  	s2 =	rddreg [dreg:$0x2]  }
0x4: {  	s3 =	rddreg [dreg:$0x4]  }
0x5: {  	s4 =	srdreg.scid;
	s6 =	stileid.u32;
	s11 =	simm.s32 $0x5  }
0x6: {  	s13 =	simm.s32 $0x80;
	s14 =	simm.s32 $0xC800;
	s15 =	simm.s32 $0xE800  }
0x7: {  	s16 =	simm.s32 $0x100;
	s17 =	simm.s32 $0x10800;
	s18 =	simm.s32 $0x180  }
0x8: {  	s19 =	simm.s32 $0x12800;
	s20 =	simm.s32 $0x1;
	s21 =	simm.s32 $0x14800  }
0x9: {  	s22 =	simm.s32 $0x2;
	s23 =	simm.s32 $0x18800;
	s24 =	simm.s32 $0x3  }
0xa: {  	s25 =	simm.s32 $0x4;
	s26 =	simm.s32 $0x0;
	s5 =	sand.u32 $0x1, s4  }
.Ltmp0:
0xb: {  	s6 =	sshll.u32 s6, $0x1;
	s4 =	simm.s32 $0x0;
	(pc) =	sbr.rel .LBB2_1-.Ltmp0, $4  }
0xc: {  	s7 =	ssub.s32 $0x2, s5;
	s8 =	sor.u32 s5, s6;
	[smem:$0x7FF] =	sst s4  }
0xd: {  	s5 =	sadd.s32 $0xF80400, s2;
	s30 =	sshrl.u32 s7, $0x1;
	s9 =	smul.u32 $0xC80, s8  }
0xe: {  	_ =	strace $0x80000047;
	s8 =	smul.u32 $0x190000, s8;
	s31 =	ssub.s32 s7, s30  }
0xf: {  	v52 =	vimm.s32 $0x0;
	v50 =	vimm.s32 $0x1;
	v55 =	vimm.s32 $0x3;
	s6 =	sadd.s32 s0, s9;
	s7 =	sadd.s32 s1, s9;
	s9 =	smax.u32 s31, $0x1  }
.LBB2_10:
0x10: {  	s26 =	sadd.s32 $0x1, s26  }
0x11: {  	_ =	swait.ge [sflag:s24], $0x4000;
	p0 =	sne.s32 s26, s9  }
.Ltmp1:
0x12: {  	[sflag:s24] =	ssyncset.done $0x0;
	(pc) =	sbr.rel @!p0 .LBB2_11-.Ltmp1, $4  }
0x13: {  	[sflag:s24] =	ssyncadd.s32 $0xFFFFC000  }
0x14: {  	_ =	swait.ge [sflag:s25], $0x4000  }
0x15: {  	[sflag:s25] =	ssyncset.done $0x0  }
0x16: {  	[sflag:s25] =	ssyncadd.s32 $0xFFFFC000  }
.LBB2_1:
0x17: {  	s0 =	rddreg [dreg:$0x3];
	s1 =	simm.s32 $0x1C800  }
0x18: {  	[tilespmem:s1], [sflag:$0x5] =	stream.linear.gather [hbm4b:s0+s4], $0x40, $0x38;
	[tilespmem:$0x1C840] =	vst v63  }
0x19: {  	_ =	swait.ge [sflag:s11], $0x40  }
0x1a: {  	[sflag:s11] =	ssyncset.done $0x0  }
0x1b: {  	[sflag:s11] =	ssyncadd.s32 $0xFFFFFFC0  }
0x1c: {  	v0 =	vld [tilespmem:$0x1C800]  }
0x1d: {  	v1 =	vld [tilespmem:$0x1C810]  }
0x1e: {  	v2 =	vld [tilespmem:$0x1C820]  }
0x1f: {  	v3 =	vld [tilespmem:$0x1C830];
	[tilespmem:s4], [sflag:$0x5] =	stream.linear.gather [hbm4b:s6+s4], $0x6400, $0x38  }
0x20: {  	_ =	swait.ge [sflag:s11], $0x6400  }
0x21: {  	[sflag:s11] =	ssyncset.done $0x0  }
0x22: {  	s31 =	simm.s32 $0x6400;
	[sflag:s11] =	ssyncadd.s32 $0xFFFF9C00  }
0x23: {  	[tilespmem:s31], [sflag:$0x5] =	stream.linear.gather [hbm4b:s7+s4], $0x6400, $0x38;
	[tilespmem:$0x1C840] =	vst v63  }
0x24: {  	_ =	swait.ge [sflag:s11], $0x6400  }
0x25: {  	[sflag:s11] =	ssyncset.done $0x0  }
0x26: {  	s0 =	simm.s32 $0x0;
	[sflag:s11] =	ssyncadd.s32 $0xFFFF9C00  }
0x27: {  	v4 =	vld [tilespmem:s0+$0x0]  }
0x28: {  	v5 =	vld [tilespmem:s0+$0x10]  }
0x29: {  	v9 =	vld [tilespmem:s0+$0x30];
	_ =	sdelay $0x2  }
0x2a: {  	v6 =	vshll.u32 v4, $0x1  }
0x2b: {  	v7 =	vld [tilespmem:s0+$0x20];
	v8 =	vand.u32 $0xFFFF8000, v4;
	v4 =	vshrl.u32 v4, $0xE;
	v10 =	vand.u32 $0xFFFF8000, v5  }
0x2c: {  	v11 =	vshll.u32 v9, $0x1;
	v13 =	vand.u32 $0xFFFF8000, v9;
	v9 =	vshrl.u32 v9, $0xE  }
0x2d: {  	v6 =	vand.u32 $0x7FFE, v6;
	v4 =	vand.u32 $0x1, v4;
	v11 =	vand.u32 $0x7FFE, v11  }
0x2e: {  	v12 =	vld [tilespmem:s0+$0x40];
	v14 =	vand.u32 $0x1, v9;
	v6 =	vor.u32 v8, v6;
	v8 =	vshll.u32 v5, $0x1  }
0x2f: {  	v5 =	vshrl.u32 v5, $0xE;
	v11 =	vor.u32 v13, v11;
	v8 =	vand.u32 $0x7FFE, v8  }
0x30: {  	v9 =	vld [tilespmem:s0+$0x50];
	v4 =	vor.u32 v4, v6;
	v6 =	vor.u32 v10, v8;
	v10 =	vshll.u32 v7, $0x1  }
0x31: {  	v8 =	vand.u32 $0xFFFF8000, v7;
	v7 =	vshrl.u32 v7, $0xE;
	v10 =	vand.u32 $0x7FFE, v10  }
0x32: {  	v5 =	vand.u32 $0x1, v5;
	v7 =	vand.u32 $0x1, v7;
	v10 =	vor.u32 v8, v10  }
0x33: {  	v8 =	vor.u32 v5, v6;
	v5 =	vor.u32 v14, v11;
	v6 =	vld [tilespmem:s0+$0x60];
	v11 =	vshll.u32 v12, $0x1  }
0x34: {  	s1 =	simm.s32 $0x200;
	v7 =	vor.u32 v7, v10;
	v10 =	vand.u32 $0xFFFF8000, v12;
	v12 =	vshrl.u32 v12, $0xE  }
.LBB2_2:
0x35: {  	p0 =	sne.s32 s1, $0x18E00;
	v11 =	vand.u32 $0x7FFE, v11;
	v12 =	vand.u32 $0x1, v12;
	v13 =	vshll.u32 v9, $0x1;
	v14 =	vld [tilespmem:s0+$0x70]  }
0x36: {  	v15 =	vand.u32 $0xFFFF8000, v9;
	v9 =	vshrl.u32 v9, $0xE;
	v13 =	vand.u32 $0x7FFE, v13  }
0x37: {  	s2 =	sshra.s32 s1, $0x2;
	v9 =	vand.u32 $0x1, v9;
	[tilespmem:s0+$0x0] =	vst v4;
	v4 =	vor.u32 v10, v11;
	v10 =	vor.u32 v15, v13  }
0x38: {  	v11 =	vld [tilespmem:s2+$0x0];
	[tilespmem:s0+$0x10] =	vst v8;
	v4 =	vor.u32 v12, v4;
	v8 =	vor.u32 v9, v10;
	v9 =	vshll.u32 v6, $0x1  }
0x39: {  	[tilespmem:s0+$0x20] =	vst v7;
	v7 =	vand.u32 $0xFFFF8000, v6;
	v9 =	vand.u32 $0x7FFE, v9;
	v6 =	vshrl.u32 v6, $0xE  }
0x3a: {  	v10 =	vld [tilespmem:s2+$0x10];
	[tilespmem:s0+$0x30] =	vst v5;
	v5 =	vand.u32 $0x1, v6;
	v6 =	vor.u32 v7, v9;
	v7 =	vshll.u32 v14, $0x1  }
0x3b: {  	v9 =	vshrl.u32 v14, $0xE;
	[tilespmem:s0+$0x40] =	vst v4;
	v4 =	vand.u32 $0xFFFF8000, v14;
	v7 =	vand.u32 $0x7FFE, v7  }
0x3c: {  	v5 =	vor.u32 v5, v6;
	v6 =	vand.u32 $0x1, v9;
	[tilespmem:s0+$0x50] =	vst v8;
	v4 =	vor.u32 v4, v7  }
0x3d: {  	v7 =	vshll.u32 v11, $0x1;
	v8 =	vld [tilespmem:s2+$0x20];
	[tilespmem:s0+$0x60] =	vst v5;
	v4 =	vor.u32 v6, v4  }
0x3e: {  	v5 =	vand.u32 $0xFFFF8000, v11;
	v6 =	vand.u32 $0x7FFE, v7;
	v7 =	vshrl.u32 v11, $0xE;
	v11 =	vld [tilespmem:s2+$0x30];
	[tilespmem:s0+$0x70] =	vst v4;
	s0 =	smov.u32 s2  }
0x3f: {  	v4 =	vand.u32 $0x1, v7;
	v5 =	vor.u32 v5, v6;
	v6 =	vshll.u32 v10, $0x1  }
0x40: {  	v7 =	vand.u32 $0xFFFF8000, v10;
	v9 =	vshrl.u32 v10, $0xE;
	v6 =	vand.u32 $0x7FFE, v6  }
0x41: {  	v4 =	vor.u32 v4, v5;
	v5 =	vand.u32 $0x1, v9;
	v6 =	vor.u32 v7, v6  }
0x42: {  	v7 =	vand.u32 $0xFFFF8000, v8;
	v9 =	vshll.u32 v8, $0x1;
	v8 =	vshrl.u32 v8, $0xE;
	v12 =	vld [tilespmem:s0+$0x40]  }
.Ltmp2:
0x43: {  	v10 =	vand.u32 $0x7FFE, v9;
	v13 =	vand.u32 $0x1, v8;
	v8 =	vshll.u32 v11, $0x1;
	v9 =	vld [tilespmem:s0+$0x50];
	(pc) =	sbr.rel @p0 .LBB2_2-.Ltmp2, $4  }
0x44: {  	v14 =	vand.u32 $0xFFFF8000, v11;
	v11 =	vshrl.u32 v11, $0xE;
	v8 =	vand.u32 $0x7FFE, v8  }
0x45: {  	v7 =	vor.u32 v7, v10;
	v10 =	vand.u32 $0x1, v11;
	v11 =	vor.u32 v14, v8  }
0x46: {  	v8 =	vor.u32 v5, v6;
	v7 =	vor.u32 v13, v7;
	v5 =	vor.u32 v10, v11;
	v6 =	vld [tilespmem:s0+$0x60]  }
0x47: {  	s1 =	sadd.s32 $0x200, s1;
	v10 =	vand.u32 $0xFFFF8000, v12;
	v11 =	vshll.u32 v12, $0x1;
	v12 =	vshrl.u32 v12, $0xE  }
0x48: {  	v11 =	vand.u32 $0x7FFE, v11;
	v12 =	vand.u32 $0x1, v12;
	v13 =	vshll.u32 v9, $0x1;
	v14 =	vld [tilespmem:s0+$0x70]  }
0x49: {  	v15 =	vand.u32 $0xFFFF8000, v9;
	v48 =	vshrl.u32 v9, $0xE;
	v13 =	vand.u32 $0x7FFE, v13  }
0x4a: {  	[tilespmem:s0+$0x0] =	vst v4;
	v49 =	vor.u32 v10, v11;
	v9 =	vand.u32 $0x1, v48;
	v51 =	vor.u32 v15, v13  }
0x4b: {  	[tilespmem:s0+$0x10] =	vst v8;
	v4 =	vor.u32 v12, v49;
	v53 =	vor.u32 v9, v51;
	v54 =	vshll.u32 v6, $0x1  }
0x4c: {  	[tilespmem:s0+$0x20] =	vst v7;
	v56 =	vand.u32 $0xFFFF8000, v6;
	v57 =	vshrl.u32 v6, $0xE;
	v9 =	vand.u32 $0x7FFE, v54  }
0x4d: {  	[tilespmem:s0+$0x30] =	vst v5;
	v58 =	vand.u32 $0x1, v57;
	v59 =	vor.u32 v56, v9;
	v60 =	vshll.u32 v14, $0x1  }
0x4e: {  	[tilespmem:s0+$0x40] =	vst v4;
	v61 =	vand.u32 $0xFFFF8000, v14;
	v62 =	vshrl.u32 v14, $0xE;
	v7 =	vand.u32 $0x7FFE, v60  }
0x4f: {  	[tilespmem:s0+$0x50] =	vst v53;
	v5 =	vor.u32 v58, v59;
	v63 =	vand.u32 $0x1, v62;
	v4 =	vor.u32 v61, v7  }
0x50: {  	[tilespmem:s0+$0x60] =	vst v5;
	v4 =	vor.u32 v63, v4  }
0x51: {  	s28 =	simm.s32 $0x0;
	[tilespmem:s0+$0x70] =	vst v4  }
0x52: {  	[tilespmem:s14], [sflag:$0x1] =	stream.indirect.gather [hbm4b:s5+s13], $0x40, s28, s13, $0xb8;
	[tilespmem:$0x1C840] =	vst v63  }
0x53: {  	_ = 	snop  }
0x54: {  	[tilespmem:s15], [sflag:$0x1] =	stream.indirect.gather [hbm4b:s5+s13], $0x40, s13, s13, $0xb8;
	[tilespmem:$0x1C840] =	vst v63  }
0x55: {  	_ = 	snop  }
0x56: {  	[tilespmem:s17], [sflag:$0x2] =	stream.indirect.gather [hbm4b:s5+s13], $0x40, s16, s13, $0xb8;
	[tilespmem:$0x1C840] =	vst v63  }
0x57: {  	v16 =	vmul.f32 $8.000000000e+00, v0;
	v17 =	vmul.f32 $8.000000000e+00, v1;
	s10 =	simm.s32 $0x6400;
	s30 =	simm.s32 $0x6500  }
0x58: {  	v18 =	vmul.f32 $8.000000000e+00, v2;
	v19 =	vmul.f32 $8.000000000e+00, v3;
	[tilespmem:s19], [sflag:$0x2] =	stream.indirect.gather [hbm4b:s5+s13], $0x40, s18, s13, $0xb8;
	[tilespmem:$0x1C840] =	vst v63  }
.LBB2_4:
0x59: {  	_ =	swait.ge [sflag:s20], $0x4000  }
0x5a: {  	p0 =	seq.s32 s28, $0x0;
	[sflag:s20] =	ssyncset.done $0x0  }
0x5b: {  	s0 =	simm.s32 @!p0 $0x3;
	[sflag:s20] =	ssyncadd.s32 $0xFFFFC000  }
0x5c: {  	_ =	swait.ge @!p0 [sflag:s0], $0x4000  }
0x5d: {  	[sflag:s0] =	ssyncset.done @!p0 $0x0  }
0x5e: {  	s1 =	simm.s32 $0x0;
	[sflag:s0] =	ssyncadd.s32 @!p0 $0xFFFFC000  }
0x5f: {  	v0 =	vld [tilespmem:s1+$0xC800]  }
0x60: {  	v1 =	vld [tilespmem:s1+$0xC810]  }
0x61: {  	v2 =	vld [tilespmem:s1+$0xC820]  }
0x62: {  	v3 =	vld [tilespmem:s1+$0xC830]  }
0x63: {  	v4 =	vld [tilespmem:s1+$0xC840]  }
0x64: {  	v5 =	vld [tilespmem:s1+$0xC850]  }
0x65: {  	v6 =	vld [tilespmem:s1+$0xC860]  }
0x66: {  	v7 =	vld [tilespmem:s1+$0xC870]  }
0x67: {  	v8 =	vld [tilespmem:s1+$0xC880]  }
0x68: {  	v11 =	vld [tilespmem:s1+$0xC890]  }
0x69: {  	v12 =	vld [tilespmem:s1+$0xC8A0]  }
0x6a: {  	v20 =	vld [tilespmem:s1+$0xC8B0]  }
0x6b: {  	v21 =	vld [tilespmem:s1+$0xC8C0]  }
0x6c: {  	v22 =	vld [tilespmem:s1+$0xC8D0]  }
0x6d: {  	v23 =	vld [tilespmem:s1+$0xC8E0]  }
0x6e: {  	v24 =	vld [tilespmem:s1+$0xC8F0]  }
0x6f: {  	v25 =	vld [tilespmem:s1+$0xC900]  }
0x70: {  	v26 =	vld [tilespmem:s1+$0xC910]  }
0x71: {  	v27 =	vld [tilespmem:s1+$0xC920]  }
0x72: {  	v28 =	vld [tilespmem:s1+$0xC930]  }
0x73: {  	v29 =	vld [tilespmem:s1+$0xC940]  }
0x74: {  	v44 =	vld [tilespmem:s1+$0xC950]  }
0x75: {  	v42 =	vld [tilespmem:s1+$0xC960]  }
0x76: {  	v32 =	vld [tilespmem:s1+$0xC970]  }
0x77: {  	v43 =	vld [tilespmem:s1+$0xC980]  }
0x78: {  	v46 =	vld [tilespmem:s1+$0xC990]  }
0x79: {  	v30 =	vld [tilespmem:s1+$0xC9A0]  }
0x7a: {  	v45 =	vld [tilespmem:s1+$0xC9B0]  }
0x7b: {  	v37 =	vld [tilespmem:s1+$0xC9C0]  }
0x7c: {  	v49 =	vld [tilespmem:s1+$0xC9D0]  }
0x7d: {  	v39 =	vld [tilespmem:s1+$0xC9E0]  }
0x7e: {  	v40 =	vld [tilespmem:s1+$0xC9F0]  }
0x7f: {  	v41 =	vld [tilespmem:s1+$0xCA00]  }
0x80: {  	v9 =	vld [tilespmem:s1+$0xCA10]  }
0x81: {  	v56 =	vld [tilespmem:s1+$0xCA20]  }
0x82: {  	v51 =	vld [tilespmem:s1+$0xCA80]  }
0x83: {  	v47 =	vld [tilespmem:s1+$0xCAA0]  }
0x84: {  	v54 =	vld [tilespmem:s1+$0xCAD0];
	v59 =	vmul.f32 $8.000000000e+00, v4;
	v4 =	vmul.f32 $8.000000000e+00, v40  }
0x85: {  	[tilespmem:$0x1FF00] =	vst v9;
	v9 =	vld [tilespmem:s1+$0xCA30]  }
0x86: {  	[tilespmem:$0x1FEF0] =	vst v4;
	v4 =	vld [tilespmem:$0x1FF00]  }
0x87: {  	v14 =	vmul.f32 $8.000000000e+00, v0;
	v0 =	vld [tilespmem:s1+$0xCA40]  }
0x88: {  	v60 =	vmul.f32 $8.000000000e+00, v3;
	v3 =	vld [tilespmem:s1+$0xCA70]  }
0x89: {  	v10 =	vmul.f32 $8.000000000e+00, v6;
	v6 =	vmul.f32 $8.000000000e+00, v11;
	v11 =	vld [tilespmem:s1+$0xCA90]  }
0x8a: {  	v62 =	vmul.f32 $8.000000000e+00, v22;
	v22 =	vld [tilespmem:s1+$0xCAC0]  }
0x8b: {  	v61 =	vmul.f32 $8.000000000e+00, v24;
	v24 =	vld [tilespmem:s1+$0xCAE0];
	v4 =	vmul.f32 $8.000000000e+00, v4  }
0x8c: {  	v58 =	vmul.f32 $8.000000000e+00, v25;
	v25 =	vld [tilespmem:s1+$0xCAF0];
	[tilespmem:$0x1FF30] =	vst v9  }
0x8d: {  	v57 =	vmul.f32 $8.000000000e+00, v26;
	v26 =	vld [tilespmem:s1+$0xCB00];
	[tilespmem:$0x1FF10] =	vst v4;
	v4 =	vmul.f32 $8.000000000e+00, v56  }
0x8e: {  	v15 =	vmul.f32 $8.000000000e+00, v1;
	v2 =	vmul.f32 $8.000000000e+00, v2;
	[tilespmem:$0x1FF50] =	vst v0;
	v0 =	vld [tilespmem:s1+$0xCA50]  }
0x8f: {  	v13 =	vmul.f32 $8.000000000e+00, v5;
	v5 =	vmul.f32 $8.000000000e+00, v12;
	[tilespmem:$0x1FF20] =	vst v4;
	v4 =	vld [tilespmem:$0x1FF30]  }
0x90: {  	v1 =	vmul.f32 $8.000000000e+00, v20;
	v63 =	vmul.f32 $8.000000000e+00, v23;
	v12 =	vld [tilespmem:s1+$0xCB10]  }
0x91: {  	v38 =	vmul.f32 $8.000000000e+00, v27;
	v36 =	vmul.f32 $8.000000000e+00, v28;
	v20 =	vld [tilespmem:s1+$0xCB20]  }
0x92: {  	v35 =	vmul.f32 $8.000000000e+00, v29;
	v53 =	vmul.f32 $8.000000000e+00, v44;
	v23 =	vld [tilespmem:s1+$0xCB30]  }
0x93: {  	v33 =	vmul.f32 $8.000000000e+00, v42;
	v31 =	vmul.f32 $8.000000000e+00, v32;
	[tilespmem:$0x1FF60] =	vst v0;
	v0 =	vld [tilespmem:s1+$0xCA60]  }
0x94: {  	v28 =	vmul.f32 $8.000000000e+00, v37;
	v37 =	vld [tilespmem:s1+$0xCB40];
	v4 =	vmul.f32 $8.000000000e+00, v4  }
0x95: {  	v34 =	vmul.f32 $8.000000000e+00, v43;
	v32 =	vmul.f32 $8.000000000e+00, v41;
	v41 =	vld [tilespmem:s1+$0xCB50]  }
0x96: {  	v29 =	vmul.f32 $8.000000000e+00, v46;
	v9 =	vmul.f32 $8.000000000e+00, v7;
	[tilespmem:$0x1FF40] =	vst v4;
	v4 =	vld [tilespmem:$0x1FF50]  }
0x97: {  	v7 =	vmul.f32 $8.000000000e+00, v8;
	v8 =	vld [tilespmem:s1+$0xCAB0];
	v3 =	vmul.f32 $8.000000000e+00, v3  }
0x98: {  	v48 =	vmul.f32 $8.000000000e+00, v30;
	v43 =	vmul.f32 $8.000000000e+00, v12;
	v12 =	vld [tilespmem:s1+$0xCBC0];
	[tilespmem:$0x1FF80] =	vst v0  }
0x99: {  	[tilespmem:$0x1FFA0] =	vst v3;
	v3 =	vmul.f32 $8.000000000e+00, v51;
	v0 =	vmul.f32 $8.000000000e+00, v21;
	v21 =	vld [tilespmem:$0x1FF80]  }
0x9a: {  	v27 =	vmul.f32 $8.000000000e+00, v45;
	v40 =	vmul.f32 $8.000000000e+00, v23;
	v23 =	vld [tilespmem:s1+$0xCBD0]  }
0x9b: {  	[tilespmem:$0x1FFB0] =	vst v3;
	v3 =	vmul.f32 $8.000000000e+00, v11;
	v56 =	vmul.f32 $8.000000000e+00, v4;
	v4 =	vld [tilespmem:$0x1FF60]  }
0x9c: {  	v42 =	vmul.f32 $8.000000000e+00, v20;
	v20 =	vld [tilespmem:s10+$0x0];
	v11 =	vmul.f32 $8.000000000e+00, v47  }
0x9d: {  	v45 =	vmul.f32 $8.000000000e+00, v49;
	v8 =	vmul.f32 $8.000000000e+00, v8;
	[tilespmem:$0x1FFC0] =	vst v3;
	v3 =	vld [tilespmem:s1+$0xCB80]  }
0x9e: {  	v30 =	vmul.f32 $8.000000000e+00, v39;
	[tilespmem:$0x1FFD0] =	vst v11;
	v11 =	vld [tilespmem:s1+$0xCB90];
	v21 =	vmul.f32 $8.000000000e+00, v21  }
0x9f: {  	v54 =	vmul.f32 $8.000000000e+00, v54;
	[tilespmem:$0x1FFE0] =	vst v8;
	v8 =	vmul.f32 $8.000000000e+00, v22;
	v22 =	vld [tilespmem:s1+$0xCBA0]  }
0xa0: {  	v46 =	vmul.f32 $8.000000000e+00, v25;
	[tilespmem:$0x1FF90] =	vst v21;
	v21 =	vld [tilespmem:s1+$0xCB70];
	v4 =	vmul.f32 $8.000000000e+00, v4  }
0xa1: {  	s31 =	sshll.u32 s28, $0xB;
	v44 =	vmul.f32 $8.000000000e+00, v26;
	v39 =	vmul.f32 $8.000000000e+00, v37;
	[tilespmem:$0x1FFF0] =	vst v8;
	v8 =	vld [tilespmem:s1+$0xCBB0]  }
0xa2: {  	s2 =	simm.s32 $0x1000;
	s29 =	smov.u32 s10;
	s0 =	sshll.u32 s28, $0x1;
	v41 =	vmul.f32 $8.000000000e+00, v41;
	v51 =	vmul.f32 $8.000000000e+00, v24;
	[tilespmem:$0x1FF70] =	vst v4;
	v4 =	vld [tilespmem:s1+$0xCB60]  }
.LBB2_5:
0xa3: {  	_ = 	snop  }
0xa4: {  	v12 =	vmul.f32 $8.000000000e+00, v12  }
0xa5: {  	v21 =	vmul.f32 $8.000000000e+00, v21  }
0xa6: {  	[tilespmem:$0x1FEB0] =	vst v12;
	v12 =	vmul.f32 $8.000000000e+00, v23  }
0xa7: {  	[tilespmem:$0x1FE90] =	vst v21  }
0xa8: {  	v21 =	vmul.f32 $8.000000000e+00, v22;
	[tilespmem:$0x1FEC0] =	vst v12;
	v12 =	vperm.xlane v20, v52;
	_ =	sdelay $0x1  }
0xa9: {  	[tilespmem:$0x1FEA0] =	vst v21;
	v21 =	vperm.xlane v20, v50;
	v24 =	vmul.f32 v12, v16  }
0xaa: {  	v22 =	vimm.s32 $0x2;
	v23 =	vperm.xlane v20, v55;
	v25 =	vmul.f32 v12, v17  }
0xab: {  	v26 =	vmul.f32 v12, v18;
	v14 =	vadd.f32 v14, v24;
	v24 =	vmul.f32 v21, v16  }
0xac: {  	v22 =	vperm.xlane v20, v22;
	v12 =	vmul.f32 v12, v19;
	v15 =	vadd.f32 v15, v25  }
0xad: {  	v2 =	vadd.f32 v2, v26;
	[tilespmem:s1+$0x14800] =	vst v14;
	v14 =	vadd.f32 v59, v24;
	v24 =	vmul.f32 v21, v18  }
0xae: {  	v12 =	vadd.f32 v60, v12;
	v25 =	vmul.f32 v21, v17;
	v21 =	vmul.f32 v21, v19;
	[tilespmem:s1+$0x14810] =	vst v15  }
0xaf: {  	v15 =	vmul.f32 v22, v16;
	[tilespmem:s1+$0x14820] =	vst v2;
	v2 =	vadd.f32 v10, v24;
	v10 =	vmul.f32 v22, v18  }
0xb0: {  	v13 =	vadd.f32 v13, v25;
	v25 =	vmul.f32 v22, v17;
	[tilespmem:s1+$0x14830] =	vst v12;
	v12 =	vmul.f32 v22, v19  }
0xb1: {  	v9 =	vadd.f32 v9, v21;
	[tilespmem:s1+$0x14840] =	vst v14;
	v5 =	vadd.f32 v5, v10;
	v10 =	vmul.f32 v23, v16  }
0xb2: {  	v7 =	vadd.f32 v7, v15;
	[tilespmem:s1+$0x14850] =	vst v13;
	v12 =	vadd.f32 v1, v12;
	v1 =	vmul.f32 v23, v18  }
0xb3: {  	v6 =	vadd.f32 v6, v25;
	[tilespmem:s1+$0x14860] =	vst v2;
	v10 =	vadd.f32 v0, v10;
	v0 =	vimm.s32 $0x4  }
0xb4: {  	[tilespmem:s1+$0x14870] =	vst v9;
	v9 =	vadd.f32 v63, v1;
	v1 =	vimm.s32 $0x5;
	v0 =	vperm.xlane v20, v0  }
0xb5: {  	s12 =	sshra.s32 s2, $0x2;
	[tilespmem:s1+$0x14880] =	vst v7;
	v15 =	vperm.xlane v20, v1  }
0xb6: {  	v2 =	vld [tilespmem:s12+$0xC800];
	[tilespmem:s1+$0x14890] =	vst v6;
	v1 =	vmul.f32 v0, v16;
	v7 =	vmul.f32 v0, v17  }
0xb7: {  	v6 =	vmul.f32 v0, v18;
	v21 =	vmul.f32 v0, v19;
	v0 =	vld [tilespmem:s12+$0xC810];
	_ =	sdelay $0x3  }
0xb8: {  	v14 =	vmul.f32 v23, v17;
	[tilespmem:s1+$0x148A0] =	vst v5  }
0xb9: {  	v13 =	vmul.f32 v23, v19;
	v23 =	vadd.f32 v57, v7;
	v7 =	vmul.f32 v15, v16;
	[tilespmem:$0x1FED0] =	vst v0;
	v0 =	vld [tilespmem:s12+$0xC820]  }
0xba: {  	v14 =	vadd.f32 v62, v14;
	[tilespmem:s1+$0x148B0] =	vst v12  }
0xbb: {  	v24 =	vadd.f32 v38, v6;
	v5 =	vld [tilespmem:s12+$0xC830];
	[tilespmem:s1+$0x148C0] =	vst v10;
	v10 =	vadd.f32 v35, v7;
	v7 =	vimm.s32 $0x6  }
0xbc: {  	v12 =	vmul.f32 v15, v17;
	v6 =	vld [tilespmem:s12+$0xC840];
	[tilespmem:s1+$0x148D0] =	vst v14;
	v26 =	vperm.xlane v20, v7;
	v7 =	vimm.s32 $0x7  }
0xbd: {  	v13 =	vadd.f32 v61, v13;
	v22 =	vadd.f32 v58, v1;
	v38 =	vperm.xlane v20, v7;
	v7 =	vld [tilespmem:s12+$0xC850];
	[tilespmem:s1+$0x148E0] =	vst v9  }
0xbe: {  	v25 =	vadd.f32 v36, v21;
	v14 =	vadd.f32 v53, v12;
	v12 =	vld [tilespmem:$0x1FEF0];
	v9 =	vimm.s32 $0x8;
	[tilespmem:$0x1FEE0] =	vst v0  }
0xbf: {  	v21 =	vmul.f32 v15, v18;
	v0 =	vmov v51;
	v51 =	vperm.xlane v20, v9;
	v9 =	vld [tilespmem:s12+$0xC860];
	[tilespmem:s1+$0x148F0] =	vst v13  }
0xc0: {  	v57 =	vld [tilespmem:s12+$0xC870];
	[tilespmem:s1+$0x14900] =	vst v22  }
0xc1: {  	v52 =	vadd.f32 v33, v21;
	v33 =	vmul.f32 v26, v18;
	v36 =	vmul.f32 v38, v19;
	v58 =	vld [tilespmem:s12+$0xC880];
	[tilespmem:s1+$0x14910] =	vst v23  }
0xc2: {  	v61 =	vld [tilespmem:s12+$0xC890]  }
0xc3: {  	[tilespmem:s1+$0x14920] =	vst v24;
	v24 =	vadd.f32 v48, v33;
	v48 =	vadd.f32 v12, v36;
	v12 =	vld [tilespmem:$0x1FF10]  }
0xc4: {  	v13 =	vmul.f32 v26, v16  }
0xc5: {  	v47 =	vmul.f32 v38, v17;
	v35 =	vmul.f32 v38, v18  }
0xc6: {  	v13 =	vadd.f32 v34, v13;
	v34 =	vmul.f32 v38, v16;
	v38 =	vmul.f32 v51, v17;
	_ =	sdelay $0x1  }
0xc7: {  	v63 =	vmul.f32 v26, v17;
	v26 =	vmul.f32 v26, v19;
	v50 =	vadd.f32 v12, v38;
	v12 =	vld [tilespmem:$0x1FF20]  }
0xc8: {  	v15 =	vmul.f32 v15, v19;
	v62 =	vld [tilespmem:s12+$0xC8A0];
	[tilespmem:s1+$0x14930] =	vst v25  }
0xc9: {  	v1 =	vmovc v41;
	v41 =	vmov v54;
	v26 =	vadd.f32 v27, v26;
	v27 =	vmov v46;
	v46 =	vld [tilespmem:s12+$0xC8B0];
	[tilespmem:s1+$0x14940] =	vst v10  }
0xca: {  	v15 =	vadd.f32 v31, v15;
	v54 =	vmul.f32 v51, v18;
	v10 =	vadd.f32 v45, v47;
	v45 =	vld [tilespmem:s12+$0xC8C0];
	[tilespmem:s1+$0x14950] =	vst v14  }
0xcb: {  	v59 =	vmov v43;
	v37 =	vmul.f32 v51, v16;
	v43 =	vld [tilespmem:s12+$0xC8D0];
	[tilespmem:s1+$0x14960] =	vst v52  }
0xcc: {  	v49 =	vadd.f32 v29, v63;
	v63 =	vld [tilespmem:s12+$0xC8E0];
	[tilespmem:s1+$0x14970] =	vst v15;
	v15 =	vadd.f32 v12, v54;
	v12 =	vimm.s32 $0x9  }
0xcd: {  	v47 =	vadd.f32 v32, v37;
	v32 =	vperm.xlane v20, v12;
	v12 =	vimm.s32 $0xA  }
0xce: {  	v55 =	vmul.f32 v51, v19;
	v51 =	vperm.xlane v20, v12;
	v12 =	vld [tilespmem:$0x1FF40];
	_ =	sdelay $0x4  }
0xcf: {  	v22 =	vmov v40;
	v40 =	vld [tilespmem:s12+$0xC8F0];
	[tilespmem:s1+$0x14980] =	vst v13;
	v13 =	vadd.f32 v12, v55;
	v12 =	vimm.s32 $0xB  }
0xd0: {  	v52 =	vperm.xlane v20, v12;
	v12 =	vimm.s32 $0xC  }
0xd1: {  	v53 =	vperm.xlane v20, v12;
	v12 =	vld [tilespmem:$0x1FF70];
	_ =	sdelay $0x2  }
0xd2: {  	v25 =	vadd.f32 v28, v34;
	v34 =	vmul.f32 v32, v17;
	_ =	sdelay $0x1  }
0xd3: {  	v38 =	vadd.f32 v12, v34;
	v12 =	vld [tilespmem:$0x1FF90];
	_ =	sdelay $0x1  }
0xd4: {  	v21 =	vmov v39;
	v39 =	vld [tilespmem:s12+$0xC900];
	[tilespmem:s1+$0x14990] =	vst v49  }
0xd5: {  	v23 =	vmov v42;
	v42 =	vld [tilespmem:s12+$0xC910];
	[tilespmem:s1+$0x149A0] =	vst v24;
	v24 =	vmul.f32 v32, v18;
	_ =	sdelay $0x1  }
0xd6: {  	v24 =	vadd.f32 v12, v24;
	v12 =	vld [tilespmem:$0x1FFA0];
	_ =	sdelay $0x2  }
0xd7: {  	v14 =	vadd.f32 v30, v35;
	v35 =	vmul.f32 v32, v19;
	_ =	sdelay $0x1  }
0xd8: {  	v36 =	vadd.f32 v12, v35;
	v12 =	vld [tilespmem:$0x1FFC0]  }
0xd9: {  	v60 =	vmov v44;
	v44 =	vld [tilespmem:s12+$0xC920];
	[tilespmem:s1+$0x149B0] =	vst v26  }
0xda: {  	v37 =	vld [tilespmem:s12+$0xC930];
	[tilespmem:s1+$0x149C0] =	vst v25  }
0xdb: {  	v25 =	vmul.f32 v51, v17;
	v35 =	vld [tilespmem:s12+$0xC940];
	[tilespmem:s1+$0x149D0] =	vst v10  }
0xdc: {  	v34 =	vld [tilespmem:s12+$0xC950]  }
0xdd: {  	[tilespmem:s1+$0x149E0] =	vst v14;
	v14 =	vadd.f32 v12, v25;
	v12 =	vld [tilespmem:$0x1FFD0];
	_ =	sdelay $0x2  }
0xde: {  	v49 =	vmul.f32 v51, v18;
	_ =	sdelay $0x1  }
0xdf: {  	v33 =	vmul.f32 v32, v16;
	v32 =	vadd.f32 v12, v49;
	v12 =	vld [tilespmem:$0x1FFE0];
	_ =	sdelay $0x2  }
0xe0: {  	v54 =	vmul.f32 v51, v16;
	v51 =	vmul.f32 v51, v19;
	v10 =	vld [tilespmem:$0x1FFB0]  }
0xe1: {  	v26 =	vadd.f32 v56, v33;
	v33 =	vld [tilespmem:s12+$0xC960]  }
0xe2: {  	[tilespmem:s1+$0x149F0] =	vst v48;
	v48 =	vadd.f32 v12, v51;
	v12 =	vld [tilespmem:$0x1FFF0];
	_ =	sdelay $0x2  }
0xe3: {  	v31 =	vld [tilespmem:s12+$0xC970];
	[tilespmem:s1+$0x14A00] =	vst v47;
	v25 =	vmul.f32 v52, v16  }
0xe4: {  	v56 =	vmul.f32 v52, v18;
	v29 =	vld [tilespmem:s12+$0xC980];
	[tilespmem:s1+$0x14A10] =	vst v50;
	v10 =	vadd.f32 v10, v54;
	v54 =	vmul.f32 v52, v17  }
0xe5: {  	v28 =	vld [tilespmem:s12+$0xC990];
	v30 =	vadd.f32 v12, v25;
	v25 =	vmul.f32 v52, v19  }
0xe6: {  	[tilespmem:s1+$0x14A20] =	vst v15;
	v47 =	vadd.f32 v41, v54;
	v49 =	vadd.f32 v0, v56;
	v56 =	vmul.f32 v53, v17;
	v0 =	vld [tilespmem:$0x1FE90]  }
0xe7: {  	v41 =	vmul.f32 v53, v16;
	v12 =	vimm.s32 $0xD;
	v52 =	vadd.f32 v27, v25;
	v27 =	vld [tilespmem:s12+$0xC9A0];
	[tilespmem:s1+$0x14A30] =	vst v13  }
0xe8: {  	v15 =	vmul.f32 v53, v18;
	v50 =	vadd.f32 v59, v56;
	v59 =	vperm.xlane v20, v12;
	v25 =	vld [tilespmem:s12+$0xC9B0];
	[tilespmem:s1+$0x14A40] =	vst v26  }
0xe9: {  	v4 =	vmul.f32 $8.000000000e+00, v4;
	v12 =	vimm.s32 $0xE;
	v13 =	vadd.f32 v60, v41;
	v60 =	vld [tilespmem:s1+$0xCBE0];
	[tilespmem:s1+$0x14A50] =	vst v38  }
0xea: {  	v41 =	vld [tilespmem:s1+$0xCBF0];
	v26 =	vadd.f32 v23, v15;
	v15 =	vperm.xlane v20, v12;
	v38 =	vmul.f32 v59, v16;
	[tilespmem:s1+$0x14A60] =	vst v24  }
0xeb: {  	v24 =	vmul.f32 v59, v18;
	v51 =	vmul.f32 v59, v19;
	v12 =	vld [tilespmem:s12+$0xC9C0];
	[tilespmem:s1+$0x14A70] =	vst v36  }
0xec: {  	v11 =	vmul.f32 $8.000000000e+00, v11;
	v53 =	vmul.f32 v53, v19;
	v36 =	vadd.f32 v21, v38;
	v21 =	vld [tilespmem:s12+$0xC9D0]  }
0xed: {  	v8 =	vmul.f32 $8.000000000e+00, v8;
	[tilespmem:s1+$0x14A80] =	vst v10;
	v4 =	vadd.f32 v4, v24;
	v24 =	vadd.f32 v0, v51;
	v0 =	vld [tilespmem:$0x1FEA0]  }
0xee: {  	v53 =	vadd.f32 v22, v53;
	v54 =	vmul.f32 v59, v17;
	v10 =	vmul.f32 v15, v17;
	v22 =	vld [tilespmem:s12+$0xC9E0];
	[tilespmem:s1+$0x14A90] =	vst v14  }
0xef: {  	v59 =	vmul.f32 v15, v16;
	v14 =	vmul.f32 v15, v18;
	v23 =	vld [tilespmem:s12+$0xC9F0];
	[tilespmem:s1+$0x14AA0] =	vst v32  }
0xf0: {  	v15 =	vmul.f32 v15, v19;
	v11 =	vadd.f32 v11, v10;
	v10 =	vimm.s32 $0xF;
	v32 =	vld [tilespmem:s12+$0xCA00];
	[tilespmem:s1+$0x14AB0] =	vst v48  }
0xf1: {  	v51 =	vmul.f32 $8.000000000e+00, v41;
	v10 =	vperm.xlane v20, v10;
	v41 =	vld [tilespmem:s12+$0xCA10];
	[tilespmem:s1+$0x14AC0] =	vst v30  }
0xf2: {  	v38 =	vadd.f32 v1, v54;
	v20 =	vmul.f32 $8.000000000e+00, v60;
	v8 =	vadd.f32 v8, v15;
	v54 =	vld [tilespmem:s12+$0xCA20]  }
0xf3: {  	v48 =	vadd.f32 v0, v14;
	v15 =	vmul.f32 v10, v16;
	v30 =	vmul.f32 v10, v17;
	[tilespmem:s1+$0x14AD0] =	vst v47;
	v0 =	vld [tilespmem:$0x1FEB0]  }
0xf4: {  	v60 =	vmul.f32 v10, v18;
	v10 =	vmul.f32 v10, v19;
	v55 =	vld [tilespmem:s12+$0xCA30];
	[tilespmem:s1+$0x14AE0] =	vst v49  }
0xf5: {  	v56 =	vld [tilespmem:s12+$0xCA40];
	[tilespmem:s1+$0x14AF0] =	vst v52  }
0xf6: {  	v47 =	vadd.f32 v51, v10;
	v51 =	vld [tilespmem:s12+$0xCA50];
	[tilespmem:s1+$0x14B00] =	vst v13  }
0xf7: {  	v52 =	vld [tilespmem:s12+$0xCA60]  }
0xf8: {  	v3 =	vmul.f32 $8.000000000e+00, v3;
	[tilespmem:s1+$0x14B10] =	vst v50;
	v49 =	vadd.f32 v0, v15;
	v0 =	vld [tilespmem:$0x1FEC0]  }
0xf9: {  	v50 =	vld [tilespmem:s12+$0xCA70];
	[tilespmem:s1+$0x14B20] =	vst v26  }
0xfa: {  	v1 =	vmul.f32 $8.000000000e+00, v46;
	v3 =	vadd.f32 v3, v59;
	v59 =	vmul.f32 $8.000000000e+00, v6;
	v26 =	vld [tilespmem:s12+$0xCA80];
	[tilespmem:s1+$0x14B30] =	vst v53  }
0xfb: {  	v6 =	vmul.f32 $8.000000000e+00, v61;
	v20 =	vadd.f32 v20, v60;
	v60 =	vmul.f32 $8.000000000e+00, v5;
	v46 =	vld [tilespmem:s12+$0xCA90];
	[tilespmem:s1+$0x14B40] =	vst v36  }
0xfc: {  	v5 =	vmul.f32 $8.000000000e+00, v62;
	v62 =	vmul.f32 $8.000000000e+00, v43;
	v43 =	vld [tilespmem:s12+$0xCAA0];
	[tilespmem:s1+$0x14B50] =	vst v38  }
0xfd: {  	v61 =	vmul.f32 $8.000000000e+00, v40;
	v13 =	vmul.f32 $8.000000000e+00, v7;
	v40 =	vld [tilespmem:s12+$0xCAB0];
	[tilespmem:s1+$0x14B60] =	vst v4  }
0xfe: {  	v7 =	vmul.f32 $8.000000000e+00, v58;
	v58 =	vmul.f32 $8.000000000e+00, v39;
	v39 =	vld [tilespmem:s12+$0xCAC0];
	[tilespmem:s1+$0x14B70] =	vst v24  }
0xff: {  	v63 =	vmul.f32 $8.000000000e+00, v63;
	v10 =	vmul.f32 $8.000000000e+00, v9;
	v24 =	vld [tilespmem:s12+$0xCAD0];
	[tilespmem:s1+$0x14B80] =	vst v3  }
0x100: {  	v36 =	vmul.f32 $8.000000000e+00, v37;
	v3 =	vmul.f32 $8.000000000e+00, v23;
	v37 =	vld [tilespmem:s12+$0xCAE0];
	[tilespmem:s1+$0x14B90] =	vst v11  }
0x101: {  	v9 =	vmul.f32 $8.000000000e+00, v57;
	v57 =	vmul.f32 $8.000000000e+00, v42;
	v42 =	vld [tilespmem:s12+$0xCAF0];
	[tilespmem:s1+$0x14BA0] =	vst v48  }
0x102: {  	v35 =	vmul.f32 $8.000000000e+00, v35;
	v33 =	vmul.f32 $8.000000000e+00, v33;
	[tilespmem:$0x1FEF0] =	vst v3  }
0x103: {  	v38 =	vmul.f32 $8.000000000e+00, v44;
	v3 =	vmul.f32 $8.000000000e+00, v41;
	v44 =	vld [tilespmem:s12+$0xCB00];
	[tilespmem:s1+$0x14BB0] =	vst v8  }
0x104: {  	v30 =	vadd.f32 v0, v30;
	v48 =	vmul.f32 $8.000000000e+00, v27;
	v27 =	vmul.f32 $8.000000000e+00, v25;
	v25 =	vld [tilespmem:s12+$0xCB10];
	[tilespmem:s1+$0x14BC0] =	vst v49  }
0x105: {  	v31 =	vmul.f32 $8.000000000e+00, v31;
	v14 =	vmul.f32 $8.000000000e+00, v2;
	v0 =	vld [tilespmem:$0x1FED0];
	[tilespmem:$0x1FF10] =	vst v3  }
0x106: {  	v32 =	vmul.f32 $8.000000000e+00, v32;
	v3 =	vmul.f32 $8.000000000e+00, v54;
	v49 =	vld [tilespmem:s12+$0xCB20];
	[tilespmem:s1+$0x14BD0] =	vst v30  }
0x107: {  	v53 =	vmul.f32 $8.000000000e+00, v34;
	v34 =	vmul.f32 $8.000000000e+00, v29;
	v23 =	vld [tilespmem:s12+$0xCB30];
	[tilespmem:s1+$0x14BE0] =	vst v20  }
0x108: {  	v29 =	vmul.f32 $8.000000000e+00, v28;
	[tilespmem:$0x1FF20] =	vst v3;
	v3 =	vmul.f32 $8.000000000e+00, v55  }
0x109: {  	v28 =	vmul.f32 $8.000000000e+00, v12;
	v8 =	vmul.f32 $8.000000000e+00, v43;
	v41 =	vld [tilespmem:s12+$0xCB40];
	[tilespmem:s1+$0x14BF0] =	vst v47  }
0x10a: {  	v15 =	vmul.f32 $8.000000000e+00, v0;
	v0 =	vld [tilespmem:$0x1FEE0];
	s1 =	smov.u32 s12;
	[tilespmem:$0x1FF40] =	vst v3;
	v3 =	vmul.f32 $8.000000000e+00, v51  }
0x10b: {  	v56 =	vmul.f32 $8.000000000e+00, v56;
	[tilespmem:$0x1FFD0] =	vst v8;
	v8 =	vmul.f32 $8.000000000e+00, v40;
	v47 =	vld [tilespmem:s1+$0xCB50]  }
0x10c: {  	v30 =	vmul.f32 $8.000000000e+00, v22;
	v4 =	vld [tilespmem:s1+$0xCB60];
	[tilespmem:$0x1FF70] =	vst v3;
	v3 =	vmul.f32 $8.000000000e+00, v52  }
0x10d: {  	v54 =	vmul.f32 $8.000000000e+00, v24;
	[tilespmem:$0x1FFE0] =	vst v8;
	v8 =	vmul.f32 $8.000000000e+00, v39;
	v11 =	vld [tilespmem:s1+$0xCB90]  }
0x10e: {  	v22 =	vld [tilespmem:s1+$0xCBA0];
	v51 =	vmul.f32 $8.000000000e+00, v37;
	[tilespmem:$0x1FF90] =	vst v3;
	v3 =	vmul.f32 $8.000000000e+00, v50  }
0x10f: {  	p1 =	sne.s32 s2, $0xF000;
	s29 =	sadd.s32 $0x10, s29;
	v44 =	vmul.f32 $8.000000000e+00, v44;
	v12 =	vld [tilespmem:s1+$0xCBC0];
	v2 =	vmul.f32 $8.000000000e+00, v0  }
.Ltmp3:
0x110: {  	v20 =	vld [tilespmem:s29+$0x0];
	v0 =	vmul.f32 $8.000000000e+00, v45;
	[tilespmem:$0x1FFA0] =	vst v3;
	v3 =	vmul.f32 $8.000000000e+00, v26;
	(pc) =	sbr.rel @p1 .LBB2_5-.Ltmp3, $4  }
0x111: {  	v45 =	vmul.f32 $8.000000000e+00, v21;
	v21 =	vld [tilespmem:s1+$0xCB70];
	[tilespmem:$0x1FFF0] =	vst v8;
	v43 =	vmul.f32 $8.000000000e+00, v25  }
0x112: {  	v55 =	vimm.s32 $0x3;
	v8 =	vld [tilespmem:s1+$0xCBB0];
	v40 =	vmul.f32 $8.000000000e+00, v23;
	[tilespmem:$0x1FFB0] =	vst v3;
	v3 =	vmul.f32 $8.000000000e+00, v46  }
0x113: {  	v52 =	vimm.s32 $0x0;
	v23 =	vld [tilespmem:s1+$0xCBD0];
	v39 =	vmul.f32 $8.000000000e+00, v41;
	v41 =	vmul.f32 $8.000000000e+00, v47  }
0x114: {  	s2 =	sadd.s32 $0x1000, s2;
	v50 =	vimm.s32 $0x1;
	v46 =	vmul.f32 $8.000000000e+00, v42;
	v42 =	vmul.f32 $8.000000000e+00, v49;
	[tilespmem:$0x1FFC0] =	vst v3;
	v3 =	vld [tilespmem:s1+$0xCB80]  }
0x115: {  	v24 =	vperm.xlane v20, v52;
	_ =	sdelay $0x1  }
0x116: {  	v25 =	vmul.f32 v24, v16  }
0x117: {  	v26 =	vmul.f32 v24, v17  }
0x118: {  	v37 =	vmul.f32 v24, v18;
	v14 =	vadd.f32 v14, v25;
	v25 =	vperm.xlane v20, v50  }
0x119: {  	v24 =	vmul.f32 v24, v19;
	v15 =	vadd.f32 v15, v26  }
0x11a: {  	v2 =	vadd.f32 v2, v37;
	[tilespmem:s1+$0x14800] =	vst v14;
	v14 =	vmul.f32 v25, v16  }
0x11b: {  	v24 =	vadd.f32 v60, v24;
	v26 =	vimm.s32 $0x2;
	[tilespmem:s1+$0x14810] =	vst v15;
	v15 =	vmul.f32 v25, v17  }
0x11c: {  	v26 =	vperm.xlane v20, v26;
	[tilespmem:s1+$0x14820] =	vst v2;
	v2 =	vmul.f32 v25, v18;
	v14 =	vadd.f32 v59, v14  }
0x11d: {  	[tilespmem:s1+$0x14830] =	vst v24;
	v13 =	vadd.f32 v13, v15;
	v15 =	vmul.f32 v25, v19  }
0x11e: {  	v24 =	vmul.f32 v26, v16;
	v2 =	vadd.f32 v10, v2;
	v10 =	vmul.f32 v26, v17;
	[tilespmem:s1+$0x14840] =	vst v14  }
0x11f: {  	v9 =	vadd.f32 v9, v15;
	[tilespmem:s1+$0x14850] =	vst v13;
	v13 =	vperm.xlane v20, v55;
	v14 =	vmul.f32 v26, v18  }
0x120: {  	v7 =	vadd.f32 v7, v24;
	[tilespmem:s1+$0x14860] =	vst v2;
	v2 =	vadd.f32 v6, v10;
	v6 =	vmul.f32 v26, v19  }
0x121: {  	[tilespmem:s1+$0x14870] =	vst v9;
	v5 =	vadd.f32 v5, v14;
	v9 =	vmul.f32 v13, v16  }
0x122: {  	[tilespmem:s1+$0x14880] =	vst v7;
	v7 =	vmul.f32 v13, v17;
	v1 =	vadd.f32 v1, v6;
	v6 =	vimm.s32 $0x4  }
0x123: {  	[tilespmem:s1+$0x14890] =	vst v2;
	v2 =	vmul.f32 v13, v18;
	v6 =	vperm.xlane v20, v6  }
0x124: {  	[tilespmem:s1+$0x148A0] =	vst v5;
	v7 =	vadd.f32 v62, v7  }
0x125: {  	v0 =	vadd.f32 v0, v9;
	[tilespmem:s1+$0x148B0] =	vst v1;
	v1 =	vadd.f32 v63, v2;
	v2 =	vmul.f32 v6, v16  }
0x126: {  	v5 =	vmul.f32 v13, v19;
	[tilespmem:s1+$0x148D0] =	vst v7;
	v7 =	vimm.s32 $0x5  }
0x127: {  	v9 =	vmul.f32 v6, v18;
	[tilespmem:s1+$0x148C0] =	vst v0;
	v7 =	vperm.xlane v20, v7;
	v2 =	vadd.f32 v58, v2  }
0x128: {  	v0 =	vadd.f32 v61, v5;
	v5 =	vmul.f32 v6, v17;
	[tilespmem:s1+$0x148E0] =	vst v1  }
0x129: {  	v1 =	vmul.f32 v6, v19;
	v6 =	vadd.f32 v38, v9;
	[tilespmem:s1+$0x14900] =	vst v2;
	v2 =	vmul.f32 v7, v17  }
0x12a: {  	v5 =	vadd.f32 v57, v5;
	[tilespmem:s1+$0x148F0] =	vst v0  }
0x12b: {  	v9 =	vimm.s32 $0x6;
	v0 =	vmul.f32 v7, v16;
	[tilespmem:s1+$0x14920] =	vst v6;
	v2 =	vadd.f32 v53, v2  }
0x12c: {  	v1 =	vadd.f32 v36, v1;
	v9 =	vperm.xlane v20, v9;
	[tilespmem:s1+$0x14910] =	vst v5;
	v5 =	vmul.f32 v7, v18  }
0x12d: {  	v6 =	vmul.f32 v7, v19;
	v0 =	vadd.f32 v35, v0;
	[tilespmem:s1+$0x14950] =	vst v2;
	v2 =	vimm.s32 $0x7  }
0x12e: {  	[tilespmem:s1+$0x14930] =	vst v1;
	v7 =	vmul.f32 v9, v18;
	v1 =	vadd.f32 v33, v5;
	v2 =	vperm.xlane v20, v2  }
0x12f: {  	v5 =	vmul.f32 v9, v16;
	[tilespmem:s1+$0x14940] =	vst v0;
	v0 =	vadd.f32 v31, v6;
	v6 =	vmul.f32 v9, v17  }
0x130: {  	v7 =	vadd.f32 v48, v7;
	[tilespmem:s1+$0x14960] =	vst v1;
	v1 =	vmul.f32 v9, v19;
	v9 =	vmul.f32 v2, v18  }
0x131: {  	v6 =	vadd.f32 v29, v6  }
0x132: {  	[tilespmem:s1+$0x149A0] =	vst v7;
	v7 =	vadd.f32 v30, v9;
	v9 =	vld [tilespmem:$0x1FEF0]  }
0x133: {  	v5 =	vadd.f32 v34, v5;
	[tilespmem:s1+$0x14990] =	vst v6;
	v6 =	vimm.s32 $0x8  }
0x134: {  	[tilespmem:s1+$0x14970] =	vst v0;
	v0 =	vmul.f32 v2, v16;
	v1 =	vadd.f32 v27, v1;
	v6 =	vperm.xlane v20, v6  }
0x135: {  	[tilespmem:s1+$0x14980] =	vst v5;
	v5 =	vmul.f32 v2, v17;
	v2 =	vmul.f32 v2, v19  }
0x136: {  	[tilespmem:s1+$0x149B0] =	vst v1;
	v1 =	vmul.f32 v6, v16  }
0x137: {  	v2 =	vadd.f32 v9, v2  }
0x138: {  	[tilespmem:s1+$0x149E0] =	vst v7;
	v7 =	vld [tilespmem:$0x1FF10];
	v1 =	vadd.f32 v32, v1  }
0x139: {  	v0 =	vadd.f32 v28, v0;
	[tilespmem:s1+$0x149F0] =	vst v2;
	v2 =	vld [tilespmem:$0x1FF20]  }
0x13a: {  	v5 =	vadd.f32 v45, v5;
	[tilespmem:s1+$0x14A00] =	vst v1;
	v1 =	vld [tilespmem:$0x1FF40]  }
0x13b: {  	[tilespmem:s1+$0x149C0] =	vst v0;
	v0 =	vmul.f32 v6, v17;
	v9 =	vimm.s32 $0x9  }
0x13c: {  	[tilespmem:s1+$0x149D0] =	vst v5;
	v5 =	vmul.f32 v6, v18;
	v9 =	vperm.xlane v20, v9  }
0x13d: {  	v6 =	vmul.f32 v6, v19  }
0x13e: {  	v0 =	vadd.f32 v7, v0;
	v2 =	vadd.f32 v2, v5;
	v5 =	vmul.f32 v9, v16  }
0x13f: {  	v7 =	vld [tilespmem:$0x1FFA0];
	v1 =	vadd.f32 v1, v6  }
0x140: {  	[tilespmem:s1+$0x14A10] =	vst v0;
	v0 =	vadd.f32 v56, v5;
	v5 =	vld [tilespmem:$0x1FF70]  }
0x141: {  	v13 =	vld [tilespmem:$0x1FFC0];
	[tilespmem:s1+$0x14A30] =	vst v1;
	v1 =	vimm.s32 $0xA  }
0x142: {  	v1 =	vperm.xlane v20, v1;
	[tilespmem:s1+$0x14A40] =	vst v0;
	v0 =	vmul.f32 v9, v19  }
0x143: {  	v6 =	vmul.f32 v9, v17  }
0x144: {  	[tilespmem:s1+$0x14A20] =	vst v2;
	v2 =	vmul.f32 v9, v18;
	v9 =	vld [tilespmem:$0x1FFB0];
	v0 =	vadd.f32 v7, v0;
	v7 =	vmul.f32 v1, v17  }
0x145: {  	v5 =	vadd.f32 v5, v6;
	v6 =	vld [tilespmem:$0x1FF90]  }
0x146: {  	v7 =	vadd.f32 v13, v7;
	v13 =	vld [tilespmem:$0x1FFD0]  }
0x147: {  	[tilespmem:s1+$0x14A50] =	vst v5;
	v5 =	vmul.f32 v1, v16;
	_ =	sdelay $0x1  }
0x148: {  	v5 =	vadd.f32 v9, v5;
	v9 =	vmul.f32 v1, v18  }
0x149: {  	v2 =	vadd.f32 v6, v2  }
0x14a: {  	v9 =	vadd.f32 v13, v9;
	v13 =	vld [tilespmem:$0x1FFE0]  }
0x14b: {  	v14 =	vld [tilespmem:$0x1FFF0];
	[tilespmem:s1+$0x14A60] =	vst v2;
	v2 =	vimm.s32 $0xB  }
0x14c: {  	v2 =	vperm.xlane v20, v2  }
0x14d: {  	[tilespmem:s1+$0x14A70] =	vst v0;
	v1 =	vmul.f32 v1, v19  }
0x14e: {  	[tilespmem:s1+$0x14A90] =	vst v7;
	v0 =	vmul.f32 v2, v16  }
0x14f: {  	v7 =	vimm.s32 $0xC;
	[tilespmem:s1+$0x14A80] =	vst v5;
	v5 =	vmul.f32 v2, v17;
	v1 =	vadd.f32 v13, v1  }
0x150: {  	v7 =	vperm.xlane v20, v7;
	[tilespmem:s1+$0x14AA0] =	vst v9;
	v13 =	vmul.f32 v2, v18;
	v0 =	vadd.f32 v14, v0  }
0x151: {  	v3 =	vmul.f32 $8.000000000e+00, v3;
	v2 =	vmul.f32 v2, v19;
	v5 =	vadd.f32 v54, v5;
	[tilespmem:s1+$0x14AB0] =	vst v1  }
0x152: {  	v9 =	vmul.f32 v7, v16;
	v1 =	vadd.f32 v51, v13;
	[tilespmem:s1+$0x14AC0] =	vst v0;
	v0 =	vmul.f32 v7, v17  }
0x153: {  	v2 =	vadd.f32 v46, v2;
	v13 =	vimm.s32 $0xD;
	[tilespmem:s1+$0x14AD0] =	vst v5;
	v5 =	vmul.f32 v7, v18  }
0x154: {  	v13 =	vperm.xlane v20, v13;
	[tilespmem:s1+$0x14AE0] =	vst v1;
	v1 =	vmul.f32 v7, v19;
	v0 =	vadd.f32 v43, v0  }
0x155: {  	v9 =	vadd.f32 v44, v9;
	[tilespmem:s1+$0x14AF0] =	vst v2;
	v2 =	vmul.f32 $8.000000000e+00, v4;
	v7 =	vmul.f32 $8.000000000e+00, v21  }
0x156: {  	v4 =	vadd.f32 v42, v5;
	v5 =	vmul.f32 v13, v16;
	[tilespmem:s1+$0x14B10] =	vst v0;
	v0 =	vimm.s32 $0xE  }
0x157: {  	[tilespmem:s1+$0x14B00] =	vst v9;
	v9 =	vmul.f32 v13, v17;
	v1 =	vadd.f32 v40, v1;
	v0 =	vperm.xlane v20, v0  }
0x158: {  	v14 =	vmul.f32 v13, v18;
	v5 =	vadd.f32 v39, v5;
	[tilespmem:s1+$0x14B20] =	vst v4;
	v4 =	vmul.f32 v13, v19  }
0x159: {  	v9 =	vadd.f32 v41, v9;
	[tilespmem:s1+$0x14B30] =	vst v1;
	v1 =	vmul.f32 $8.000000000e+00, v11;
	v11 =	vmul.f32 v0, v16  }
0x15a: {  	v2 =	vadd.f32 v2, v14;
	[tilespmem:s1+$0x14B40] =	vst v5;
	v5 =	vmul.f32 $8.000000000e+00, v22;
	v4 =	vadd.f32 v7, v4  }
0x15b: {  	v6 =	vld [tilespmem:s1+$0xCBE0];
	[tilespmem:s1+$0x14B50] =	vst v9;
	v7 =	vmul.f32 v0, v17;
	v3 =	vadd.f32 v3, v11;
	v11 =	vimm.s32 $0xF  }
0x15c: {  	v10 =	vld [tilespmem:s1+$0xCBF0];
	[tilespmem:s1+$0x14B60] =	vst v2;
	v9 =	vmul.f32 v0, v18;
	v11 =	vperm.xlane v20, v11  }
0x15d: {  	v2 =	vmul.f32 $8.000000000e+00, v8;
	v0 =	vmul.f32 v0, v19;
	[tilespmem:s1+$0x14B70] =	vst v4;
	v1 =	vadd.f32 v1, v7  }
0x15e: {  	v4 =	vmul.f32 $8.000000000e+00, v12;
	v5 =	vadd.f32 v5, v9;
	[tilespmem:s1+$0x14B80] =	vst v3;
	v7 =	vmul.f32 v11, v16  }
0x15f: {  	v0 =	vadd.f32 v2, v0;
	v3 =	vmul.f32 $8.000000000e+00, v23;
	[tilespmem:s1+$0x14B90] =	vst v1;
	v2 =	vmul.f32 v11, v17  }
0x160: {  	v1 =	vmul.f32 $8.000000000e+00, v6;
	[tilespmem:s1+$0x14BA0] =	vst v5;
	v6 =	vmul.f32 v11, v18;
	v4 =	vadd.f32 v4, v7  }
0x161: {  	v5 =	vmul.f32 $8.000000000e+00, v10;
	[tilespmem:s1+$0x14BB0] =	vst v0;
	v7 =	vmul.f32 v11, v19;
	v2 =	vadd.f32 v3, v2  }
0x162: {  	s2 =	sshll.u32 s28, $0xF;
	v0 =	vadd.f32 v1, v6;
	[tilespmem:s1+$0x14BC0] =	vst v4  }
0x163: {  	s2 =	sadd.s32 s8, s2;
	v1 =	vadd.f32 v5, v7;
	[tilespmem:s1+$0x14BD0] =	vst v2  }
0x164: {  	p1 =	seq.s32 s28, $0x31;
	s2 =	sshrl.u32 s2, $0x3;
	[tilespmem:s1+$0x14BE0] =	vst v0  }
0x165: {  	s12 =	sadd.s32 s3, s2;
	[tilespmem:s1+$0x14BF0] =	vst v1;
	s1 =	sshrl.u32 @!p1 s31, $0x2  }
0x166: {  	[hbm4b:s12+s4] =	stream.linear.scatter [tilespmem:s21], [sflag:$0x3], $0x4000, $0x38;
	[tilespmem:$0x1C840] =	vst v63  }
0x167: {  	s29 =	simm.s32 @!p1 $0xC800;
	s2 =	sadd.s32 @!p1 $0x200, s1;
	s12 =	simm.s32 @!p1 $0x80  }
0x168: {  	[tilespmem:s29], [sflag:$0x1] =	stream.indirect.gather @!p1 [hbm4b:s5+s12], $0x40, s2, s12, $0xb8;
	[tilespmem:$0x1C840] =	vst v63  }
0x169: {  	s1 =	sadd.s32 @!p1 $0x280, s1;
	s2 =	simm.s32 @!p1 $0xE800  }
0x16a: {  	[tilespmem:s2], [sflag:$0x1] =	stream.indirect.gather @!p1 [hbm4b:s5+s12], $0x40, s1, s12, $0xb8;
	[tilespmem:$0x1C840] =	vst v63  }
0x16b: {  	_ =	swait.ge [sflag:s22], $0x4000  }
0x16c: {  	[sflag:s22] =	ssyncset.done $0x0  }
0x16d: {  	s1 =	simm.s32 @!p0 $0x4;
	[sflag:s22] =	ssyncadd.s32 $0xFFFFC000  }
0x16e: {  	_ =	swait.ge @!p0 [sflag:s1], $0x4000  }
0x16f: {  	[sflag:s1] =	ssyncset.done @!p0 $0x0  }
0x170: {  	[sflag:s1] =	ssyncadd.s32 @!p0 $0xFFFFC000;
	s1 =	simm.s32 $0x0  }
0x171: {  	v0 =	vld [tilespmem:s1+$0x10800]  }
0x172: {  	v1 =	vld [tilespmem:s1+$0x10810]  }
0x173: {  	v2 =	vld [tilespmem:s1+$0x10820]  }
0x174: {  	v3 =	vld [tilespmem:s1+$0x10830]  }
0x175: {  	v4 =	vld [tilespmem:s1+$0x10840]  }
0x176: {  	v5 =	vld [tilespmem:s1+$0x10850]  }
0x177: {  	v6 =	vld [tilespmem:s1+$0x10860]  }
0x178: {  	v7 =	vld [tilespmem:s1+$0x10870]  }
0x179: {  	v8 =	vld [tilespmem:s1+$0x10880]  }
0x17a: {  	v10 =	vld [tilespmem:s1+$0x10890]  }
0x17b: {  	v11 =	vld [tilespmem:s1+$0x108A0]  }
0x17c: {  	v20 =	vld [tilespmem:s1+$0x108B0]  }
0x17d: {  	v21 =	vld [tilespmem:s1+$0x108C0]  }
0x17e: {  	v22 =	vld [tilespmem:s1+$0x108D0]  }
0x17f: {  	v23 =	vld [tilespmem:s1+$0x108E0]  }
0x180: {  	v24 =	vld [tilespmem:s1+$0x108F0]  }
0x181: {  	v25 =	vld [tilespmem:s1+$0x10900]  }
0x182: {  	v26 =	vld [tilespmem:s1+$0x10910]  }
0x183: {  	v27 =	vld [tilespmem:s1+$0x10920]  }
0x184: {  	v28 =	vld [tilespmem:s1+$0x10930]  }
0x185: {  	v43 =	vld [tilespmem:s1+$0x10940]  }
0x186: {  	v44 =	vld [tilespmem:s1+$0x10950]  }
0x187: {  	v31 =	vld [tilespmem:s1+$0x10960]  }
0x188: {  	v32 =	vld [tilespmem:s1+$0x10970]  }
0x189: {  	v42 =	vld [tilespmem:s1+$0x10980]  }
0x18a: {  	v29 =	vld [tilespmem:s1+$0x10990]  }
0x18b: {  	v30 =	vld [tilespmem:s1+$0x109A0]  }
0x18c: {  	v45 =	vld [tilespmem:s1+$0x109B0]  }
0x18d: {  	v46 =	vld [tilespmem:s1+$0x109C0]  }
0x18e: {  	v55 =	vld [tilespmem:s1+$0x109D0]  }
0x18f: {  	v50 =	vld [tilespmem:s1+$0x109E0]  }
0x190: {  	v40 =	vld [tilespmem:s1+$0x109F0]  }
0x191: {  	v41 =	vld [tilespmem:s1+$0x10A00]  }
0x192: {  	v56 =	vld [tilespmem:s1+$0x10A10]  }
0x193: {  	v39 =	vld [tilespmem:s1+$0x10A20]  }
0x194: {  	v51 =	vld [tilespmem:s1+$0x10A30]  }
0x195: {  	v47 =	vld [tilespmem:s1+$0x10A90]  }
0x196: {  	v49 =	vld [tilespmem:s1+$0x10AC0];
	v9 =	vmul.f32 $8.000000000e+00, v7;
	v7 =	vmul.f32 $8.000000000e+00, v46  }
0x197: {  	v54 =	vld [tilespmem:s1+$0x10AD0];
	v14 =	vmul.f32 $8.000000000e+00, v0  }
0x198: {  	v15 =	vmul.f32 $8.000000000e+00, v1;
	v0 =	vld [tilespmem:s1+$0x10A40];
	[tilespmem:$0x1FDB0] =	vst v7;
	v7 =	vmul.f32 $8.000000000e+00, v55  }
0x199: {  	v1 =	vmul.f32 $8.000000000e+00, v2;
	v12 =	vmul.f32 $8.000000000e+00, v6;
	v2 =	vld [tilespmem:s1+$0x10A70]  }
0x19a: {  	v6 =	vmul.f32 $8.000000000e+00, v10;
	v10 =	vld [tilespmem:s1+$0x10A80];
	[tilespmem:$0x1FDC0] =	vst v7;
	v7 =	vmul.f32 $8.000000000e+00, v50  }
0x19b: {  	v59 =	vmul.f32 $8.000000000e+00, v4;
	v4 =	vld [tilespmem:s1+$0x10AA0]  }
0x19c: {  	v63 =	vmul.f32 $8.000000000e+00, v22;
	v22 =	vld [tilespmem:s1+$0x10AB0];
	[tilespmem:$0x1FDD0] =	vst v7;
	v7 =	vmul.f32 $8.000000000e+00, v40  }
0x19d: {  	v58 =	vmul.f32 $8.000000000e+00, v25;
	v25 =	vld [tilespmem:s1+$0x10AE0];
	[tilespmem:$0x1FE20] =	vst v0  }
0x19e: {  	v0 =	vld [tilespmem:s1+$0x10A50];
	[tilespmem:$0x1FDE0] =	vst v7;
	v7 =	vmul.f32 $8.000000000e+00, v56  }
0x19f: {  	v13 =	vmul.f32 $8.000000000e+00, v5;
	v57 =	vmul.f32 $8.000000000e+00, v26;
	v26 =	vld [tilespmem:s1+$0x10AF0]  }
0x1a0: {  	v5 =	vmul.f32 $8.000000000e+00, v11;
	v11 =	vld [tilespmem:s1+$0x10B00];
	[tilespmem:$0x1FDF0] =	vst v7;
	v7 =	vmul.f32 $8.000000000e+00, v39  }
0x1a1: {  	v60 =	vmul.f32 $8.000000000e+00, v3;
	v61 =	vmul.f32 $8.000000000e+00, v24;
	v24 =	vld [tilespmem:s1+$0x10B10]  }
0x1a2: {  	v62 =	vmul.f32 $8.000000000e+00, v23;
	v23 =	vld [tilespmem:s1+$0x10B20];
	[tilespmem:$0x1FE00] =	vst v7;
	v7 =	vmul.f32 $8.000000000e+00, v51  }
0x1a3: {  	v8 =	vmul.f32 $8.000000000e+00, v8;
	v3 =	vmul.f32 $8.000000000e+00, v20;
	[tilespmem:$0x1FE40] =	vst v0;
	v0 =	vld [tilespmem:s1+$0x10A60]  }
0x1a4: {  	v38 =	vmul.f32 $8.000000000e+00, v27;
	v36 =	vmul.f32 $8.000000000e+00, v28;
	[tilespmem:$0x1FE10] =	vst v7;
	v7 =	vld [tilespmem:$0x1FE20]  }
0x1a5: {  	v35 =	vmul.f32 $8.000000000e+00, v43;
	v34 =	vmul.f32 $8.000000000e+00, v31;
	v20 =	vld [tilespmem:s1+$0x10B30]  }
0x1a6: {  	v48 =	vmul.f32 $8.000000000e+00, v30;
	v30 =	vmul.f32 $8.000000000e+00, v22;
	v22 =	vld [tilespmem:s1+$0x10BA0]  }
0x1a7: {  	v37 =	vmul.f32 $8.000000000e+00, v42;
	v27 =	vmul.f32 $8.000000000e+00, v4;
	v4 =	vld [tilespmem:s1+$0x10BB0]  }
0x1a8: {  	v31 =	vmul.f32 $8.000000000e+00, v45;
	v45 =	vmul.f32 $8.000000000e+00, v11;
	v11 =	vld [tilespmem:s1+$0x10BC0]  }
0x1a9: {  	v42 =	vmul.f32 $8.000000000e+00, v23;
	v23 =	vld [tilespmem:s1+$0x10BD0];
	[tilespmem:$0x1FE60] =	vst v0;
	v7 =	vmul.f32 $8.000000000e+00, v7  }
0x1aa: {  	v53 =	vmul.f32 $8.000000000e+00, v44;
	v0 =	vmul.f32 $8.000000000e+00, v21;
	v21 =	vld [tilespmem:$0x1FE60]  }
0x1ab: {  	v33 =	vmul.f32 $8.000000000e+00, v32;
	v29 =	vmul.f32 $8.000000000e+00, v29;
	[tilespmem:$0x1FE30] =	vst v7;
	v7 =	vld [tilespmem:$0x1FE40]  }
0x1ac: {  	v32 =	vmul.f32 $8.000000000e+00, v41;
	v28 =	vmul.f32 $8.000000000e+00, v47;
	v40 =	vld [tilespmem:s1+$0x10B40]  }
0x1ad: {  	v54 =	vmul.f32 $8.000000000e+00, v54;
	v2 =	vmul.f32 $8.000000000e+00, v2;
	v39 =	vld [tilespmem:s1+$0x10B50]  }
0x1ae: {  	v55 =	vmul.f32 $8.000000000e+00, v49;
	v41 =	vmul.f32 $8.000000000e+00, v20;
	v20 =	vld [tilespmem:s30+$0x0]  }
0x1af: {  	v50 =	vmul.f32 $8.000000000e+00, v25;
	[tilespmem:$0x1FE80] =	vst v2;
	v2 =	vld [tilespmem:s1+$0x10B80];
	v21 =	vmul.f32 $8.000000000e+00, v21  }
0x1b0: {  	v56 =	vmul.f32 $8.000000000e+00, v10;
	v10 =	vld [tilespmem:s1+$0x10B90];
	v7 =	vmul.f32 $8.000000000e+00, v7  }
0x1b1: {  	v46 =	vmul.f32 $8.000000000e+00, v26;
	v44 =	vmul.f32 $8.000000000e+00, v24;
	[tilespmem:$0x1FE70] =	vst v21;
	v21 =	vld [tilespmem:s1+$0x10B70]  }
0x1b2: {  	s0 =	sor.u32 $0x1, s0;
	s29 =	smov.u32 s30;
	s2 =	simm.s32 $0x1000;
	v40 =	vmul.f32 $8.000000000e+00, v40;
	v51 =	vimm.s32 $0x2;
	v43 =	vmul.f32 $8.000000000e+00, v39;
	[tilespmem:$0x1FE50] =	vst v7;
	v7 =	vld [tilespmem:s1+$0x10B60]  }
.LBB2_7:
0x1b3: {  	_ = 	snop  }
0x1b4: {  	v11 =	vmul.f32 $8.000000000e+00, v11;
	_ =	sdelay $0x1  }
0x1b5: {  	[tilespmem:$0x1FD80] =	vst v11;
	v11 =	vmul.f32 $8.000000000e+00, v23  }
0x1b6: {  	v21 =	vmul.f32 $8.000000000e+00, v21  }
0x1b7: {  	[tilespmem:$0x1FD90] =	vst v11;
	v11 =	vperm.xlane v20, v52  }
0x1b8: {  	[tilespmem:$0x1FD50] =	vst v21;
	v21 =	vmul.f32 $8.000000000e+00, v22  }
0x1b9: {  	v24 =	vmul.f32 v11, v16  }
0x1ba: {  	[tilespmem:$0x1FD60] =	vst v21;
	v21 =	vimm.s32 $0x1;
	v25 =	vmul.f32 v11, v17  }
0x1bb: {  	v21 =	vperm.xlane v20, v21;
	v26 =	vmul.f32 v11, v18;
	v14 =	vadd.f32 v14, v24  }
0x1bc: {  	v11 =	vmul.f32 v11, v19;
	v15 =	vadd.f32 v15, v25  }
0x1bd: {  	v24 =	vmul.f32 v21, v16;
	v1 =	vadd.f32 v1, v26;
	[tilespmem:s1+$0x18800] =	vst v14  }
0x1be: {  	v11 =	vadd.f32 v60, v11;
	v25 =	vmul.f32 v21, v17;
	[tilespmem:s1+$0x18810] =	vst v15  }
0x1bf: {  	v22 =	vperm.xlane v20, v51;
	v14 =	vadd.f32 v59, v24;
	v24 =	vmul.f32 v21, v18;
	[tilespmem:s1+$0x18820] =	vst v1  }
0x1c0: {  	v23 =	vimm.s32 $0x3;
	v21 =	vmul.f32 v21, v19;
	v13 =	vadd.f32 v13, v25;
	[tilespmem:s1+$0x18830] =	vst v11  }
0x1c1: {  	v15 =	vmul.f32 v22, v16;
	v11 =	vmul.f32 v22, v19;
	v1 =	vadd.f32 v12, v24;
	[tilespmem:s1+$0x18840] =	vst v14  }
0x1c2: {  	v23 =	vperm.xlane v20, v23;
	v9 =	vadd.f32 v9, v21;
	v12 =	vmul.f32 v22, v18;
	[tilespmem:s1+$0x18850] =	vst v13  }
0x1c3: {  	v8 =	vadd.f32 v8, v15;
	v11 =	vadd.f32 v3, v11;
	[tilespmem:s1+$0x18860] =	vst v1  }
0x1c4: {  	v3 =	vmul.f32 v23, v18;
	v5 =	vadd.f32 v5, v12;
	v12 =	vmul.f32 v23, v16;
	[tilespmem:s1+$0x18870] =	vst v9  }
0x1c5: {  	s12 =	sshra.s32 s2, $0x2;
	v25 =	vmul.f32 v22, v17;
	[tilespmem:s1+$0x18880] =	vst v8  }
0x1c6: {  	v9 =	vadd.f32 v62, v3;
	v3 =	vld [tilespmem:s12+$0x10800];
	v12 =	vadd.f32 v0, v12;
	v0 =	vimm.s32 $0x4  }
0x1c7: {  	v6 =	vadd.f32 v6, v25;
	v1 =	vimm.s32 $0x5;
	v0 =	vperm.xlane v20, v0  }
0x1c8: {  	v15 =	vperm.xlane v20, v1  }
0x1c9: {  	[tilespmem:s1+$0x18890] =	vst v6;
	v1 =	vmul.f32 v0, v16;
	v8 =	vmul.f32 v0, v17  }
0x1ca: {  	v6 =	vmul.f32 v0, v18;
	v21 =	vmul.f32 v0, v19;
	v0 =	vld [tilespmem:s12+$0x10810];
	[tilespmem:s1+$0x188A0] =	vst v5  }
0x1cb: {  	v14 =	vmul.f32 v23, v17;
	v13 =	vmul.f32 v23, v19;
	[tilespmem:$0x1FD70] =	vst v3;
	v3 =	vld [tilespmem:$0x1FDB0]  }
0x1cc: {  	v22 =	vadd.f32 v58, v1;
	v23 =	vadd.f32 v57, v8;
	v8 =	vmul.f32 v15, v16;
	v1 =	vld [tilespmem:s12+$0x10820];
	[tilespmem:s1+$0x188B0] =	vst v11  }
0x1cd: {  	v14 =	vadd.f32 v63, v14;
	v13 =	vadd.f32 v61, v13;
	v11 =	vmul.f32 v15, v17;
	v5 =	vld [tilespmem:s12+$0x10830];
	[tilespmem:s1+$0x188C0] =	vst v12  }
0x1ce: {  	v24 =	vadd.f32 v38, v6;
	v12 =	vadd.f32 v35, v8;
	v6 =	vld [tilespmem:s12+$0x10840];
	v8 =	vimm.s32 $0x6  }
0x1cf: {  	[tilespmem:s1+$0x188D0] =	vst v14;
	v14 =	vadd.f32 v53, v11;
	v11 =	vld [tilespmem:$0x1FDC0];
	v26 =	vperm.xlane v20, v8;
	v8 =	vimm.s32 $0x7  }
0x1d0: {  	v38 =	vperm.xlane v20, v8;
	v8 =	vld [tilespmem:s12+$0x10850];
	[tilespmem:s1+$0x188E0] =	vst v9;
	v9 =	vimm.s32 $0x8  }
0x1d1: {  	v51 =	vperm.xlane v20, v9;
	v9 =	vld [tilespmem:s12+$0x10860];
	[tilespmem:s1+$0x188F0] =	vst v13  }
0x1d2: {  	v57 =	vld [tilespmem:s12+$0x10870];
	[tilespmem:s1+$0x18900] =	vst v22  }
0x1d3: {  	v25 =	vadd.f32 v36, v21;
	v47 =	vmul.f32 v26, v18;
	v58 =	vld [tilespmem:s12+$0x10880];
	[tilespmem:s1+$0x18910] =	vst v23  }
0x1d4: {  	v35 =	vmul.f32 v38, v16;
	v61 =	vld [tilespmem:s12+$0x10890];
	[tilespmem:s1+$0x18920] =	vst v24  }
0x1d5: {  	v24 =	vadd.f32 v48, v47;
	v47 =	vmul.f32 v38, v17;
	v62 =	vld [tilespmem:s12+$0x108A0];
	[tilespmem:s1+$0x18930] =	vst v25  }
0x1d6: {  	v25 =	vadd.f32 v3, v35;
	v3 =	vld [tilespmem:s12+$0x108B0]  }
0x1d7: {  	[tilespmem:s1+$0x18940] =	vst v12;
	v12 =	vadd.f32 v11, v47;
	v11 =	vld [tilespmem:$0x1FDD0];
	_ =	sdelay $0x2  }
0x1d8: {  	v36 =	vmul.f32 v38, v18  }
0x1d9: {  	v60 =	vmov v45;
	v45 =	vld [tilespmem:s12+$0x108C0]  }
0x1da: {  	[tilespmem:s1+$0x18950] =	vst v14;
	v14 =	vadd.f32 v11, v36;
	v11 =	vld [tilespmem:$0x1FDE0]  }
0x1db: {  	v13 =	vmul.f32 v26, v16;
	_ =	sdelay $0x1  }
0x1dc: {  	v13 =	vadd.f32 v37, v13;
	v37 =	vmul.f32 v38, v19;
	_ =	sdelay $0x1  }
0x1dd: {  	v48 =	vadd.f32 v11, v37;
	v11 =	vld [tilespmem:$0x1FDF0]  }
0x1de: {  	v39 =	vmul.f32 v26, v17;
	_ =	sdelay $0x1  }
0x1df: {  	v49 =	vadd.f32 v29, v39;
	v39 =	vmul.f32 v51, v17;
	_ =	sdelay $0x1  }
0x1e0: {  	v21 =	vmul.f32 v15, v18;
	[tilespmem:$0x1FDA0] =	vst v0;
	v0 =	vmovc v43;
	v43 =	vmov v50;
	v50 =	vadd.f32 v11, v39;
	v11 =	vld [tilespmem:$0x1FE00]  }
0x1e1: {  	v15 =	vmul.f32 v15, v19  }
0x1e2: {  	v52 =	vadd.f32 v34, v21  }
0x1e3: {  	v15 =	vadd.f32 v33, v15;
	v33 =	vmovc v28;
	v28 =	vmov v55;
	v55 =	vmul.f32 v51, v18  }
0x1e4: {  	v63 =	vld [tilespmem:s12+$0x108D0];
	[tilespmem:s1+$0x18960] =	vst v52  }
0x1e5: {  	v22 =	vmovc v41;
	v38 =	vmul.f32 v51, v16;
	v41 =	vld [tilespmem:s12+$0x108E0];
	[tilespmem:s1+$0x18970] =	vst v15;
	v15 =	vadd.f32 v11, v55;
	v11 =	vimm.s32 $0x9  }
0x1e6: {  	v35 =	vperm.xlane v20, v11;
	v11 =	vimm.s32 $0xA  }
0x1e7: {  	v47 =	vadd.f32 v32, v38;
	v32 =	vmul.f32 v51, v19;
	v51 =	vperm.xlane v20, v11;
	v11 =	vld [tilespmem:$0x1FE10];
	_ =	sdelay $0x4  }
0x1e8: {  	v21 =	vmov v40;
	v40 =	vld [tilespmem:s12+$0x108F0];
	[tilespmem:s1+$0x18980] =	vst v13;
	v13 =	vadd.f32 v11, v32;
	v11 =	vimm.s32 $0xB  }
0x1e9: {  	v52 =	vperm.xlane v20, v11;
	v11 =	vimm.s32 $0xC  }
0x1ea: {  	v53 =	vperm.xlane v20, v11;
	v11 =	vld [tilespmem:$0x1FE30]  }
0x1eb: {  	v26 =	vmul.f32 v26, v19  }
0x1ec: {  	v39 =	vld [tilespmem:s12+$0x10900];
	[tilespmem:s1+$0x18990] =	vst v49  }
0x1ed: {  	v26 =	vadd.f32 v31, v26;
	v23 =	vmov v42;
	v42 =	vld [tilespmem:s12+$0x10910];
	[tilespmem:s1+$0x189A0] =	vst v24;
	v38 =	vmul.f32 v35, v16  }
0x1ee: {  	v59 =	vmov v44;
	v44 =	vld [tilespmem:s12+$0x10920]  }
0x1ef: {  	[tilespmem:s1+$0x189B0] =	vst v26;
	v26 =	vadd.f32 v11, v38;
	v11 =	vld [tilespmem:$0x1FE50];
	_ =	sdelay $0x2  }
0x1f0: {  	v32 =	vmul.f32 v35, v17;
	_ =	sdelay $0x1  }
0x1f1: {  	v38 =	vadd.f32 v11, v32;
	v11 =	vld [tilespmem:$0x1FE70];
	_ =	sdelay $0x2  }
0x1f2: {  	v24 =	vmul.f32 v35, v18;
	_ =	sdelay $0x1  }
0x1f3: {  	v24 =	vadd.f32 v11, v24;
	v11 =	vld [tilespmem:$0x1FE80];
	_ =	sdelay $0x2  }
0x1f4: {  	v35 =	vmul.f32 v35, v19  }
0x1f5: {  	v34 =	vmov v56;
	v56 =	vmov v54;
	v37 =	vld [tilespmem:s12+$0x10930];
	[tilespmem:s1+$0x189C0] =	vst v25;
	v54 =	vmul.f32 v51, v16  }
0x1f6: {  	v25 =	vmul.f32 v51, v17;
	v36 =	vadd.f32 v11, v35;
	v35 =	vld [tilespmem:s12+$0x10940];
	[tilespmem:s1+$0x189D0] =	vst v12  }
0x1f7: {  	v49 =	vmul.f32 v51, v18;
	v12 =	vadd.f32 v34, v54;
	v34 =	vld [tilespmem:s12+$0x10950];
	[tilespmem:s1+$0x189E0] =	vst v14  }
0x1f8: {  	v51 =	vmul.f32 v51, v19;
	v14 =	vadd.f32 v33, v25;
	v25 =	vmul.f32 v52, v16;
	v33 =	vld [tilespmem:s12+$0x10960];
	[tilespmem:s1+$0x189F0] =	vst v48  }
0x1f9: {  	v32 =	vadd.f32 v27, v49;
	v54 =	vmul.f32 v52, v17;
	v31 =	vld [tilespmem:s12+$0x10970];
	[tilespmem:s1+$0x18A00] =	vst v47  }
0x1fa: {  	v55 =	vmul.f32 v52, v18;
	v48 =	vadd.f32 v30, v51;
	v30 =	vadd.f32 v28, v25;
	v29 =	vld [tilespmem:s12+$0x10980];
	[tilespmem:s1+$0x18A10] =	vst v50  }
0x1fb: {  	v47 =	vadd.f32 v56, v54;
	v25 =	vmul.f32 v52, v19;
	v56 =	vmul.f32 v53, v17;
	v28 =	vld [tilespmem:s12+$0x10990];
	[tilespmem:s1+$0x18A20] =	vst v15  }
0x1fc: {  	v49 =	vadd.f32 v43, v55;
	v43 =	vmul.f32 v53, v16;
	v11 =	vimm.s32 $0xD;
	v27 =	vld [tilespmem:s12+$0x109A0];
	[tilespmem:s1+$0x18A30] =	vst v13  }
0x1fd: {  	v52 =	vadd.f32 v46, v25;
	v50 =	vadd.f32 v59, v56;
	v59 =	vperm.xlane v20, v11;
	v25 =	vld [tilespmem:s12+$0x109B0];
	[tilespmem:s1+$0x18A40] =	vst v26  }
0x1fe: {  	v15 =	vmul.f32 v53, v18;
	v11 =	vimm.s32 $0xE;
	[tilespmem:s1+$0x18A50] =	vst v38  }
0x1ff: {  	v13 =	vadd.f32 v60, v43;
	v38 =	vmul.f32 v59, v16;
	v60 =	vmul.f32 v59, v17;
	[tilespmem:s1+$0x18A60] =	vst v24  }
0x200: {  	v26 =	vadd.f32 v23, v15;
	v15 =	vperm.xlane v20, v11;
	v11 =	vld [tilespmem:s12+$0x109C0]  }
0x201: {  	[tilespmem:s1+$0x18A70] =	vst v36;
	v36 =	vadd.f32 v21, v38;
	v38 =	vadd.f32 v0, v60;
	v0 =	vld [tilespmem:$0x1FD50];
	_ =	sdelay $0x1  }
0x202: {  	v7 =	vmul.f32 $8.000000000e+00, v7  }
0x203: {  	v24 =	vmul.f32 v59, v18;
	v51 =	vmul.f32 v59, v19;
	_ =	sdelay $0x1  }
0x204: {  	v53 =	vmul.f32 v53, v19;
	v7 =	vadd.f32 v7, v24;
	v24 =	vadd.f32 v0, v51;
	v0 =	vld [tilespmem:$0x1FD60]  }
0x205: {  	v21 =	vld [tilespmem:s12+$0x109D0];
	[tilespmem:s1+$0x18A80] =	vst v12  }
0x206: {  	v53 =	vadd.f32 v22, v53;
	v22 =	vld [tilespmem:s12+$0x109E0];
	[tilespmem:s1+$0x18A90] =	vst v14  }
0x207: {  	v14 =	vmul.f32 v15, v18;
	v23 =	vld [tilespmem:s12+$0x109F0];
	[tilespmem:s1+$0x18AA0] =	vst v32  }
0x208: {  	v32 =	vld [tilespmem:s12+$0x10A00]  }
0x209: {  	[tilespmem:s1+$0x18AB0] =	vst v48;
	v48 =	vadd.f32 v0, v14;
	v0 =	vld [tilespmem:$0x1FD70];
	_ =	sdelay $0x1  }
0x20a: {  	v43 =	vld [tilespmem:s1+$0x10BE0]  }
0x20b: {  	v10 =	vmul.f32 $8.000000000e+00, v10;
	v12 =	vmul.f32 v15, v17  }
0x20c: {  	v4 =	vmul.f32 $8.000000000e+00, v4;
	v59 =	vmul.f32 v15, v16  }
0x20d: {  	v10 =	vadd.f32 v10, v12;
	v12 =	vimm.s32 $0xF;
	v14 =	vmul.f32 $8.000000000e+00, v0;
	v0 =	vld [tilespmem:$0x1FD80]  }
0x20e: {  	v46 =	vld [tilespmem:s1+$0x10BF0];
	v15 =	vmul.f32 v15, v19;
	v12 =	vperm.xlane v20, v12  }
0x20f: {  	v20 =	vmul.f32 $8.000000000e+00, v43;
	v43 =	vld [tilespmem:s12+$0x10A10];
	[tilespmem:s1+$0x18AC0] =	vst v30  }
0x210: {  	v4 =	vadd.f32 v4, v15;
	v15 =	vmul.f32 v12, v16;
	v54 =	vld [tilespmem:s12+$0x10A20];
	[tilespmem:s1+$0x18AD0] =	vst v47  }
0x211: {  	v55 =	vld [tilespmem:s12+$0x10A30]  }
0x212: {  	[tilespmem:s1+$0x18AE0] =	vst v49;
	v49 =	vadd.f32 v0, v15;
	v0 =	vld [tilespmem:$0x1FD90]  }
0x213: {  	v51 =	vmul.f32 $8.000000000e+00, v46;
	v30 =	vmul.f32 v12, v17  }
0x214: {  	v60 =	vmul.f32 v12, v18;
	v12 =	vmul.f32 v12, v19  }
0x215: {  	v56 =	vld [tilespmem:s12+$0x10A40];
	[tilespmem:s1+$0x18AF0] =	vst v52  }
0x216: {  	v47 =	vadd.f32 v51, v12;
	v51 =	vld [tilespmem:s12+$0x10A50]  }
0x217: {  	[tilespmem:s1+$0x18B00] =	vst v13;
	v30 =	vadd.f32 v0, v30;
	v0 =	vld [tilespmem:$0x1FDA0]  }
0x218: {  	v52 =	vld [tilespmem:s12+$0x10A60];
	[tilespmem:s1+$0x18B10] =	vst v50  }
0x219: {  	v2 =	vmul.f32 $8.000000000e+00, v2;
	v50 =	vld [tilespmem:s12+$0x10A70];
	[tilespmem:s1+$0x18B20] =	vst v26  }
0x21a: {  	v26 =	vld [tilespmem:s12+$0x10A80];
	[tilespmem:s1+$0x18B30] =	vst v53  }
0x21b: {  	v2 =	vadd.f32 v2, v59;
	v59 =	vmul.f32 $8.000000000e+00, v6;
	v6 =	vmul.f32 $8.000000000e+00, v61;
	v46 =	vld [tilespmem:s12+$0x10A90];
	[tilespmem:s1+$0x18B40] =	vst v36  }
0x21c: {  	v15 =	vmul.f32 $8.000000000e+00, v0;
	v0 =	vmul.f32 $8.000000000e+00, v45;
	v45 =	vld [tilespmem:s12+$0x10AA0];
	[tilespmem:s1+$0x18B50] =	vst v38  }
0x21d: {  	v61 =	vmul.f32 $8.000000000e+00, v40;
	v20 =	vadd.f32 v20, v60;
	v60 =	vmul.f32 $8.000000000e+00, v5;
	v40 =	vld [tilespmem:s12+$0x10AB0];
	[tilespmem:s1+$0x18B60] =	vst v7  }
0x21e: {  	v5 =	vmul.f32 $8.000000000e+00, v62;
	v62 =	vmul.f32 $8.000000000e+00, v41;
	v41 =	vld [tilespmem:s12+$0x10AC0];
	[tilespmem:s1+$0x18B70] =	vst v24  }
0x21f: {  	v12 =	vmul.f32 $8.000000000e+00, v9;
	v9 =	vmul.f32 $8.000000000e+00, v57;
	v24 =	vld [tilespmem:s12+$0x10AD0];
	[tilespmem:s1+$0x18B80] =	vst v2  }
0x220: {  	v57 =	vmul.f32 $8.000000000e+00, v42;
	v2 =	vmul.f32 $8.000000000e+00, v11;
	v42 =	vld [tilespmem:s12+$0x10AE0];
	[tilespmem:s1+$0x18B90] =	vst v10  }
0x221: {  	v13 =	vmul.f32 $8.000000000e+00, v8;
	v38 =	vmul.f32 $8.000000000e+00, v44;
	v44 =	vld [tilespmem:s12+$0x10AF0];
	[tilespmem:s1+$0x18BA0] =	vst v48  }
0x222: {  	v8 =	vmul.f32 $8.000000000e+00, v58;
	[tilespmem:$0x1FDB0] =	vst v2;
	v2 =	vmul.f32 $8.000000000e+00, v21  }
0x223: {  	v58 =	vmul.f32 $8.000000000e+00, v39;
	v53 =	vmul.f32 $8.000000000e+00, v34;
	v39 =	vld [tilespmem:s12+$0x10B00];
	[tilespmem:s1+$0x18BB0] =	vst v4  }
0x224: {  	v34 =	vmul.f32 $8.000000000e+00, v33;
	[tilespmem:$0x1FDC0] =	vst v2;
	v2 =	vmul.f32 $8.000000000e+00, v22  }
0x225: {  	v33 =	vmul.f32 $8.000000000e+00, v31;
	v31 =	vmul.f32 $8.000000000e+00, v25;
	v25 =	vld [tilespmem:s12+$0x10B10];
	[tilespmem:s1+$0x18BC0] =	vst v49  }
0x226: {  	[tilespmem:$0x1FDD0] =	vst v2;
	v2 =	vmul.f32 $8.000000000e+00, v23  }
0x227: {  	v49 =	vld [tilespmem:s12+$0x10B20];
	[tilespmem:s1+$0x18BD0] =	vst v30  }
0x228: {  	v1 =	vmul.f32 $8.000000000e+00, v1;
	[tilespmem:$0x1FDE0] =	vst v2;
	v2 =	vmul.f32 $8.000000000e+00, v43  }
0x229: {  	v3 =	vmul.f32 $8.000000000e+00, v3;
	v63 =	vmul.f32 $8.000000000e+00, v63;
	v23 =	vld [tilespmem:s12+$0x10B30];
	[tilespmem:s1+$0x18BE0] =	vst v20  }
0x22a: {  	v35 =	vmul.f32 $8.000000000e+00, v35;
	[tilespmem:$0x1FDF0] =	vst v2;
	v2 =	vmul.f32 $8.000000000e+00, v54  }
0x22b: {  	v32 =	vmul.f32 $8.000000000e+00, v32;
	v36 =	vmul.f32 $8.000000000e+00, v37;
	v43 =	vld [tilespmem:s12+$0x10B40];
	[tilespmem:s1+$0x18BF0] =	vst v47  }
0x22c: {  	v37 =	vmul.f32 $8.000000000e+00, v29;
	s1 =	smov.u32 s12;
	[tilespmem:$0x1FE00] =	vst v2;
	v2 =	vmul.f32 $8.000000000e+00, v55  }
0x22d: {  	v29 =	vmul.f32 $8.000000000e+00, v28;
	v28 =	vmul.f32 $8.000000000e+00, v46;
	v47 =	vld [tilespmem:s1+$0x10B50]  }
0x22e: {  	v48 =	vmul.f32 $8.000000000e+00, v27;
	v7 =	vld [tilespmem:s1+$0x10B60];
	[tilespmem:$0x1FE10] =	vst v2;
	v2 =	vmul.f32 $8.000000000e+00, v56  }
0x22f: {  	v27 =	vmul.f32 $8.000000000e+00, v45;
	v30 =	vmul.f32 $8.000000000e+00, v40;
	v21 =	vld [tilespmem:s1+$0x10B70]  }
0x230: {  	v46 =	vmul.f32 $8.000000000e+00, v44;
	v10 =	vld [tilespmem:s1+$0x10B90];
	[tilespmem:$0x1FE30] =	vst v2;
	v2 =	vmul.f32 $8.000000000e+00, v51  }
0x231: {  	p0 =	sne.s32 s2, $0xF000;
	v45 =	vmul.f32 $8.000000000e+00, v39;
	v22 =	vld [tilespmem:s1+$0x10BA0];
	v44 =	vmul.f32 $8.000000000e+00, v25  }
.Ltmp4:
0x232: {  	v4 =	vld [tilespmem:s1+$0x10BB0];
	v54 =	vmul.f32 $8.000000000e+00, v24;
	[tilespmem:$0x1FE50] =	vst v2;
	v2 =	vmul.f32 $8.000000000e+00, v52;
	(pc) =	sbr.rel @p0 .LBB2_7-.Ltmp4, $4  }
0x233: {  	s29 =	sadd.s32 $0x10, s29;
	v11 =	vld [tilespmem:s1+$0x10BC0];
	v55 =	vmul.f32 $8.000000000e+00, v41;
	v41 =	vmul.f32 $8.000000000e+00, v23  }
0x234: {  	v20 =	vld [tilespmem:s29+$0x0];
	v40 =	vmul.f32 $8.000000000e+00, v43;
	[tilespmem:$0x1FE70] =	vst v2;
	v2 =	vmul.f32 $8.000000000e+00, v50  }
0x235: {  	v23 =	vld [tilespmem:s1+$0x10BD0];
	v56 =	vmul.f32 $8.000000000e+00, v26;
	v43 =	vmul.f32 $8.000000000e+00, v47;
	v51 =	vimm.s32 $0x2  }
0x236: {  	s2 =	sadd.s32 $0x1000, s2;
	v52 =	vimm.s32 $0x0;
	v50 =	vmul.f32 $8.000000000e+00, v42;
	v42 =	vmul.f32 $8.000000000e+00, v49;
	[tilespmem:$0x1FE80] =	vst v2;
	v2 =	vld [tilespmem:s1+$0x10B80]  }
0x237: {  	_ =	sdelay $0x1  }
0x238: {  	v24 =	vperm.xlane v20, v52;
	_ =	sdelay $0x1  }
0x239: {  	v25 =	vmul.f32 v24, v16  }
0x23a: {  	v47 =	vimm.s32 $0x1;
	v26 =	vmul.f32 v24, v17  }
0x23b: {  	v39 =	vmul.f32 v24, v18;
	v14 =	vadd.f32 v14, v25;
	v25 =	vperm.xlane v20, v47  }
0x23c: {  	v24 =	vmul.f32 v24, v19;
	v15 =	vadd.f32 v15, v26  }
0x23d: {  	v1 =	vadd.f32 v1, v39;
	[tilespmem:s1+$0x18800] =	vst v14;
	v49 =	vmul.f32 v25, v16  }
0x23e: {  	v24 =	vadd.f32 v60, v24;
	[tilespmem:s1+$0x18810] =	vst v15;
	v15 =	vmul.f32 v25, v17  }
0x23f: {  	[tilespmem:s1+$0x18820] =	vst v1;
	v60 =	vmul.f32 v25, v18;
	v14 =	vadd.f32 v59, v49;
	v59 =	vperm.xlane v20, v51  }
0x240: {  	[tilespmem:s1+$0x18830] =	vst v24;
	v13 =	vadd.f32 v13, v15;
	v15 =	vmul.f32 v25, v19  }
0x241: {  	v1 =	vadd.f32 v12, v60;
	[tilespmem:s1+$0x18840] =	vst v14;
	v24 =	vmul.f32 v59, v16  }
0x242: {  	v39 =	vimm.s32 $0x3;
	v9 =	vadd.f32 v9, v15;
	[tilespmem:s1+$0x18850] =	vst v13;
	v25 =	vmul.f32 v59, v17  }
0x243: {  	v12 =	vperm.xlane v20, v39;
	[tilespmem:s1+$0x18860] =	vst v1;
	v47 =	vmul.f32 v59, v18;
	v8 =	vadd.f32 v8, v24  }
0x244: {  	v49 =	vmul.f32 v59, v19;
	v6 =	vadd.f32 v6, v25;
	[tilespmem:s1+$0x18870] =	vst v9  }
0x245: {  	v51 =	vmul.f32 v12, v16;
	v1 =	vadd.f32 v5, v47;
	[tilespmem:s1+$0x18880] =	vst v8  }
0x246: {  	v60 =	vmul.f32 v12, v18;
	v3 =	vadd.f32 v3, v49;
	v9 =	vimm.s32 $0x4;
	[tilespmem:s1+$0x18890] =	vst v6  }
0x247: {  	v59 =	vmul.f32 v12, v17;
	v0 =	vadd.f32 v0, v51;
	[tilespmem:s1+$0x188A0] =	vst v1;
	v1 =	vperm.xlane v20, v9  }
0x248: {  	v12 =	vmul.f32 v12, v19;
	v5 =	vadd.f32 v62, v60;
	[tilespmem:s1+$0x188B0] =	vst v3  }
0x249: {  	v6 =	vadd.f32 v63, v59;
	[tilespmem:s1+$0x188C0] =	vst v0;
	v13 =	vmul.f32 v1, v16  }
0x24a: {  	v24 =	vimm.s32 $0x5;
	v3 =	vadd.f32 v61, v12;
	[tilespmem:s1+$0x188E0] =	vst v5;
	v14 =	vmul.f32 v1, v17  }
0x24b: {  	v8 =	vperm.xlane v20, v24;
	[tilespmem:s1+$0x188D0] =	vst v6;
	v25 =	vmul.f32 v1, v18;
	v0 =	vadd.f32 v58, v13  }
0x24c: {  	[tilespmem:s1+$0x188F0] =	vst v3;
	v1 =	vmul.f32 v1, v19;
	v6 =	vadd.f32 v57, v14  }
0x24d: {  	v39 =	vmul.f32 v8, v17;
	v26 =	vadd.f32 v38, v25;
	[tilespmem:s1+$0x18900] =	vst v0  }
0x24e: {  	v49 =	vimm.s32 $0x6;
	v38 =	vmul.f32 v8, v16;
	v1 =	vadd.f32 v36, v1;
	[tilespmem:s1+$0x18910] =	vst v6  }
0x24f: {  	v47 =	vmul.f32 v8, v18;
	v3 =	vperm.xlane v20, v49;
	v5 =	vadd.f32 v53, v39;
	[tilespmem:s1+$0x18920] =	vst v26  }
0x250: {  	v51 =	vmul.f32 v8, v19;
	v0 =	vadd.f32 v35, v38;
	[tilespmem:s1+$0x18930] =	vst v1  }
0x251: {  	v57 =	vmul.f32 v3, v17;
	v6 =	vadd.f32 v34, v47;
	[tilespmem:s1+$0x18950] =	vst v5  }
0x252: {  	v24 =	vld [tilespmem:$0x1FDC0];
	v58 =	vimm.s32 $0x7;
	v59 =	vmul.f32 v3, v18;
	v1 =	vadd.f32 v33, v51;
	[tilespmem:s1+$0x18940] =	vst v0  }
0x253: {  	v12 =	vld [tilespmem:$0x1FDB0];
	v53 =	vmul.f32 v3, v16;
	v8 =	vperm.xlane v20, v58;
	v5 =	vadd.f32 v29, v57;
	[tilespmem:s1+$0x18960] =	vst v6  }
0x254: {  	v60 =	vmul.f32 v3, v19;
	v61 =	vadd.f32 v48, v59;
	v26 =	vld [tilespmem:$0x1FDD0];
	[tilespmem:s1+$0x18970] =	vst v1  }
0x255: {  	v13 =	vimm.s32 $0x8;
	v63 =	vmul.f32 v8, v17;
	v0 =	vadd.f32 v37, v53;
	[tilespmem:s1+$0x18990] =	vst v5  }
0x256: {  	v62 =	vmul.f32 v8, v16;
	v1 =	vadd.f32 v31, v60;
	v6 =	vperm.xlane v20, v13;
	[tilespmem:s1+$0x189A0] =	vst v61;
	v31 =	vld [tilespmem:$0x1FDE0]  }
0x257: {  	v36 =	vld [tilespmem:$0x1FDF0];
	v14 =	vmul.f32 v8, v18;
	v5 =	vadd.f32 v24, v63;
	[tilespmem:s1+$0x18980] =	vst v0  }
0x258: {  	v47 =	vld [tilespmem:$0x1FE10];
	v0 =	vadd.f32 v12, v62;
	[tilespmem:s1+$0x189B0] =	vst v1;
	v29 =	vmul.f32 v6, v16  }
0x259: {  	v38 =	vld [tilespmem:$0x1FE00];
	v25 =	vmul.f32 v8, v19;
	v3 =	vadd.f32 v26, v14;
	[tilespmem:s1+$0x189D0] =	vst v5  }
0x25a: {  	v49 =	vld [tilespmem:$0x1FE30];
	v35 =	vimm.s32 $0x9;
	v33 =	vmul.f32 v6, v17;
	[tilespmem:s1+$0x189C0] =	vst v0;
	v0 =	vadd.f32 v32, v29  }
0x25b: {  	v51 =	vld [tilespmem:$0x1FE50];
	v37 =	vmul.f32 v6, v19;
	v1 =	vadd.f32 v31, v25;
	[tilespmem:s1+$0x189E0] =	vst v3;
	v3 =	vperm.xlane v20, v35  }
0x25c: {  	v59 =	vld [tilespmem:$0x1FE70];
	v34 =	vmul.f32 v6, v18;
	v5 =	vadd.f32 v36, v33;
	[tilespmem:s1+$0x18A00] =	vst v0  }
0x25d: {  	v62 =	vld [tilespmem:$0x1FE80];
	[tilespmem:s1+$0x189F0] =	vst v1;
	v39 =	vmul.f32 v3, v16;
	v1 =	vadd.f32 v47, v37  }
0x25e: {  	v57 =	vimm.s32 $0xA;
	v6 =	vadd.f32 v38, v34;
	[tilespmem:s1+$0x18A10] =	vst v5;
	v48 =	vmul.f32 v3, v17  }
0x25f: {  	v53 =	vmul.f32 v3, v18;
	v0 =	vadd.f32 v49, v39;
	[tilespmem:s1+$0x18A30] =	vst v1;
	v1 =	vperm.xlane v20, v57  }
0x260: {  	[tilespmem:s1+$0x18A20] =	vst v6;
	v58 =	vmul.f32 v3, v19;
	v5 =	vadd.f32 v51, v48  }
0x261: {  	v14 =	vimm.s32 $0xB;
	v3 =	vadd.f32 v59, v53;
	[tilespmem:s1+$0x18A40] =	vst v0;
	v60 =	vmul.f32 v1, v16  }
0x262: {  	v31 =	vimm.s32 $0xC;
	[tilespmem:s1+$0x18A50] =	vst v5;
	v0 =	vadd.f32 v62, v58;
	v63 =	vmul.f32 v1, v17  }
0x263: {  	v9 =	vperm.xlane v20, v31;
	[tilespmem:s1+$0x18A60] =	vst v3;
	v24 =	vmul.f32 v1, v18;
	v5 =	vadd.f32 v56, v60  }
0x264: {  	v3 =	vperm.xlane v20, v14;
	v26 =	vmul.f32 v1, v19;
	v8 =	vadd.f32 v28, v63;
	[tilespmem:s1+$0x18A70] =	vst v0  }
0x265: {  	v34 =	vmul.f32 v9, v16;
	v28 =	vadd.f32 v27, v24;
	[tilespmem:s1+$0x18A80] =	vst v5  }
0x266: {  	v29 =	vmul.f32 v3, v16;
	v0 =	vadd.f32 v30, v26;
	v30 =	vmul.f32 v3, v17;
	[tilespmem:s1+$0x18A90] =	vst v8  }
0x267: {  	v32 =	vmul.f32 v3, v18;
	v33 =	vmul.f32 v3, v19;
	v3 =	vadd.f32 v45, v34;
	[tilespmem:s1+$0x18AA0] =	vst v28  }
0x268: {  	v5 =	vadd.f32 v55, v29;
	[tilespmem:s1+$0x18AB0] =	vst v0  }
0x269: {  	v7 =	vmul.f32 $8.000000000e+00, v7;
	v1 =	vadd.f32 v50, v32;
	[tilespmem:s1+$0x18B00] =	vst v3  }
0x26a: {  	v37 =	vimm.s32 $0xD;
	v35 =	vmul.f32 v9, v17;
	v8 =	vadd.f32 v54, v30;
	[tilespmem:s1+$0x18AC0] =	vst v5  }
0x26b: {  	v36 =	vmul.f32 v9, v18;
	v0 =	vadd.f32 v46, v33;
	[tilespmem:s1+$0x18AE0] =	vst v1;
	v1 =	vperm.xlane v20, v37  }
0x26c: {  	v38 =	vmul.f32 v9, v19;
	v48 =	vmul.f32 $8.000000000e+00, v10;
	[tilespmem:s1+$0x18AD0] =	vst v8;
	v5 =	vadd.f32 v44, v35  }
0x26d: {  	v46 =	vmul.f32 $8.000000000e+00, v2;
	[tilespmem:s1+$0x18AF0] =	vst v0;
	v8 =	vadd.f32 v42, v36;
	v39 =	vmul.f32 v1, v16  }
0x26e: {  	v0 =	vadd.f32 v41, v38;
	v44 =	vimm.s32 $0xE;
	[tilespmem:s1+$0x18B10] =	vst v5;
	v42 =	vmul.f32 v1, v17  }
0x26f: {  	v13 =	vperm.xlane v20, v44;
	[tilespmem:s1+$0x18B20] =	vst v8;
	v45 =	vmul.f32 v1, v18;
	v3 =	vadd.f32 v40, v39  }
0x270: {  	v41 =	vmul.f32 $8.000000000e+00, v21;
	[tilespmem:s1+$0x18B30] =	vst v0;
	v1 =	vmul.f32 v1, v19;
	v5 =	vadd.f32 v43, v42  }
0x271: {  	v50 =	vmul.f32 $8.000000000e+00, v22;
	v49 =	vmul.f32 v13, v16;
	v47 =	vadd.f32 v7, v45;
	[tilespmem:s1+$0x18B40] =	vst v3  }
0x272: {  	v61 =	vld [tilespmem:s1+$0x10BE0];
	v54 =	vimm.s32 $0xF;
	v53 =	vmul.f32 v13, v18;
	v1 =	vadd.f32 v41, v1;
	[tilespmem:s1+$0x18B50] =	vst v5  }
0x273: {  	v25 =	vld [tilespmem:s1+$0x10BF0];
	v51 =	vmul.f32 v13, v17;
	v0 =	vadd.f32 v46, v49;
	[tilespmem:s1+$0x18B60] =	vst v47;
	v3 =	vperm.xlane v20, v54  }
0x274: {  	v55 =	vmul.f32 $8.000000000e+00, v4;
	v56 =	vmul.f32 v13, v19;
	v2 =	vadd.f32 v50, v53;
	[tilespmem:s1+$0x18B70] =	vst v1  }
0x275: {  	v57 =	vmul.f32 $8.000000000e+00, v11;
	v5 =	vadd.f32 v48, v51;
	[tilespmem:s1+$0x18B80] =	vst v0;
	v58 =	vmul.f32 v3, v16  }
0x276: {  	v59 =	vmul.f32 $8.000000000e+00, v23;
	v1 =	vadd.f32 v55, v56;
	[tilespmem:s1+$0x18BA0] =	vst v2;
	v60 =	vmul.f32 v3, v17  }
0x277: {  	v6 =	vmul.f32 $8.000000000e+00, v61;
	[tilespmem:s1+$0x18B90] =	vst v5;
	v61 =	vmul.f32 v3, v18;
	v0 =	vadd.f32 v57, v58  }
0x278: {  	v62 =	vmul.f32 $8.000000000e+00, v25;
	[tilespmem:s1+$0x18BB0] =	vst v1;
	v3 =	vmul.f32 v3, v19;
	v4 =	vadd.f32 v59, v60  }
.Ltmp5:
0x279: {  	s0 =	sshll.u32 s0, $0xE;
	v2 =	vadd.f32 v6, v61;
	[tilespmem:s1+$0x18BC0] =	vst v0;
	(pc) =	sbr.rel @p1 .LBB2_10-.Ltmp5, $4  }
0x27a: {  	s0 =	sadd.s32 s8, s0;
	v63 =	vadd.f32 v62, v3;
	[tilespmem:s1+$0x18BD0] =	vst v4  }
0x27b: {  	s0 =	sshrl.u32 s0, $0x3;
	[tilespmem:s1+$0x18BE0] =	vst v2  }
0x27c: {  	s0 =	sadd.s32 s3, s0;
	[tilespmem:s1+$0x18BF0] =	vst v63  }
0x27d: {  	v50 =	vimm.s32 $0x1;
	v55 =	vimm.s32 $0x3;
	[hbm4b:s0+s4] =	stream.linear.scatter [tilespmem:s23], [sflag:$0x4], $0x4000, $0x38;
	[tilespmem:$0x1C840] =	vst v63  }
.Ltmp6:
0x27e: {  	s0 =	sshrl.u32 s31, $0x2;
	(pc) =	sbr.rel .LBB2_4-.Ltmp6, $4  }
0x27f: {  	s28 =	sadd.s32 $0x1, s28;
	s1 =	sadd.s32 $0x300, s0  }
0x280: {  	[tilespmem:s17], [sflag:$0x2] =	stream.indirect.gather [hbm4b:s5+s13], $0x40, s1, s13, $0xb8;
	[tilespmem:$0x1C840] =	vst v63  }
0x281: {  	s10 =	sadd.s32 $0x200, s10;
	s30 =	sadd.s32 $0x200, s30;
	s0 =	sadd.s32 $0x380, s0  }
0x282: {  	[tilespmem:s19], [sflag:$0x2] =	stream.indirect.gather [hbm4b:s5+s13], $0x40, s0, s13, $0xb8;
	[tilespmem:$0x1C840] =	vst v63  }
.LBB2_11:
0x283: {  	_ =	sfence.sel $0x180000  }
0x284: {  	[bflag:$0x0] =	sbarrier.arrive $0xFFFF  }
0x285: {  	_ =	strace $0x90000047  }
0x286: {  	s0 =	stileid.u32;
	[bflag:$0x2] =	sbarrier.arrive $0xFFFF  }
0x287: {  	p0 =	sne.s32 s0, $0x0;
	s0 =	rddreg [dreg:$0x5]  }
0x288: {  	s0 =	sadd.s32 @!p0 $0x100000, s0  }
0x289: {  	[sflag:s0] =	ssyncadd.tile.s32 @!p0 $0x1;
	_ =	shalt  }
.Lfunc_end2:
_tile_overlayer_lowered:
.L_overlay_start_2:
0x28a: {  	(tag) =	ssettag $0x2  }
0x28b: {  	s0 =	rddreg [dreg:$0x0];
	s2 =	stileid.u32  }
0x28c: {  	s1 =	rddreg [dreg:$0x1];
	p0 =	sne.s32 s2, $0x0  }
0x28d: {  	s3 =	rddreg [dreg:$0x2];
	[bflag:$0x3] =	sbarrier.arrive $0xFFFF;
	s2 =	simm.s32 @!p0 $0x1C05  }
0x28e: {  	[timem:s3], [sflag:s2] =	dma.local @!p0 [hbm:s0], s1  }
0x28f: {  	s0 =	simm.s32 @!p0 $0x5  }
0x290: {  	_ =	swait.ge @!p0 [sflag:s0], s1  }
0x291: {  	s1 =	ssub.s32 @!p0 $0x0, s1;
	[sflag:s0] =	ssyncset.done @!p0 $0x0  }
0x292: {  	[sflag:s0] =	ssyncadd.s32 @!p0 s1  }
0x293: {  	[bflag:$0x3] =	sbarrier.arrive $0xFFFF  }
0x294: {  	_ =	shalt  }

</sc_bundles>
